<compile_context>
chip_gen: v7x
topology: tpu7x:2x2x1
jax: 0.10.2.dev20260603
libtpu: 0.0.44.dev20260713+nightly
codegen_flags: <defaults>
</compile_context>

<pallas_src>
import functools

import jax
import jax.numpy as jnp
from jax import lax
from jax.experimental import pallas as pl
from jax.experimental.pallas import tpu as pltpu
from jax.experimental.pallas import tpu_sc as plsc

D = 1024
F = 4096
E = 8
T = 256
NT = 48
P = NT * T
N = 4096
NW = 32


_BI = 512


def _rank_body(capacity, p_all, r_all, p_blk, r_blk, out_ref):
    ib = pl.program_id(0)
    n = p_all.shape[1]
    pj = p_all[0, :][None, :]
    rj = r_all[0, :][None, :]
    pi = p_blk[0, :][:, None]
    ri = r_blk[0, :][:, None]
    jidx = lax.broadcasted_iota(jnp.int32, (_BI, n), 1)
    iidx = ib * _BI + lax.broadcasted_iota(jnp.int32, (_BI, n), 0)
    beats = (rj == ri) & ((pj > pi) | ((pj == pi) & (jidx < iidx)))
    rank = jnp.sum(beats.astype(jnp.int32), axis=1)
    out_ref[0, :] = (rank >= capacity).astype(jnp.int32)


def _rank_drop(p2d, r2d, capacity):
    n = p2d.shape[1]
    full = pl.BlockSpec((1, n), lambda ib: (0, 0))
    blk = pl.BlockSpec((1, _BI), lambda ib: (0, ib))
    out = pl.pallas_call(
        functools.partial(_rank_body, capacity),
        grid=(n // _BI,),
        in_specs=[full, full, blk, blk],
        out_specs=blk,
        out_shape=jax.ShapeDtypeStruct((1, n), jnp.int32),
    )(p2d, r2d, p2d, r2d)
    return out.reshape(n)


def _routing(h, Wsc, bsc, Wsu, bsu):
    n = h.shape[0]
    capacity = int(0.8 * n / E)

    probs_c = jax.nn.softmax(h @ Wsc + bsc, axis=-1)
    p_max_c = jnp.max(probs_c, axis=-1)
    routes_c = jnp.argmax(probs_c, axis=-1).astype(jnp.int32)
    probs_u = jax.nn.softmax(h @ Wsu + bsu, axis=-1)
    routes_u = jnp.argmax(probs_u, axis=-1).astype(jnp.int32)

    tok = jnp.arange(n, dtype=jnp.int32)
    dropped = _rank_drop(p_max_c.reshape(1, n), routes_c.reshape(1, n),
                         capacity) != 0
    counts_c = jnp.bincount(routes_c, length=E).astype(jnp.int32)

    oh_c = (routes_c[:, None] == jnp.arange(E, dtype=jnp.int32)[None, :])
    rank_c = jnp.take_along_axis(
        jnp.cumsum(oh_c.astype(jnp.int32), axis=0), routes_c[:, None], 1
    )[:, 0] - 1
    oh_u = (routes_u[:, None] ==
            jnp.arange(E, dtype=jnp.int32)[None, :]) & dropped[:, None]
    cs_u = jnp.cumsum(oh_u.astype(jnp.int32), axis=0)
    rank_u = jnp.take_along_axis(cs_u, routes_u[:, None], 1)[:, 0] - 1
    counts_u = cs_u[-1]

    tiles_c = (counts_c + T - 1) // T
    tiles_u = (counts_u + T - 1) // T
    cumt_c = jnp.cumsum(tiles_c)
    cumt_u = jnp.cumsum(tiles_u)
    total_tc = cumt_c[-1]
    total_tu = cumt_u[-1]
    base_c = (1 + cumt_c - tiles_c) * T
    base_u = (1 + total_tc + cumt_u - tiles_u) * T
    pos_c = base_c[routes_c] + rank_c
    pos_u = jnp.where(dropped, base_u[routes_u] + rank_u, 0)

    pad_spread = jnp.arange(P, dtype=jnp.int32) % n
    idx_x = (pad_spread
             .at[pos_c].set(tok)
             .at[jnp.where(dropped, pos_u, P)].set(tok))

    pos_u_g = jnp.where(dropped, pos_u, tok % T)

    s = jnp.arange(NT, dtype=jnp.int32)
    is_c = ((s >= 1) & (s - 1 < total_tc)).astype(jnp.int32)
    is_u = ((s >= 1 + total_tc) &
            (s - 1 - total_tc < total_tu)).astype(jnp.int32)
    e_c = jnp.clip(jnp.searchsorted(cumt_c, s - 1, side='right'), 0, E - 1)
    e_u = jnp.clip(jnp.searchsorted(cumt_u, s - 1 - total_tc, side='right'),
                   0, E - 1)
    ex_c = lax.cummax(jnp.where(is_c == 1, e_c, 0).astype(jnp.int32))
    ex_u = lax.cummax(jnp.where(is_u == 1, e_u, 0).astype(jnp.int32))
    wr = ((is_c == 1) | (is_u == 1) | (s == 0)).astype(jnp.int32)
    row = lax.cummax(jnp.where(wr == 1, s, 0).astype(jnp.int32))

    rows_used = jnp.full((16,), (1 + total_tc + total_tu) * T, jnp.int32)

    return (idx_x, pos_c, pos_u_g, ex_c, ex_u, is_c, is_u, wr, row,
            rows_used)


def _sc_gather(table, idx, n_rows, chunk, bound=None):
    rows_per_w = n_rows // NW
    n_chunks = rows_per_w // chunk
    mesh = plsc.VectorSubcoreMesh(core_axis_name="c", subcore_axis_name="s")
    dyn = bound is not None

    scratch = [
        pltpu.VMEM((rows_per_w,), jnp.int32),
        pltpu.VMEM((chunk, D), jnp.float32),
        pltpu.VMEM((chunk, D), jnp.float32),
        pltpu.SemaphoreType.DMA,
        pltpu.SemaphoreType.DMA,
        pltpu.SemaphoreType.DMA,
        pltpu.SemaphoreType.DMA,
    ]
    if dyn:
        scratch.append(pltpu.VMEM((16,), jnp.int32))

    @functools.partial(
        pl.kernel, mesh=mesh,
        out_type=jax.ShapeDtypeStruct((n_rows, D), jnp.float32),
        scratch_types=scratch,
    )
    def k(*refs):
        if dyn:
            (table_hbm, idx_hbm, bound_hbm, out_hbm,
             idx_v, rows0, rows1, g0, g1, s0, s1, bnd_v) = refs
        else:
            (table_hbm, idx_hbm, out_hbm,
             idx_v, rows0, rows1, g0, g1, s0, s1) = refs
        wid = lax.axis_index("s") * 2 + lax.axis_index("c")
        base = wid * rows_per_w
        if dyn:
            pltpu.sync_copy(bound_hbm, bnd_v)
            my_rows = jnp.clip(bnd_v[...][0] - base, 0, rows_per_w)
        else:
            my_rows = rows_per_w
        pltpu.sync_copy(idx_hbm.at[pl.ds(base, rows_per_w)], idx_v)

        rows = (rows0, rows1)
        gsem = (g0, g1)
        ssem = (s0, s1)

        def g_copy(j):
            b = j % 2
            return pltpu.make_async_copy(
                table_hbm.at[idx_v.at[pl.ds(j * chunk, chunk)]],
                rows[b], gsem[b])

        def s_copy(j):
            b = j % 2
            return pltpu.make_async_copy(
                rows[b], out_hbm.at[pl.ds(base + j * chunk, chunk)], ssem[b])

        def act(j):
            return j * chunk < my_rows

        @pl.when(act(0))
        def _():
            g_copy(0).start()

        for j in range(n_chunks):
            @pl.when(act(j))
            def _(j=j):
                g_copy(j).wait()

            if j >= 1:
                @pl.when(act(j - 1))
                def _(j=j):
                    s_copy(j - 1).wait()

            if j + 1 < n_chunks:
                @pl.when(act(j + 1))
                def _(j=j):
                    g_copy(j + 1).start()

            @pl.when(act(j))
            def _(j=j):
                s_copy(j).start()

        @pl.when(act(n_chunks - 1))
        def _():
            s_copy(n_chunks - 1).wait()

    if dyn:
        return k(table, idx, bound)
    return k(table, idx)


def _ffn1_body(ex_c, ex_u, is_c, is_u, wr, row,
               x_ref, w1c, b1c, w1u, b1u, h_ref):
    t = pl.program_id(1)

    def go(w1, b1):
        x = x_ref[...]
        for sub in range(2):
            sl = pl.ds(sub * 1024, 1024)
            a = jnp.dot(x, w1[0, :, sl], preferred_element_type=jnp.float32)
            g = jax.nn.gelu(a + b1[0, :, sl])
            h_ref[:, sl] = g.astype(jnp.bfloat16)

    @pl.when(is_c[t] == 1)
    def _():
        go(w1c, b1c)

    @pl.when(is_u[t] == 1)
    def _():
        go(w1u, b1u)


def _ffn1(x, Wc1, b1c3, Wu1, b1u3, scalars):
    grid_spec = pltpu.PrefetchScalarGridSpec(
        num_scalar_prefetch=6,
        grid=(2, NT),
        in_specs=[
            pl.BlockSpec((T, D),
                         lambda fh, t, exc, exu, ic, iu, w, r: (r[t], 0)),
            pl.BlockSpec((1, D, F // 2),
                         lambda fh, t, exc, *_: (exc[t], 0, fh)),
            pl.BlockSpec((1, 1, F // 2),
                         lambda fh, t, exc, *_: (exc[t], 0, fh)),
            pl.BlockSpec((1, D, F // 2),
                         lambda fh, t, exc, exu, *_: (exu[t], 0, fh)),
            pl.BlockSpec((1, 1, F // 2),
                         lambda fh, t, exc, exu, *_: (exu[t], 0, fh)),
        ],
        out_specs=pl.BlockSpec(
            (T, F // 2), lambda fh, t, exc, exu, ic, iu, w, r: (r[t], fh)),
    )
    return pl.pallas_call(
        _ffn1_body,
        grid_spec=grid_spec,
        out_shape=jax.ShapeDtypeStruct((P, F), jnp.bfloat16),
        compiler_params=pltpu.CompilerParams(
            vmem_limit_bytes=60 * 1024 * 1024),
    )(*scalars, x, Wc1, b1c3, Wu1, b1u3)


def _ffn2_body(ex_c, ex_u, is_c, is_u, wr, row,
               h_ref, w2c, b2c, w2u, b2u, out_ref):
    t = pl.program_id(1)

    @pl.when(is_c[t] == 1)
    def _():
        out_ref[...] = jnp.dot(h_ref[...].astype(jnp.float32), w2c[0],
                               preferred_element_type=jnp.float32) + b2c[0]

    @pl.when(is_u[t] == 1)
    def _():
        out_ref[...] = jnp.dot(h_ref[...].astype(jnp.float32), w2u[0],
                               preferred_element_type=jnp.float32) + b2u[0]

    @pl.when((is_c[t] == 0) & (is_u[t] == 0) & (wr[t] == 1))
    def _():
        out_ref[...] = jnp.zeros_like(out_ref)


def _ffn2(hmat, Wc2, b2c3, Wu2, b2u3, scalars):
    grid_spec = pltpu.PrefetchScalarGridSpec(
        num_scalar_prefetch=6,
        grid=(2, NT),
        in_specs=[
            pl.BlockSpec((T, F),
                         lambda dh, t, exc, exu, ic, iu, w, r: (r[t], 0)),
            pl.BlockSpec((1, F, D // 2),
                         lambda dh, t, exc, *_: (exc[t], 0, dh)),
            pl.BlockSpec((1, 1, D // 2),
                         lambda dh, t, exc, *_: (exc[t], 0, dh)),
            pl.BlockSpec((1, F, D // 2),
                         lambda dh, t, exc, exu, *_: (exu[t], 0, dh)),
            pl.BlockSpec((1, 1, D // 2),
                         lambda dh, t, exc, exu, *_: (exu[t], 0, dh)),
        ],
        out_specs=pl.BlockSpec(
            (T, D // 2), lambda dh, t, exc, exu, ic, iu, w, r: (r[t], dh)),
    )
    return pl.pallas_call(
        _ffn2_body,
        grid_spec=grid_spec,
        out_shape=jax.ShapeDtypeStruct((P, D), jnp.float32),
        compiler_params=pltpu.CompilerParams(
            vmem_limit_bytes=60 * 1024 * 1024),
    )(*scalars, hmat, Wc2, b2c3, Wu2, b2u3)


def _add_body(a_ref, b_ref, o_ref):
    o_ref[...] = a_ref[...] + b_ref[...]


def _combine(tmp):
    return pl.pallas_call(
        _add_body,
        grid=(N // T,),
        in_specs=[
            pl.BlockSpec((T, D), lambda i: (i, 0)),
            pl.BlockSpec((T, D), lambda i: (i + N // T, 0)),
        ],
        out_specs=pl.BlockSpec((T, D), lambda i: (i, 0)),
        out_shape=jax.ShapeDtypeStruct((N, D), jnp.float32),
    )(tmp, tmp)


def kernel(hidden_states, Wsc, bsc, Wsu, bsu, Wc1, bc1, Wc2, bc2,
           Wu1, bu1, Wu2, bu2):
    h = hidden_states.reshape(-1, D)
    (idx_x, pos_c, pos_u_g, ex_c, ex_u, is_c, is_u, wr, row,
     rows_used) = _routing(h, Wsc, bsc, Wsu, bsu)

    h, idx_x, rows_used = lax.optimization_barrier((h, idx_x, rows_used))
    x = _sc_gather(h, idx_x, P, 48, bound=rows_used)

    scalars = (ex_c, ex_u, is_c, is_u, wr, row)
    hmat = _ffn1(x, Wc1, bc1.reshape(E, 1, F), Wu1, bu1.reshape(E, 1, F),
                 scalars)
    out_sorted = _ffn2(hmat, Wc2, bc2.reshape(E, 1, D),
                       Wu2, bu2.reshape(E, 1, D), scalars)

    pos_all = jnp.concatenate([pos_c, pos_u_g]).astype(jnp.int32)
    out_sorted, pos_all = lax.optimization_barrier((out_sorted, pos_all))
    tmp = _sc_gather(out_sorted, pos_all, 2 * N, 32)

    final = _combine(tmp)
    return final.reshape(hidden_states.shape)

# --- scband reference (transcript-rebuilt; emitter-appended) ---
"""Pipeline reference for scband-tail-feed-forward-9929964389245 (READ-ONLY COPY).

The authoritative reference and input builder live on the scoring server;
editing this copy changes nothing except your own understanding.
"""

import jax, jax.numpy as jnp
import numpy as np

D = 1024
F = 4096
EC = 8
EU = 8
CAP = 0.8

def _ffn(x, w1, b1, w2, b2):
    return jax.nn.gelu(x @ w1 + b1) @ w2 + b2

def setup_inputs(seed: int = 0) -> dict:
    key = jax.random.key(seed)
    ks = jax.random.split(key, 14)
    s = 0.02
    return {
        "hidden_states": jax.random.normal(ks[0], (2, 2048, D), dtype=jnp.float32),
        "Wsc": jax.random.normal(ks[1], (D, EC), dtype=jnp.float32) * s,
        "bsc": jnp.zeros((EC,), dtype=jnp.float32),
        "Wsu": jax.random.normal(ks[2], (D, EU), dtype=jnp.float32) * s,
        "bsu": jnp.zeros((EU,), dtype=jnp.float32),
        "Wc1": jax.random.normal(ks[3], (EC, D, F), dtype=jnp.float32) * s,
        "bc1": jnp.zeros((EC, F), dtype=jnp.float32),
        "Wc2": jax.random.normal(ks[4], (EC, F, D), dtype=jnp.float32) * s,
        "bc2": jnp.zeros((EC, D), dtype=jnp.float32),
        "Wu1": jax.random.normal(ks[5], (EU, D, F), dtype=jnp.float32) * s,
        "bu1": jnp.zeros((EU, F), dtype=jnp.float32),
        "Wu2": jax.random.normal(ks[6], (EU, F, D), dtype=jnp.float32) * s,
        "bu2": jnp.zeros((EU, D), dtype=jnp.float32),
    }

def reference(hidden_states, Wsc, bsc, Wsu, bsu, Wc1, bc1, Wc2, bc2, Wu1, bu1, Wu2, bu2):
    h = hidden_states.reshape(-1, hidden_states.shape[-1])
    N = h.shape[0]
    # ---- common routing ----
    probs_c = jax.nn.softmax(h @ Wsc + bsc, axis=-1)
    p_max_c = jnp.max(probs_c, axis=-1)
    routes_c = jnp.argmax(probs_c, axis=-1)
    capacity = int(CAP * N / EC)
    dropped_mask = jnp.zeros((N,), dtype=bool)
    for i in range(EC):
        member = routes_c == i
        scores = jnp.where(member, p_max_c, -jnp.inf)
        order = jnp.argsort(-scores)
        rank = jnp.zeros((N,), dtype=jnp.int32).at[order].set(jnp.arange(N, dtype=jnp.int32))
        dropped_mask = dropped_mask | (member & (rank >= capacity))
    # ---- common expert forward (note: clusters NOT truncated, matching torch code) ----
    out_c = jnp.zeros_like(h)
    for i in range(EC):
        member = (routes_c == i)[:, None]
        out_c = jnp.where(member, _ffn(h, Wc1[i], bc1[i], Wc2[i], bc2[i]), out_c)
    scale_c = (p_max_c / jax.lax.stop_gradient(p_max_c))[:, None]
    out_c = out_c * scale_c
    probs_u = jax.nn.softmax(h @ Wsu + bsu, axis=-1)
    p_max_u = jnp.max(probs_u, axis=-1)
    routes_u = jnp.argmax(probs_u, axis=-1)
    out_u = jnp.zeros_like(h)
    for i in range(EU):
        member_u = (routes_u == i)[:, None]
        out_u = jnp.where(member_u, _ffn(h, Wu1[i], bu1[i], Wu2[i], bu2[i]), out_u)
    out_u = out_u * (p_max_u / jax.lax.stop_gradient(p_max_u))[:, None]
    final = out_c + jnp.where(dropped_mask[:, None], out_u, jnp.zeros_like(out_u))
    return final.reshape(hidden_states.shape)

if __name__ == "__main__":
    import jax
    _d = setup_inputs()
    print(jax.jit(kernel)(*tuple(_d.values())))

</pallas_src>

<mosaic_0001>
#map = affine_map<(d0, d1) -> (0, 0)>
#map1 = affine_map<(d0, d1) -> (0)>
module attributes {stable_mosaic.version = 14 : i64} {
  func.func @k(%arg0: i32, %arg1: i32, %arg2: memref<12288x1024xf32, #tpu.memory_space<hbm>>, %arg3: memref<8192xi32, #tpu.memory_space<hbm>>, %arg4: memref<8192x1024xf32, #tpu.memory_space<hbm>>, %arg5: memref<256xi32, #tpu.memory_space<vmem>>, %arg6: memref<32x1024xf32, #tpu.memory_space<vmem>>, %arg7: memref<32x1024xf32, #tpu.memory_space<vmem>>, %arg8: memref<!tpu.dma_semaphore, #tpu.memory_space<semaphore_mem>>, %arg9: memref<!tpu.dma_semaphore, #tpu.memory_space<semaphore_mem>>, %arg10: memref<!tpu.dma_semaphore, #tpu.memory_space<semaphore_mem>>, %arg11: memref<!tpu.dma_semaphore, #tpu.memory_space<semaphore_mem>>) attributes {dimension_semantics = [#tpu.dimension_semantics<core_parallel>, #tpu.dimension_semantics<subcore_parallel>], iteration_bounds = array<i64: 2, 16>, scalar_prefetch = 0 : i64, scratch_operands = 7 : i64, tpu.core_type = #tpu.core_type<sc_vector_subcore>, window_params = [{transform_indices = #map}, {transform_indices = #map1}, {transform_indices = #map}]} {
    %mul3A = arith.constant 2 : i32
    %mul3A_0 = arith.muli %arg1, %mul3A : i32
    %add3A = arith.addi %mul3A_0, %arg0 : i32
    %mul3A_1 = arith.constant 256 : i32
    %mul3A_2 = arith.muli %add3A, %mul3A_1 : i32
    "tpu.region"() ({
      %run_scoped3A = tpu.sem_alloc : memref<!tpu.dma_semaphore, #tpu.memory_space<semaphore_mem>>
      %dma_start3A_177 = tpu.memref_slice %arg3[%mul3A_2] : memref<8192xi32, #tpu.memory_space<hbm>> -> memref<256xi32, #tpu.memory_space<hbm>>
      %dma_start3A_178 = tpu.memref_slice %arg3[%mul3A_2] : memref<8192xi32, #tpu.memory_space<hbm>> -> memref<256xi32, #tpu.memory_space<hbm>>
      tpu.enqueue_dma source(%dma_start3A_178 : memref<256xi32, #tpu.memory_space<hbm>>) target(%arg5 : memref<256xi32, #tpu.memory_space<vmem>>) target_semaphore(%run_scoped3A : memref<!tpu.dma_semaphore, #tpu.memory_space<semaphore_mem>>)
      %dma_wait3A_179 = tpu.memref_slice %arg3[%mul3A_2] : memref<8192xi32, #tpu.memory_space<hbm>> -> memref<256xi32, #tpu.memory_space<hbm>>
      %dma_wait3A_180 = tpu.memref_slice %arg3[%mul3A_2] : memref<8192xi32, #tpu.memory_space<hbm>> -> memref<256xi32, #tpu.memory_space<hbm>>
      tpu.wait_dma2 semaphore(%run_scoped3A : memref<!tpu.dma_semaphore, #tpu.memory_space<semaphore_mem>>) src(%dma_wait3A_180 : memref<256xi32, #tpu.memory_space<hbm>>) dst(%arg5 : memref<256xi32, #tpu.memory_space<vmem>>)
      tpu.yield
    }) : () -> ()
    %dma_start3A = arith.constant 0 : i32
    %dma_start3A_3 = tpu.memref_slice %arg5[%dma_start3A] : memref<256xi32, #tpu.memory_space<vmem>> -> memref<32xi32, #tpu.memory_space<vmem>>
    %dma_start3A_4 = arith.constant 0 : i32
    %dma_start3A_5 = arith.constant 0 : i32
    %dma_start3A_6 = tpu.memref_slice %arg2[%dma_start3A_4, %dma_start3A_5] : memref<12288x1024xf32, #tpu.memory_space<hbm>> -> memref<12288x1024xf32, #tpu.memory_space<hbm>>
    tpu.enqueue_indirect_dma source(%dma_start3A_6 : memref<12288x1024xf32, #tpu.memory_space<hbm>>) target(%arg6 : memref<32x1024xf32, #tpu.memory_space<vmem>>) offsets(%dma_start3A_3 : memref<32xi32, #tpu.memory_space<vmem>>) semaphore(%arg8 : memref<!tpu.dma_semaphore, #tpu.memory_space<semaphore_mem>>)
    %dma_wait3A = arith.constant 0 : i32
    %dma_wait3A_7 = tpu.memref_slice %arg5[%dma_wait3A] : memref<256xi32, #tpu.memory_space<vmem>> -> memref<32xi32, #tpu.memory_space<vmem>>
    %dma_wait3A_8 = arith.constant 0 : i32
    %dma_wait3A_9 = arith.constant 0 : i32
    %dma_wait3A_10 = tpu.memref_slice %arg2[%dma_wait3A_8, %dma_wait3A_9] : memref<12288x1024xf32, #tpu.memory_space<hbm>> -> memref<12288x1024xf32, #tpu.memory_space<hbm>>
    tpu.wait_indirect_dma semaphore(%arg8 : memref<!tpu.dma_semaphore, #tpu.memory_space<semaphore_mem>>) src(%dma_wait3A_10 : memref<12288x1024xf32, #tpu.memory_space<hbm>>) dst(%arg6 : memref<32x1024xf32, #tpu.memory_space<vmem>>)
    %dma_start3A_11 = arith.constant 32 : i32
    %dma_start3A_12 = tpu.memref_slice %arg5[%dma_start3A_11] : memref<256xi32, #tpu.memory_space<vmem>> -> memref<32xi32, #tpu.memory_space<vmem>>
    %dma_start3A_13 = arith.constant 0 : i32
    %dma_start3A_14 = arith.constant 0 : i32
    %dma_start3A_15 = tpu.memref_slice %arg2[%dma_start3A_13, %dma_start3A_14] : memref<12288x1024xf32, #tpu.memory_space<hbm>> -> memref<12288x1024xf32, #tpu.memory_space<hbm>>
    tpu.enqueue_indirect_dma source(%dma_start3A_15 : memref<12288x1024xf32, #tpu.memory_space<hbm>>) target(%arg7 : memref<32x1024xf32, #tpu.memory_space<vmem>>) offsets(%dma_start3A_12 : memref<32xi32, #tpu.memory_space<vmem>>) semaphore(%arg9 : memref<!tpu.dma_semaphore, #tpu.memory_space<semaphore_mem>>)
    %add3A_16 = arith.constant 0 : i32
    %add3A_17 = arith.addi %mul3A_2, %add3A_16 : i32
    %dma_start3A_18 = arith.constant 0 : i32
    %dma_start3A_19 = tpu.memref_slice %arg4[%add3A_17, %dma_start3A_18] : memref<8192x1024xf32, #tpu.memory_space<hbm>> -> memref<32x1024xf32, #tpu.memory_space<hbm>>
    %dma_start3A_20 = arith.constant 0 : i32
    %dma_start3A_21 = tpu.memref_slice %arg4[%add3A_17, %dma_start3A_20] : memref<8192x1024xf32, #tpu.memory_space<hbm>> -> memref<32x1024xf32, #tpu.memory_space<hbm>>
    tpu.enqueue_dma source(%arg6 : memref<32x1024xf32, #tpu.memory_space<vmem>>) target(%dma_start3A_21 : memref<32x1024xf32, #tpu.memory_space<hbm>>) target_semaphore(%arg10 : memref<!tpu.dma_semaphore, #tpu.memory_space<semaphore_mem>>)
    %dma_wait3A_22 = arith.constant 32 : i32
    %dma_wait3A_23 = tpu.memref_slice %arg5[%dma_wait3A_22] : memref<256xi32, #tpu.memory_space<vmem>> -> memref<32xi32, #tpu.memory_space<vmem>>
    %dma_wait3A_24 = arith.constant 0 : i32
    %dma_wait3A_25 = arith.constant 0 : i32
    %dma_wait3A_26 = tpu.memref_slice %arg2[%dma_wait3A_24, %dma_wait3A_25] : memref<12288x1024xf32, #tpu.memory_space<hbm>> -> memref<12288x1024xf32, #tpu.memory_space<hbm>>
    tpu.wait_indirect_dma semaphore(%arg9 : memref<!tpu.dma_semaphore, #tpu.memory_space<semaphore_mem>>) src(%dma_wait3A_26 : memref<12288x1024xf32, #tpu.memory_space<hbm>>) dst(%arg7 : memref<32x1024xf32, #tpu.memory_space<vmem>>)
    %add3A_27 = arith.constant 0 : i32
    %add3A_28 = arith.addi %mul3A_2, %add3A_27 : i32
    %dma_wait3A_29 = arith.constant 0 : i32
    %dma_wait3A_30 = tpu.memref_slice %arg4[%add3A_28, %dma_wait3A_29] : memref<8192x1024xf32, #tpu.memory_space<hbm>> -> memref<32x1024xf32, #tpu.memory_space<hbm>>
    %dma_wait3A_31 = arith.constant 0 : i32
    %dma_wait3A_32 = tpu.memref_slice %arg4[%add3A_28, %dma_wait3A_31] : memref<8192x1024xf32, #tpu.memory_space<hbm>> -> memref<32x1024xf32, #tpu.memory_space<hbm>>
    tpu.wait_dma2 semaphore(%arg10 : memref<!tpu.dma_semaphore, #tpu.memory_space<semaphore_mem>>) src(%arg6 : memref<32x1024xf32, #tpu.memory_space<vmem>>) dst(%dma_wait3A_32 : memref<32x1024xf32, #tpu.memory_space<hbm>>)
    %dma_start3A_33 = arith.constant 64 : i32
    %dma_start3A_34 = tpu.memref_slice %arg5[%dma_start3A_33] : memref<256xi32, #tpu.memory_space<vmem>> -> memref<32xi32, #tpu.memory_space<vmem>>
    %dma_start3A_35 = arith.constant 0 : i32
    %dma_start3A_36 = arith.constant 0 : i32
    %dma_start3A_37 = tpu.memref_slice %arg2[%dma_start3A_35, %dma_start3A_36] : memref<12288x1024xf32, #tpu.memory_space<hbm>> -> memref<12288x1024xf32, #tpu.memory_space<hbm>>
    tpu.enqueue_indirect_dma source(%dma_start3A_37 : memref<12288x1024xf32, #tpu.memory_space<hbm>>) target(%arg6 : memref<32x1024xf32, #tpu.memory_space<vmem>>) offsets(%dma_start3A_34 : memref<32xi32, #tpu.memory_space<vmem>>) semaphore(%arg8 : memref<!tpu.dma_semaphore, #tpu.memory_space<semaphore_mem>>)
    %add3A_38 = arith.constant 32 : i32
    %add3A_39 = arith.addi %mul3A_2, %add3A_38 : i32
    %dma_start3A_40 = arith.constant 0 : i32
    %dma_start3A_41 = tpu.memref_slice %arg4[%add3A_39, %dma_start3A_40] : memref<8192x1024xf32, #tpu.memory_space<hbm>> -> memref<32x1024xf32, #tpu.memory_space<hbm>>
    %dma_start3A_42 = arith.constant 0 : i32
    %dma_start3A_43 = tpu.memref_slice %arg4[%add3A_39, %dma_start3A_42] : memref<8192x1024xf32, #tpu.memory_space<hbm>> -> memref<32x1024xf32, #tpu.memory_space<hbm>>
    tpu.enqueue_dma source(%arg7 : memref<32x1024xf32, #tpu.memory_space<vmem>>) target(%dma_start3A_43 : memref<32x1024xf32, #tpu.memory_space<hbm>>) target_semaphore(%arg11 : memref<!tpu.dma_semaphore, #tpu.memory_space<semaphore_mem>>)
    %dma_wait3A_44 = arith.constant 64 : i32
    %dma_wait3A_45 = tpu.memref_slice %arg5[%dma_wait3A_44] : memref<256xi32, #tpu.memory_space<vmem>> -> memref<32xi32, #tpu.memory_space<vmem>>
    %dma_wait3A_46 = arith.constant 0 : i32
    %dma_wait3A_47 = arith.constant 0 : i32
    %dma_wait3A_48 = tpu.memref_slice %arg2[%dma_wait3A_46, %dma_wait3A_47] : memref<12288x1024xf32, #tpu.memory_space<hbm>> -> memref<12288x1024xf32, #tpu.memory_space<hbm>>
    tpu.wait_indirect_dma semaphore(%arg8 : memref<!tpu.dma_semaphore, #tpu.memory_space<semaphore_mem>>) src(%dma_wait3A_48 : memref<12288x1024xf32, #tpu.memory_space<hbm>>) dst(%arg6 : memref<32x1024xf32, #tpu.memory_space<vmem>>)
    %add3A_49 = arith.constant 32 : i32
    %add3A_50 = arith.addi %mul3A_2, %add3A_49 : i32
    %dma_wait3A_51 = arith.constant 0 : i32
    %dma_wait3A_52 = tpu.memref_slice %arg4[%add3A_50, %dma_wait3A_51] : memref<8192x1024xf32, #tpu.memory_space<hbm>> -> memref<32x1024xf32, #tpu.memory_space<hbm>>
    %dma_wait3A_53 = arith.constant 0 : i32
    %dma_wait3A_54 = tpu.memref_slice %arg4[%add3A_50, %dma_wait3A_53] : memref<8192x1024xf32, #tpu.memory_space<hbm>> -> memref<32x1024xf32, #tpu.memory_space<hbm>>
    tpu.wait_dma2 semaphore(%arg11 : memref<!tpu.dma_semaphore, #tpu.memory_space<semaphore_mem>>) src(%arg7 : memref<32x1024xf32, #tpu.memory_space<vmem>>) dst(%dma_wait3A_54 : memref<32x1024xf32, #tpu.memory_space<hbm>>)
    %dma_start3A_55 = arith.constant 96 : i32
    %dma_start3A_56 = tpu.memref_slice %arg5[%dma_start3A_55] : memref<256xi32, #tpu.memory_space<vmem>> -> memref<32xi32, #tpu.memory_space<vmem>>
    %dma_start3A_57 = arith.constant 0 : i32
    %dma_start3A_58 = arith.constant 0 : i32
    %dma_start3A_59 = tpu.memref_slice %arg2[%dma_start3A_57, %dma_start3A_58] : memref<12288x1024xf32, #tpu.memory_space<hbm>> -> memref<12288x1024xf32, #tpu.memory_space<hbm>>
    tpu.enqueue_indirect_dma source(%dma_start3A_59 : memref<12288x1024xf32, #tpu.memory_space<hbm>>) target(%arg7 : memref<32x1024xf32, #tpu.memory_space<vmem>>) offsets(%dma_start3A_56 : memref<32xi32, #tpu.memory_space<vmem>>) semaphore(%arg9 : memref<!tpu.dma_semaphore, #tpu.memory_space<semaphore_mem>>)
    %add3A_60 = arith.constant 64 : i32
    %add3A_61 = arith.addi %mul3A_2, %add3A_60 : i32
    %dma_start3A_62 = arith.constant 0 : i32
    %dma_start3A_63 = tpu.memref_slice %arg4[%add3A_61, %dma_start3A_62] : memref<8192x1024xf32, #tpu.memory_space<hbm>> -> memref<32x1024xf32, #tpu.memory_space<hbm>>
    %dma_start3A_64 = arith.constant 0 : i32
    %dma_start3A_65 = tpu.memref_slice %arg4[%add3A_61, %dma_start3A_64] : memref<8192x1024xf32, #tpu.memory_space<hbm>> -> memref<32x1024xf32, #tpu.memory_space<hbm>>
    tpu.enqueue_dma source(%arg6 : memref<32x1024xf32, #tpu.memory_space<vmem>>) target(%dma_start3A_65 : memref<32x1024xf32, #tpu.memory_space<hbm>>) target_semaphore(%arg10 : memref<!tpu.dma_semaphore, #tpu.memory_space<semaphore_mem>>)
    %dma_wait3A_66 = arith.constant 96 : i32
    %dma_wait3A_67 = tpu.memref_slice %arg5[%dma_wait3A_66] : memref<256xi32, #tpu.memory_space<vmem>> -> memref<32xi32, #tpu.memory_space<vmem>>
    %dma_wait3A_68 = arith.constant 0 : i32
    %dma_wait3A_69 = arith.constant 0 : i32
    %dma_wait3A_70 = tpu.memref_slice %arg2[%dma_wait3A_68, %dma_wait3A_69] : memref<12288x1024xf32, #tpu.memory_space<hbm>> -> memref<12288x1024xf32, #tpu.memory_space<hbm>>
    tpu.wait_indirect_dma semaphore(%arg9 : memref<!tpu.dma_semaphore, #tpu.memory_space<semaphore_mem>>) src(%dma_wait3A_70 : memref<12288x1024xf32, #tpu.memory_space<hbm>>) dst(%arg7 : memref<32x1024xf32, #tpu.memory_space<vmem>>)
    %add3A_71 = arith.constant 64 : i32
    %add3A_72 = arith.addi %mul3A_2, %add3A_71 : i32
    %dma_wait3A_73 = arith.constant 0 : i32
    %dma_wait3A_74 = tpu.memref_slice %arg4[%add3A_72, %dma_wait3A_73] : memref<8192x1024xf32, #tpu.memory_space<hbm>> -> memref<32x1024xf32, #tpu.memory_space<hbm>>
    %dma_wait3A_75 = arith.constant 0 : i32
    %dma_wait3A_76 = tpu.memref_slice %arg4[%add3A_72, %dma_wait3A_75] : memref<8192x1024xf32, #tpu.memory_space<hbm>> -> memref<32x1024xf32, #tpu.memory_space<hbm>>
    tpu.wait_dma2 semaphore(%arg10 : memref<!tpu.dma_semaphore, #tpu.memory_space<semaphore_mem>>) src(%arg6 : memref<32x1024xf32, #tpu.memory_space<vmem>>) dst(%dma_wait3A_76 : memref<32x1024xf32, #tpu.memory_space<hbm>>)
    %dma_start3A_77 = arith.constant 128 : i32
    %dma_start3A_78 = tpu.memref_slice %arg5[%dma_start3A_77] : memref<256xi32, #tpu.memory_space<vmem>> -> memref<32xi32, #tpu.memory_space<vmem>>
    %dma_start3A_79 = arith.constant 0 : i32
    %dma_start3A_80 = arith.constant 0 : i32
    %dma_start3A_81 = tpu.memref_slice %arg2[%dma_start3A_79, %dma_start3A_80] : memref<12288x1024xf32, #tpu.memory_space<hbm>> -> memref<12288x1024xf32, #tpu.memory_space<hbm>>
    tpu.enqueue_indirect_dma source(%dma_start3A_81 : memref<12288x1024xf32, #tpu.memory_space<hbm>>) target(%arg6 : memref<32x1024xf32, #tpu.memory_space<vmem>>) offsets(%dma_start3A_78 : memref<32xi32, #tpu.memory_space<vmem>>) semaphore(%arg8 : memref<!tpu.dma_semaphore, #tpu.memory_space<semaphore_mem>>)
    %add3A_82 = arith.constant 96 : i32
    %add3A_83 = arith.addi %mul3A_2, %add3A_82 : i32
    %dma_start3A_84 = arith.constant 0 : i32
    %dma_start3A_85 = tpu.memref_slice %arg4[%add3A_83, %dma_start3A_84] : memref<8192x1024xf32, #tpu.memory_space<hbm>> -> memref<32x1024xf32, #tpu.memory_space<hbm>>
    %dma_start3A_86 = arith.constant 0 : i32
    %dma_start3A_87 = tpu.memref_slice %arg4[%add3A_83, %dma_start3A_86] : memref<8192x1024xf32, #tpu.memory_space<hbm>> -> memref<32x1024xf32, #tpu.memory_space<hbm>>
    tpu.enqueue_dma source(%arg7 : memref<32x1024xf32, #tpu.memory_space<vmem>>) target(%dma_start3A_87 : memref<32x1024xf32, #tpu.memory_space<hbm>>) target_semaphore(%arg11 : memref<!tpu.dma_semaphore, #tpu.memory_space<semaphore_mem>>)
    %dma_wait3A_88 = arith.constant 128 : i32
    %dma_wait3A_89 = tpu.memref_slice %arg5[%dma_wait3A_88] : memref<256xi32, #tpu.memory_space<vmem>> -> memref<32xi32, #tpu.memory_space<vmem>>
    %dma_wait3A_90 = arith.constant 0 : i32
    %dma_wait3A_91 = arith.constant 0 : i32
    %dma_wait3A_92 = tpu.memref_slice %arg2[%dma_wait3A_90, %dma_wait3A_91] : memref<12288x1024xf32, #tpu.memory_space<hbm>> -> memref<12288x1024xf32, #tpu.memory_space<hbm>>
    tpu.wait_indirect_dma semaphore(%arg8 : memref<!tpu.dma_semaphore, #tpu.memory_space<semaphore_mem>>) src(%dma_wait3A_92 : memref<12288x1024xf32, #tpu.memory_space<hbm>>) dst(%arg6 : memref<32x1024xf32, #tpu.memory_space<vmem>>)
    %add3A_93 = arith.constant 96 : i32
    %add3A_94 = arith.addi %mul3A_2, %add3A_93 : i32
    %dma_wait3A_95 = arith.constant 0 : i32
    %dma_wait3A_96 = tpu.memref_slice %arg4[%add3A_94, %dma_wait3A_95] : memref<8192x1024xf32, #tpu.memory_space<hbm>> -> memref<32x1024xf32, #tpu.memory_space<hbm>>
    %dma_wait3A_97 = arith.constant 0 : i32
    %dma_wait3A_98 = tpu.memref_slice %arg4[%add3A_94, %dma_wait3A_97] : memref<8192x1024xf32, #tpu.memory_space<hbm>> -> memref<32x1024xf32, #tpu.memory_space<hbm>>
    tpu.wait_dma2 semaphore(%arg11 : memref<!tpu.dma_semaphore, #tpu.memory_space<semaphore_mem>>) src(%arg7 : memref<32x1024xf32, #tpu.memory_space<vmem>>) dst(%dma_wait3A_98 : memref<32x1024xf32, #tpu.memory_space<hbm>>)
    %dma_start3A_99 = arith.constant 160 : i32
    %dma_start3A_100 = tpu.memref_slice %arg5[%dma_start3A_99] : memref<256xi32, #tpu.memory_space<vmem>> -> memref<32xi32, #tpu.memory_space<vmem>>
    %dma_start3A_101 = arith.constant 0 : i32
    %dma_start3A_102 = arith.constant 0 : i32
    %dma_start3A_103 = tpu.memref_slice %arg2[%dma_start3A_101, %dma_start3A_102] : memref<12288x1024xf32, #tpu.memory_space<hbm>> -> memref<12288x1024xf32, #tpu.memory_space<hbm>>
    tpu.enqueue_indirect_dma source(%dma_start3A_103 : memref<12288x1024xf32, #tpu.memory_space<hbm>>) target(%arg7 : memref<32x1024xf32, #tpu.memory_space<vmem>>) offsets(%dma_start3A_100 : memref<32xi32, #tpu.memory_space<vmem>>) semaphore(%arg9 : memref<!tpu.dma_semaphore, #tpu.memory_space<semaphore_mem>>)
    %add3A_104 = arith.constant 128 : i32
    %add3A_105 = arith.addi %mul3A_2, %add3A_104 : i32
    %dma_start3A_106 = arith.constant 0 : i32
    %dma_start3A_107 = tpu.memref_slice %arg4[%add3A_105, %dma_start3A_106] : memref<8192x1024xf32, #tpu.memory_space<hbm>> -> memref<32x1024xf32, #tpu.memory_space<hbm>>
    %dma_start3A_108 = arith.constant 0 : i32
    %dma_start3A_109 = tpu.memref_slice %arg4[%add3A_105, %dma_start3A_108] : memref<8192x1024xf32, #tpu.memory_space<hbm>> -> memref<32x1024xf32, #tpu.memory_space<hbm>>
    tpu.enqueue_dma source(%arg6 : memref<32x1024xf32, #tpu.memory_space<vmem>>) target(%dma_start3A_109 : memref<32x1024xf32, #tpu.memory_space<hbm>>) target_semaphore(%arg10 : memref<!tpu.dma_semaphore, #tpu.memory_space<semaphore_mem>>)
    %dma_wait3A_110 = arith.constant 160 : i32
    %dma_wait3A_111 = tpu.memref_slice %arg5[%dma_wait3A_110] : memref<256xi32, #tpu.memory_space<vmem>> -> memref<32xi32, #tpu.memory_space<vmem>>
    %dma_wait3A_112 = arith.constant 0 : i32
    %dma_wait3A_113 = arith.constant 0 : i32
    %dma_wait3A_114 = tpu.memref_slice %arg2[%dma_wait3A_112, %dma_wait3A_113] : memref<12288x1024xf32, #tpu.memory_space<hbm>> -> memref<12288x1024xf32, #tpu.memory_space<hbm>>
    tpu.wait_indirect_dma semaphore(%arg9 : memref<!tpu.dma_semaphore, #tpu.memory_space<semaphore_mem>>) src(%dma_wait3A_114 : memref<12288x1024xf32, #tpu.memory_space<hbm>>) dst(%arg7 : memref<32x1024xf32, #tpu.memory_space<vmem>>)
    %add3A_115 = arith.constant 128 : i32
    %add3A_116 = arith.addi %mul3A_2, %add3A_115 : i32
    %dma_wait3A_117 = arith.constant 0 : i32
    %dma_wait3A_118 = tpu.memref_slice %arg4[%add3A_116, %dma_wait3A_117] : memref<8192x1024xf32, #tpu.memory_space<hbm>> -> memref<32x1024xf32, #tpu.memory_space<hbm>>
    %dma_wait3A_119 = arith.constant 0 : i32
    %dma_wait3A_120 = tpu.memref_slice %arg4[%add3A_116, %dma_wait3A_119] : memref<8192x1024xf32, #tpu.memory_space<hbm>> -> memref<32x1024xf32, #tpu.memory_space<hbm>>
    tpu.wait_dma2 semaphore(%arg10 : memref<!tpu.dma_semaphore, #tpu.memory_space<semaphore_mem>>) src(%arg6 : memref<32x1024xf32, #tpu.memory_space<vmem>>) dst(%dma_wait3A_120 : memref<32x1024xf32, #tpu.memory_space<hbm>>)
    %dma_start3A_121 = arith.constant 192 : i32
    %dma_start3A_122 = tpu.memref_slice %arg5[%dma_start3A_121] : memref<256xi32, #tpu.memory_space<vmem>> -> memref<32xi32, #tpu.memory_space<vmem>>
    %dma_start3A_123 = arith.constant 0 : i32
    %dma_start3A_124 = arith.constant 0 : i32
    %dma_start3A_125 = tpu.memref_slice %arg2[%dma_start3A_123, %dma_start3A_124] : memref<12288x1024xf32, #tpu.memory_space<hbm>> -> memref<12288x1024xf32, #tpu.memory_space<hbm>>
    tpu.enqueue_indirect_dma source(%dma_start3A_125 : memref<12288x1024xf32, #tpu.memory_space<hbm>>) target(%arg6 : memref<32x1024xf32, #tpu.memory_space<vmem>>) offsets(%dma_start3A_122 : memref<32xi32, #tpu.memory_space<vmem>>) semaphore(%arg8 : memref<!tpu.dma_semaphore, #tpu.memory_space<semaphore_mem>>)
    %add3A_126 = arith.constant 160 : i32
    %add3A_127 = arith.addi %mul3A_2, %add3A_126 : i32
    %dma_start3A_128 = arith.constant 0 : i32
    %dma_start3A_129 = tpu.memref_slice %arg4[%add3A_127, %dma_start3A_128] : memref<8192x1024xf32, #tpu.memory_space<hbm>> -> memref<32x1024xf32, #tpu.memory_space<hbm>>
    %dma_start3A_130 = arith.constant 0 : i32
    %dma_start3A_131 = tpu.memref_slice %arg4[%add3A_127, %dma_start3A_130] : memref<8192x1024xf32, #tpu.memory_space<hbm>> -> memref<32x1024xf32, #tpu.memory_space<hbm>>
    tpu.enqueue_dma source(%arg7 : memref<32x1024xf32, #tpu.memory_space<vmem>>) target(%dma_start3A_131 : memref<32x1024xf32, #tpu.memory_space<hbm>>) target_semaphore(%arg11 : memref<!tpu.dma_semaphore, #tpu.memory_space<semaphore_mem>>)
    %dma_wait3A_132 = arith.constant 192 : i32
    %dma_wait3A_133 = tpu.memref_slice %arg5[%dma_wait3A_132] : memref<256xi32, #tpu.memory_space<vmem>> -> memref<32xi32, #tpu.memory_space<vmem>>
    %dma_wait3A_134 = arith.constant 0 : i32
    %dma_wait3A_135 = arith.constant 0 : i32
    %dma_wait3A_136 = tpu.memref_slice %arg2[%dma_wait3A_134, %dma_wait3A_135] : memref<12288x1024xf32, #tpu.memory_space<hbm>> -> memref<12288x1024xf32, #tpu.memory_space<hbm>>
    tpu.wait_indirect_dma semaphore(%arg8 : memref<!tpu.dma_semaphore, #tpu.memory_space<semaphore_mem>>) src(%dma_wait3A_136 : memref<12288x1024xf32, #tpu.memory_space<hbm>>) dst(%arg6 : memref<32x1024xf32, #tpu.memory_space<vmem>>)
    %add3A_137 = arith.constant 160 : i32
    %add3A_138 = arith.addi %mul3A_2, %add3A_137 : i32
    %dma_wait3A_139 = arith.constant 0 : i32
    %dma_wait3A_140 = tpu.memref_slice %arg4[%add3A_138, %dma_wait3A_139] : memref<8192x1024xf32, #tpu.memory_space<hbm>> -> memref<32x1024xf32, #tpu.memory_space<hbm>>
    %dma_wait3A_141 = arith.constant 0 : i32
    %dma_wait3A_142 = tpu.memref_slice %arg4[%add3A_138, %dma_wait3A_141] : memref<8192x1024xf32, #tpu.memory_space<hbm>> -> memref<32x1024xf32, #tpu.memory_space<hbm>>
    tpu.wait_dma2 semaphore(%arg11 : memref<!tpu.dma_semaphore, #tpu.memory_space<semaphore_mem>>) src(%arg7 : memref<32x1024xf32, #tpu.memory_space<vmem>>) dst(%dma_wait3A_142 : memref<32x1024xf32, #tpu.memory_space<hbm>>)
    %dma_start3A_143 = arith.constant 224 : i32
    %dma_start3A_144 = tpu.memref_slice %arg5[%dma_start3A_143] : memref<256xi32, #tpu.memory_space<vmem>> -> memref<32xi32, #tpu.memory_space<vmem>>
    %dma_start3A_145 = arith.constant 0 : i32
    %dma_start3A_146 = arith.constant 0 : i32
    %dma_start3A_147 = tpu.memref_slice %arg2[%dma_start3A_145, %dma_start3A_146] : memref<12288x1024xf32, #tpu.memory_space<hbm>> -> memref<12288x1024xf32, #tpu.memory_space<hbm>>
    tpu.enqueue_indirect_dma source(%dma_start3A_147 : memref<12288x1024xf32, #tpu.memory_space<hbm>>) target(%arg7 : memref<32x1024xf32, #tpu.memory_space<vmem>>) offsets(%dma_start3A_144 : memref<32xi32, #tpu.memory_space<vmem>>) semaphore(%arg9 : memref<!tpu.dma_semaphore, #tpu.memory_space<semaphore_mem>>)
    %add3A_148 = arith.constant 192 : i32
    %add3A_149 = arith.addi %mul3A_2, %add3A_148 : i32
    %dma_start3A_150 = arith.constant 0 : i32
    %dma_start3A_151 = tpu.memref_slice %arg4[%add3A_149, %dma_start3A_150] : memref<8192x1024xf32, #tpu.memory_space<hbm>> -> memref<32x1024xf32, #tpu.memory_space<hbm>>
    %dma_start3A_152 = arith.constant 0 : i32
    %dma_start3A_153 = tpu.memref_slice %arg4[%add3A_149, %dma_start3A_152] : memref<8192x1024xf32, #tpu.memory_space<hbm>> -> memref<32x1024xf32, #tpu.memory_space<hbm>>
    tpu.enqueue_dma source(%arg6 : memref<32x1024xf32, #tpu.memory_space<vmem>>) target(%dma_start3A_153 : memref<32x1024xf32, #tpu.memory_space<hbm>>) target_semaphore(%arg10 : memref<!tpu.dma_semaphore, #tpu.memory_space<semaphore_mem>>)
    %dma_wait3A_154 = arith.constant 224 : i32
    %dma_wait3A_155 = tpu.memref_slice %arg5[%dma_wait3A_154] : memref<256xi32, #tpu.memory_space<vmem>> -> memref<32xi32, #tpu.memory_space<vmem>>
    %dma_wait3A_156 = arith.constant 0 : i32
    %dma_wait3A_157 = arith.constant 0 : i32
    %dma_wait3A_158 = tpu.memref_slice %arg2[%dma_wait3A_156, %dma_wait3A_157] : memref<12288x1024xf32, #tpu.memory_space<hbm>> -> memref<12288x1024xf32, #tpu.memory_space<hbm>>
    tpu.wait_indirect_dma semaphore(%arg9 : memref<!tpu.dma_semaphore, #tpu.memory_space<semaphore_mem>>) src(%dma_wait3A_158 : memref<12288x1024xf32, #tpu.memory_space<hbm>>) dst(%arg7 : memref<32x1024xf32, #tpu.memory_space<vmem>>)
    %add3A_159 = arith.constant 192 : i32
    %add3A_160 = arith.addi %mul3A_2, %add3A_159 : i32
    %dma_wait3A_161 = arith.constant 0 : i32
    %dma_wait3A_162 = tpu.memref_slice %arg4[%add3A_160, %dma_wait3A_161] : memref<8192x1024xf32, #tpu.memory_space<hbm>> -> memref<32x1024xf32, #tpu.memory_space<hbm>>
    %dma_wait3A_163 = arith.constant 0 : i32
    %dma_wait3A_164 = tpu.memref_slice %arg4[%add3A_160, %dma_wait3A_163] : memref<8192x1024xf32, #tpu.memory_space<hbm>> -> memref<32x1024xf32, #tpu.memory_space<hbm>>
    tpu.wait_dma2 semaphore(%arg10 : memref<!tpu.dma_semaphore, #tpu.memory_space<semaphore_mem>>) src(%arg6 : memref<32x1024xf32, #tpu.memory_space<vmem>>) dst(%dma_wait3A_164 : memref<32x1024xf32, #tpu.memory_space<hbm>>)
    %add3A_165 = arith.constant 224 : i32
    %add3A_166 = arith.addi %mul3A_2, %add3A_165 : i32
    %dma_start3A_167 = arith.constant 0 : i32
    %dma_start3A_168 = tpu.memref_slice %arg4[%add3A_166, %dma_start3A_167] : memref<8192x1024xf32, #tpu.memory_space<hbm>> -> memref<32x1024xf32, #tpu.memory_space<hbm>>
    %dma_start3A_169 = arith.constant 0 : i32
    %dma_start3A_170 = tpu.memref_slice %arg4[%add3A_166, %dma_start3A_169] : memref<8192x1024xf32, #tpu.memory_space<hbm>> -> memref<32x1024xf32, #tpu.memory_space<hbm>>
    tpu.enqueue_dma source(%arg7 : memref<32x1024xf32, #tpu.memory_space<vmem>>) target(%dma_start3A_170 : memref<32x1024xf32, #tpu.memory_space<hbm>>) target_semaphore(%arg11 : memref<!tpu.dma_semaphore, #tpu.memory_space<semaphore_mem>>)
    %add3A_171 = arith.constant 224 : i32
    %add3A_172 = arith.addi %mul3A_2, %add3A_171 : i32
    %dma_wait3A_173 = arith.constant 0 : i32
    %dma_wait3A_174 = tpu.memref_slice %arg4[%add3A_172, %dma_wait3A_173] : memref<8192x1024xf32, #tpu.memory_space<hbm>> -> memref<32x1024xf32, #tpu.memory_space<hbm>>
    %dma_wait3A_175 = arith.constant 0 : i32
    %dma_wait3A_176 = tpu.memref_slice %arg4[%add3A_172, %dma_wait3A_175] : memref<8192x1024xf32, #tpu.memory_space<hbm>> -> memref<32x1024xf32, #tpu.memory_space<hbm>>
    tpu.wait_dma2 semaphore(%arg11 : memref<!tpu.dma_semaphore, #tpu.memory_space<semaphore_mem>>) src(%arg7 : memref<32x1024xf32, #tpu.memory_space<vmem>>) dst(%dma_wait3A_176 : memref<32x1024xf32, #tpu.memory_space<hbm>>)
    return
  }
}

#map = affine_map<(d0, d1) -> (0, 0)>
#map1 = affine_map<(d0, d1) -> (0)>
module attributes {stable_mosaic.version = 14 : i64} {
  func.func @k(%arg0: i32, %arg1: i32, %arg2: memref<4096x1024xf32, #tpu.memory_space<hbm>>, %arg3: memref<12288xi32, #tpu.memory_space<hbm>>, %arg4: memref<16xi32, #tpu.memory_space<hbm>>, %arg5: memref<12288x1024xf32, #tpu.memory_space<hbm>>, %arg6: memref<384xi32, #tpu.memory_space<vmem>>, %arg7: memref<48x1024xf32, #tpu.memory_space<vmem>>, %arg8: memref<48x1024xf32, #tpu.memory_space<vmem>>, %arg9: memref<!tpu.dma_semaphore, #tpu.memory_space<semaphore_mem>>, %arg10: memref<!tpu.dma_semaphore, #tpu.memory_space<semaphore_mem>>, %arg11: memref<!tpu.dma_semaphore, #tpu.memory_space<semaphore_mem>>, %arg12: memref<!tpu.dma_semaphore, #tpu.memory_space<semaphore_mem>>, %arg13: memref<16xi32, #tpu.memory_space<vmem>>) attributes {dimension_semantics = [#tpu.dimension_semantics<core_parallel>, #tpu.dimension_semantics<subcore_parallel>], iteration_bounds = array<i64: 2, 16>, scalar_prefetch = 0 : i64, scratch_operands = 8 : i64, tpu.core_type = #tpu.core_type<sc_vector_subcore>, window_params = [{transform_indices = #map}, {transform_indices = #map1}, {transform_indices = #map1}, {transform_indices = #map}]} {
    %mul3A = arith.constant 2 : i32
    %mul3A_0 = arith.muli %arg1, %mul3A : i32
    %add3A = arith.addi %mul3A_0, %arg0 : i32
    %mul3A_1 = arith.constant 384 : i32
    %mul3A_2 = arith.muli %add3A, %mul3A_1 : i32
    "tpu.region"() ({
      %run_scoped3A = tpu.sem_alloc : memref<!tpu.dma_semaphore, #tpu.memory_space<semaphore_mem>>
      tpu.enqueue_dma source(%arg4 : memref<16xi32, #tpu.memory_space<hbm>>) target(%arg13 : memref<16xi32, #tpu.memory_space<vmem>>) target_semaphore(%run_scoped3A : memref<!tpu.dma_semaphore, #tpu.memory_space<semaphore_mem>>)
      tpu.wait_dma2 semaphore(%run_scoped3A : memref<!tpu.dma_semaphore, #tpu.memory_space<semaphore_mem>>) src(%arg4 : memref<16xi32, #tpu.memory_space<hbm>>) dst(%arg13 : memref<16xi32, #tpu.memory_space<vmem>>)
      tpu.yield
    }) : () -> ()
    %get3A = arith.constant 0 : index
    %get3A_3 = tpu.vector_load %arg13[%get3A] {strides = array<i32>} : memref<16xi32, #tpu.memory_space<vmem>>, vector<16xi32>,
    %get3A_4 = vector.shape_cast %get3A_3 : vector<16xi32> to vector<16xi32>
    %slice3A = vector.extract_strided_slice %get3A_4 {offsets = [0], sizes = [1], strides = [1]} : vector<16xi32> to vector<1xi32>
    %squeeze3A = vector.extract %slice3A[0] : i32 from vector<1xi32>
    %sub3A = arith.subi %squeeze3A, %mul3A_2 : i32
    %jit3A = arith.constant 0 : i32
    %jit3A_5 = arith.constant 384 : i32
    %max3A = arith.maxsi %jit3A, %sub3A : i32
    %min3A = arith.minsi %jit3A_5, %max3A : i32
    "tpu.region"() ({
      %run_scoped3A = tpu.sem_alloc : memref<!tpu.dma_semaphore, #tpu.memory_space<semaphore_mem>>
      %dma_start3A = tpu.memref_slice %arg3[%mul3A_2] : memref<12288xi32, #tpu.memory_space<hbm>> -> memref<384xi32, #tpu.memory_space<hbm>>
      %dma_start3A_163 = tpu.memref_slice %arg3[%mul3A_2] : memref<12288xi32, #tpu.memory_space<hbm>> -> memref<384xi32, #tpu.memory_space<hbm>>
      tpu.enqueue_dma source(%dma_start3A_163 : memref<384xi32, #tpu.memory_space<hbm>>) target(%arg6 : memref<384xi32, #tpu.memory_space<vmem>>) target_semaphore(%run_scoped3A : memref<!tpu.dma_semaphore, #tpu.memory_space<semaphore_mem>>)
      %dma_wait3A = tpu.memref_slice %arg3[%mul3A_2] : memref<12288xi32, #tpu.memory_space<hbm>> -> memref<384xi32, #tpu.memory_space<hbm>>
      %dma_wait3A_164 = tpu.memref_slice %arg3[%mul3A_2] : memref<12288xi32, #tpu.memory_space<hbm>> -> memref<384xi32, #tpu.memory_space<hbm>>
      tpu.wait_dma2 semaphore(%run_scoped3A : memref<!tpu.dma_semaphore, #tpu.memory_space<semaphore_mem>>) src(%dma_wait3A_164 : memref<384xi32, #tpu.memory_space<hbm>>) dst(%arg6 : memref<384xi32, #tpu.memory_space<vmem>>)
      tpu.yield
    }) : () -> ()
    %gt3A = arith.constant 0 : i32
    %gt3A_6 = arith.cmpi sgt, %min3A, %gt3A : i32
    %convert_element_type3A = arith.extui %gt3A_6 : i1 to i32
    %cond3A = arith.constant 0 : i32
    %cond3A_7 = arith.cmpi ne, %convert_element_type3A, %cond3A : i32
    scf.if %cond3A_7 {
      %dma_start3A = arith.constant 0 : i32
      %dma_start3A_163 = tpu.memref_slice %arg6[%dma_start3A] : memref<384xi32, #tpu.memory_space<vmem>> -> memref<48xi32, #tpu.memory_space<vmem>>
      %dma_start3A_164 = arith.constant 0 : i32
      %dma_start3A_165 = arith.constant 0 : i32
      %dma_start3A_166 = tpu.memref_slice %arg2[%dma_start3A_164, %dma_start3A_165] : memref<4096x1024xf32, #tpu.memory_space<hbm>> -> memref<4096x1024xf32, #tpu.memory_space<hbm>>
      tpu.enqueue_indirect_dma source(%dma_start3A_166 : memref<4096x1024xf32, #tpu.memory_space<hbm>>) target(%arg7 : memref<48x1024xf32, #tpu.memory_space<vmem>>) offsets(%dma_start3A_163 : memref<48xi32, #tpu.memory_space<vmem>>) semaphore(%arg9 : memref<!tpu.dma_semaphore, #tpu.memory_space<semaphore_mem>>)
    } else {
    }
    %gt3A_8 = arith.constant 0 : i32
    %gt3A_9 = arith.cmpi sgt, %min3A, %gt3A_8 : i32
    %convert_element_type3A_10 = arith.extui %gt3A_9 : i1 to i32
    %cond3A_11 = arith.constant 0 : i32
    %cond3A_12 = arith.cmpi ne, %convert_element_type3A_10, %cond3A_11 : i32
    scf.if %cond3A_12 {
      %dma_wait3A = arith.constant 0 : i32
      %dma_wait3A_163 = tpu.memref_slice %arg6[%dma_wait3A] : memref<384xi32, #tpu.memory_space<vmem>> -> memref<48xi32, #tpu.memory_space<vmem>>
      %dma_wait3A_164 = arith.constant 0 : i32
      %dma_wait3A_165 = arith.constant 0 : i32
      %dma_wait3A_166 = tpu.memref_slice %arg2[%dma_wait3A_164, %dma_wait3A_165] : memref<4096x1024xf32, #tpu.memory_space<hbm>> -> memref<4096x1024xf32, #tpu.memory_space<hbm>>
      tpu.wait_indirect_dma semaphore(%arg9 : memref<!tpu.dma_semaphore, #tpu.memory_space<semaphore_mem>>) src(%dma_wait3A_166 : memref<4096x1024xf32, #tpu.memory_space<hbm>>) dst(%arg7 : memref<48x1024xf32, #tpu.memory_space<vmem>>)
    } else {
    }
    %gt3A_13 = arith.constant 48 : i32
    %gt3A_14 = arith.cmpi sgt, %min3A, %gt3A_13 : i32
    %convert_element_type3A_15 = arith.extui %gt3A_14 : i1 to i32
    %cond3A_16 = arith.constant 0 : i32
    %cond3A_17 = arith.cmpi ne, %convert_element_type3A_15, %cond3A_16 : i32
    scf.if %cond3A_17 {
      %dma_start3A = arith.constant 48 : i32
      %dma_start3A_163 = tpu.memref_slice %arg6[%dma_start3A] : memref<384xi32, #tpu.memory_space<vmem>> -> memref<48xi32, #tpu.memory_space<vmem>>
      %dma_start3A_164 = arith.constant 0 : i32
      %dma_start3A_165 = arith.constant 0 : i32
      %dma_start3A_166 = tpu.memref_slice %arg2[%dma_start3A_164, %dma_start3A_165] : memref<4096x1024xf32, #tpu.memory_space<hbm>> -> memref<4096x1024xf32, #tpu.memory_space<hbm>>
      tpu.enqueue_indirect_dma source(%dma_start3A_166 : memref<4096x1024xf32, #tpu.memory_space<hbm>>) target(%arg8 : memref<48x1024xf32, #tpu.memory_space<vmem>>) offsets(%dma_start3A_163 : memref<48xi32, #tpu.memory_space<vmem>>) semaphore(%arg10 : memref<!tpu.dma_semaphore, #tpu.memory_space<semaphore_mem>>)
    } else {
    }
    %gt3A_18 = arith.constant 0 : i32
    %gt3A_19 = arith.cmpi sgt, %min3A, %gt3A_18 : i32
    %convert_element_type3A_20 = arith.extui %gt3A_19 : i1 to i32
    %cond3A_21 = arith.constant 0 : i32
    %cond3A_22 = arith.cmpi ne, %convert_element_type3A_20, %cond3A_21 : i32
    scf.if %cond3A_22 {
      %add3A_163 = arith.constant 0 : i32
      %add3A_164 = arith.addi %mul3A_2, %add3A_163 : i32
      %dma_start3A = arith.constant 0 : i32
      %dma_start3A_165 = tpu.memref_slice %arg5[%add3A_164, %dma_start3A] : memref<12288x1024xf32, #tpu.memory_space<hbm>> -> memref<48x1024xf32, #tpu.memory_space<hbm>>
      %dma_start3A_166 = arith.constant 0 : i32
      %dma_start3A_167 = tpu.memref_slice %arg5[%add3A_164, %dma_start3A_166] : memref<12288x1024xf32, #tpu.memory_space<hbm>> -> memref<48x1024xf32, #tpu.memory_space<hbm>>
      tpu.enqueue_dma source(%arg7 : memref<48x1024xf32, #tpu.memory_space<vmem>>) target(%dma_start3A_167 : memref<48x1024xf32, #tpu.memory_space<hbm>>) target_semaphore(%arg11 : memref<!tpu.dma_semaphore, #tpu.memory_space<semaphore_mem>>)
    } else {
    }
    %gt3A_23 = arith.constant 48 : i32
    %gt3A_24 = arith.cmpi sgt, %min3A, %gt3A_23 : i32
    %convert_element_type3A_25 = arith.extui %gt3A_24 : i1 to i32
    %cond3A_26 = arith.constant 0 : i32
    %cond3A_27 = arith.cmpi ne, %convert_element_type3A_25, %cond3A_26 : i32
    scf.if %cond3A_27 {
      %dma_wait3A = arith.constant 48 : i32
      %dma_wait3A_163 = tpu.memref_slice %arg6[%dma_wait3A] : memref<384xi32, #tpu.memory_space<vmem>> -> memref<48xi32, #tpu.memory_space<vmem>>
      %dma_wait3A_164 = arith.constant 0 : i32
      %dma_wait3A_165 = arith.constant 0 : i32
      %dma_wait3A_166 = tpu.memref_slice %arg2[%dma_wait3A_164, %dma_wait3A_165] : memref<4096x1024xf32, #tpu.memory_space<hbm>> -> memref<4096x1024xf32, #tpu.memory_space<hbm>>
      tpu.wait_indirect_dma semaphore(%arg10 : memref<!tpu.dma_semaphore, #tpu.memory_space<semaphore_mem>>) src(%dma_wait3A_166 : memref<4096x1024xf32, #tpu.memory_space<hbm>>) dst(%arg8 : memref<48x1024xf32, #tpu.memory_space<vmem>>)
    } else {
    }
    %gt3A_28 = arith.constant 0 : i32
    %gt3A_29 = arith.cmpi sgt, %min3A, %gt3A_28 : i32
    %convert_element_type3A_30 = arith.extui %gt3A_29 : i1 to i32
    %cond3A_31 = arith.constant 0 : i32
    %cond3A_32 = arith.cmpi ne, %convert_element_type3A_30, %cond3A_31 : i32
    scf.if %cond3A_32 {
      %add3A_163 = arith.constant 0 : i32
      %add3A_164 = arith.addi %mul3A_2, %add3A_163 : i32
      %dma_wait3A = arith.constant 0 : i32
      %dma_wait3A_165 = tpu.memref_slice %arg5[%add3A_164, %dma_wait3A] : memref<12288x1024xf32, #tpu.memory_space<hbm>> -> memref<48x1024xf32, #tpu.memory_space<hbm>>
      %dma_wait3A_166 = arith.constant 0 : i32
      %dma_wait3A_167 = tpu.memref_slice %arg5[%add3A_164, %dma_wait3A_166] : memref<12288x1024xf32, #tpu.memory_space<hbm>> -> memref<48x1024xf32, #tpu.memory_space<hbm>>
      tpu.wait_dma2 semaphore(%arg11 : memref<!tpu.dma_semaphore, #tpu.memory_space<semaphore_mem>>) src(%arg7 : memref<48x1024xf32, #tpu.memory_space<vmem>>) dst(%dma_wait3A_167 : memref<48x1024xf32, #tpu.memory_space<hbm>>)
    } else {
    }
    %gt3A_33 = arith.constant 96 : i32
    %gt3A_34 = arith.cmpi sgt, %min3A, %gt3A_33 : i32
    %convert_element_type3A_35 = arith.extui %gt3A_34 : i1 to i32
    %cond3A_36 = arith.constant 0 : i32
    %cond3A_37 = arith.cmpi ne, %convert_element_type3A_35, %cond3A_36 : i32
    scf.if %cond3A_37 {
      %dma_start3A = arith.constant 96 : i32
      %dma_start3A_163 = tpu.memref_slice %arg6[%dma_start3A] : memref<384xi32, #tpu.memory_space<vmem>> -> memref<48xi32, #tpu.memory_space<vmem>>
      %dma_start3A_164 = arith.constant 0 : i32
      %dma_start3A_165 = arith.constant 0 : i32
      %dma_start3A_166 = tpu.memref_slice %arg2[%dma_start3A_164, %dma_start3A_165] : memref<4096x1024xf32, #tpu.memory_space<hbm>> -> memref<4096x1024xf32, #tpu.memory_space<hbm>>
      tpu.enqueue_indirect_dma source(%dma_start3A_166 : memref<4096x1024xf32, #tpu.memory_space<hbm>>) target(%arg7 : memref<48x1024xf32, #tpu.memory_space<vmem>>) offsets(%dma_start3A_163 : memref<48xi32, #tpu.memory_space<vmem>>) semaphore(%arg9 : memref<!tpu.dma_semaphore, #tpu.memory_space<semaphore_mem>>)
    } else {
    }
    %gt3A_38 = arith.constant 48 : i32
    %gt3A_39 = arith.cmpi sgt, %min3A, %gt3A_38 : i32
    %convert_element_type3A_40 = arith.extui %gt3A_39 : i1 to i32
    %cond3A_41 = arith.constant 0 : i32
    %cond3A_42 = arith.cmpi ne, %convert_element_type3A_40, %cond3A_41 : i32
    scf.if %cond3A_42 {
      %add3A_163 = arith.constant 48 : i32
      %add3A_164 = arith.addi %mul3A_2, %add3A_163 : i32
      %dma_start3A = arith.constant 0 : i32
      %dma_start3A_165 = tpu.memref_slice %arg5[%add3A_164, %dma_start3A] : memref<12288x1024xf32, #tpu.memory_space<hbm>> -> memref<48x1024xf32, #tpu.memory_space<hbm>>
      %dma_start3A_166 = arith.constant 0 : i32
      %dma_start3A_167 = tpu.memref_slice %arg5[%add3A_164, %dma_start3A_166] : memref<12288x1024xf32, #tpu.memory_space<hbm>> -> memref<48x1024xf32, #tpu.memory_space<hbm>>
      tpu.enqueue_dma source(%arg8 : memref<48x1024xf32, #tpu.memory_space<vmem>>) target(%dma_start3A_167 : memref<48x1024xf32, #tpu.memory_space<hbm>>) target_semaphore(%arg12 : memref<!tpu.dma_semaphore, #tpu.memory_space<semaphore_mem>>)
    } else {
    }
    %gt3A_43 = arith.constant 96 : i32
    %gt3A_44 = arith.cmpi sgt, %min3A, %gt3A_43 : i32
    %convert_element_type3A_45 = arith.extui %gt3A_44 : i1 to i32
    %cond3A_46 = arith.constant 0 : i32
    %cond3A_47 = arith.cmpi ne, %convert_element_type3A_45, %cond3A_46 : i32
    scf.if %cond3A_47 {
      %dma_wait3A = arith.constant 96 : i32
      %dma_wait3A_163 = tpu.memref_slice %arg6[%dma_wait3A] : memref<384xi32, #tpu.memory_space<vmem>> -> memref<48xi32, #tpu.memory_space<vmem>>
      %dma_wait3A_164 = arith.constant 0 : i32
      %dma_wait3A_165 = arith.constant 0 : i32
      %dma_wait3A_166 = tpu.memref_slice %arg2[%dma_wait3A_164, %dma_wait3A_165] : memref<4096x1024xf32, #tpu.memory_space<hbm>> -> memref<4096x1024xf32, #tpu.memory_space<hbm>>
      tpu.wait_indirect_dma semaphore(%arg9 : memref<!tpu.dma_semaphore, #tpu.memory_space<semaphore_mem>>) src(%dma_wait3A_166 : memref<4096x1024xf32, #tpu.memory_space<hbm>>) dst(%arg7 : memref<48x1024xf32, #tpu.memory_space<vmem>>)
    } else {
    }
    %gt3A_48 = arith.constant 48 : i32
    %gt3A_49 = arith.cmpi sgt, %min3A, %gt3A_48 : i32
    %convert_element_type3A_50 = arith.extui %gt3A_49 : i1 to i32
    %cond3A_51 = arith.constant 0 : i32
    %cond3A_52 = arith.cmpi ne, %convert_element_type3A_50, %cond3A_51 : i32
    scf.if %cond3A_52 {
      %add3A_163 = arith.constant 48 : i32
      %add3A_164 = arith.addi %mul3A_2, %add3A_163 : i32
      %dma_wait3A = arith.constant 0 : i32
      %dma_wait3A_165 = tpu.memref_slice %arg5[%add3A_164, %dma_wait3A] : memref<12288x1024xf32, #tpu.memory_space<hbm>> -> memref<48x1024xf32, #tpu.memory_space<hbm>>
      %dma_wait3A_166 = arith.constant 0 : i32
      %dma_wait3A_167 = tpu.memref_slice %arg5[%add3A_164, %dma_wait3A_166] : memref<12288x1024xf32, #tpu.memory_space<hbm>> -> memref<48x1024xf32, #tpu.memory_space<hbm>>
      tpu.wait_dma2 semaphore(%arg12 : memref<!tpu.dma_semaphore, #tpu.memory_space<semaphore_mem>>) src(%arg8 : memref<48x1024xf32, #tpu.memory_space<vmem>>) dst(%dma_wait3A_167 : memref<48x1024xf32, #tpu.memory_space<hbm>>)
    } else {
    }
    %gt3A_53 = arith.constant 144 : i32
    %gt3A_54 = arith.cmpi sgt, %min3A, %gt3A_53 : i32
    %convert_element_type3A_55 = arith.extui %gt3A_54 : i1 to i32
    %cond3A_56 = arith.constant 0 : i32
    %cond3A_57 = arith.cmpi ne, %convert_element_type3A_55, %cond3A_56 : i32
    scf.if %cond3A_57 {
      %dma_start3A = arith.constant 144 : i32
      %dma_start3A_163 = tpu.memref_slice %arg6[%dma_start3A] : memref<384xi32, #tpu.memory_space<vmem>> -> memref<48xi32, #tpu.memory_space<vmem>>
      %dma_start3A_164 = arith.constant 0 : i32
      %dma_start3A_165 = arith.constant 0 : i32
      %dma_start3A_166 = tpu.memref_slice %arg2[%dma_start3A_164, %dma_start3A_165] : memref<4096x1024xf32, #tpu.memory_space<hbm>> -> memref<4096x1024xf32, #tpu.memory_space<hbm>>
      tpu.enqueue_indirect_dma source(%dma_start3A_166 : memref<4096x1024xf32, #tpu.memory_space<hbm>>) target(%arg8 : memref<48x1024xf32, #tpu.memory_space<vmem>>) offsets(%dma_start3A_163 : memref<48xi32, #tpu.memory_space<vmem>>) semaphore(%arg10 : memref<!tpu.dma_semaphore, #tpu.memory_space<semaphore_mem>>)
    } else {
    }
    %gt3A_58 = arith.constant 96 : i32
    %gt3A_59 = arith.cmpi sgt, %min3A, %gt3A_58 : i32
    %convert_element_type3A_60 = arith.extui %gt3A_59 : i1 to i32
    %cond3A_61 = arith.constant 0 : i32
    %cond3A_62 = arith.cmpi ne, %convert_element_type3A_60, %cond3A_61 : i32
    scf.if %cond3A_62 {
      %add3A_163 = arith.constant 96 : i32
      %add3A_164 = arith.addi %mul3A_2, %add3A_163 : i32
      %dma_start3A = arith.constant 0 : i32
      %dma_start3A_165 = tpu.memref_slice %arg5[%add3A_164, %dma_start3A] : memref<12288x1024xf32, #tpu.memory_space<hbm>> -> memref<48x1024xf32, #tpu.memory_space<hbm>>
      %dma_start3A_166 = arith.constant 0 : i32
      %dma_start3A_167 = tpu.memref_slice %arg5[%add3A_164, %dma_start3A_166] : memref<12288x1024xf32, #tpu.memory_space<hbm>> -> memref<48x1024xf32, #tpu.memory_space<hbm>>
      tpu.enqueue_dma source(%arg7 : memref<48x1024xf32, #tpu.memory_space<vmem>>) target(%dma_start3A_167 : memref<48x1024xf32, #tpu.memory_space<hbm>>) target_semaphore(%arg11 : memref<!tpu.dma_semaphore, #tpu.memory_space<semaphore_mem>>)
    } else {
    }
    %gt3A_63 = arith.constant 144 : i32
    %gt3A_64 = arith.cmpi sgt, %min3A, %gt3A_63 : i32
    %convert_element_type3A_65 = arith.extui %gt3A_64 : i1 to i32
    %cond3A_66 = arith.constant 0 : i32
    %cond3A_67 = arith.cmpi ne, %convert_element_type3A_65, %cond3A_66 : i32
    scf.if %cond3A_67 {
      %dma_wait3A = arith.constant 144 : i32
      %dma_wait3A_163 = tpu.memref_slice %arg6[%dma_wait3A] : memref<384xi32, #tpu.memory_space<vmem>> -> memref<48xi32, #tpu.memory_space<vmem>>
      %dma_wait3A_164 = arith.constant 0 : i32
      %dma_wait3A_165 = arith.constant 0 : i32
      %dma_wait3A_166 = tpu.memref_slice %arg2[%dma_wait3A_164, %dma_wait3A_165] : memref<4096x1024xf32, #tpu.memory_space<hbm>> -> memref<4096x1024xf32, #tpu.memory_space<hbm>>
      tpu.wait_indirect_dma semaphore(%arg10 : memref<!tpu.dma_semaphore, #tpu.memory_space<semaphore_mem>>) src(%dma_wait3A_166 : memref<4096x1024xf32, #tpu.memory_space<hbm>>) dst(%arg8 : memref<48x1024xf32, #tpu.memory_space<vmem>>)
    } else {
    }
    %gt3A_68 = arith.constant 96 : i32
    %gt3A_69 = arith.cmpi sgt, %min3A, %gt3A_68 : i32
    %convert_element_type3A_70 = arith.extui %gt3A_69 : i1 to i32
    %cond3A_71 = arith.constant 0 : i32
    %cond3A_72 = arith.cmpi ne, %convert_element_type3A_70, %cond3A_71 : i32
    scf.if %cond3A_72 {
      %add3A_163 = arith.constant 96 : i32
      %add3A_164 = arith.addi %mul3A_2, %add3A_163 : i32
      %dma_wait3A = arith.constant 0 : i32
      %dma_wait3A_165 = tpu.memref_slice %arg5[%add3A_164, %dma_wait3A] : memref<12288x1024xf32, #tpu.memory_space<hbm>> -> memref<48x1024xf32, #tpu.memory_space<hbm>>
      %dma_wait3A_166 = arith.constant 0 : i32
      %dma_wait3A_167 = tpu.memref_slice %arg5[%add3A_164, %dma_wait3A_166] : memref<12288x1024xf32, #tpu.memory_space<hbm>> -> memref<48x1024xf32, #tpu.memory_space<hbm>>
      tpu.wait_dma2 semaphore(%arg11 : memref<!tpu.dma_semaphore, #tpu.memory_space<semaphore_mem>>) src(%arg7 : memref<48x1024xf32, #tpu.memory_space<vmem>>) dst(%dma_wait3A_167 : memref<48x1024xf32, #tpu.memory_space<hbm>>)
    } else {
    }
    %gt3A_73 = arith.constant 192 : i32
    %gt3A_74 = arith.cmpi sgt, %min3A, %gt3A_73 : i32
    %convert_element_type3A_75 = arith.extui %gt3A_74 : i1 to i32
    %cond3A_76 = arith.constant 0 : i32
    %cond3A_77 = arith.cmpi ne, %convert_element_type3A_75, %cond3A_76 : i32
    scf.if %cond3A_77 {
      %dma_start3A = arith.constant 192 : i32
      %dma_start3A_163 = tpu.memref_slice %arg6[%dma_start3A] : memref<384xi32, #tpu.memory_space<vmem>> -> memref<48xi32, #tpu.memory_space<vmem>>
      %dma_start3A_164 = arith.constant 0 : i32
      %dma_start3A_165 = arith.constant 0 : i32
      %dma_start3A_166 = tpu.memref_slice %arg2[%dma_start3A_164, %dma_start3A_165] : memref<4096x1024xf32, #tpu.memory_space<hbm>> -> memref<4096x1024xf32, #tpu.memory_space<hbm>>
      tpu.enqueue_indirect_dma source(%dma_start3A_166 : memref<4096x1024xf32, #tpu.memory_space<hbm>>) target(%arg7 : memref<48x1024xf32, #tpu.memory_space<vmem>>) offsets(%dma_start3A_163 : memref<48xi32, #tpu.memory_space<vmem>>) semaphore(%arg9 : memref<!tpu.dma_semaphore, #tpu.memory_space<semaphore_mem>>)
    } else {
    }
    %gt3A_78 = arith.constant 144 : i32
    %gt3A_79 = arith.cmpi sgt, %min3A, %gt3A_78 : i32
    %convert_element_type3A_80 = arith.extui %gt3A_79 : i1 to i32
    %cond3A_81 = arith.constant 0 : i32
    %cond3A_82 = arith.cmpi ne, %convert_element_type3A_80, %cond3A_81 : i32
    scf.if %cond3A_82 {
      %add3A_163 = arith.constant 144 : i32
      %add3A_164 = arith.addi %mul3A_2, %add3A_163 : i32
      %dma_start3A = arith.constant 0 : i32
      %dma_start3A_165 = tpu.memref_slice %arg5[%add3A_164, %dma_start3A] : memref<12288x1024xf32, #tpu.memory_space<hbm>> -> memref<48x1024xf32, #tpu.memory_space<hbm>>
      %dma_start3A_166 = arith.constant 0 : i32
      %dma_start3A_167 = tpu.memref_slice %arg5[%add3A_164, %dma_start3A_166] : memref<12288x1024xf32, #tpu.memory_space<hbm>> -> memref<48x1024xf32, #tpu.memory_space<hbm>>
      tpu.enqueue_dma source(%arg8 : memref<48x1024xf32, #tpu.memory_space<vmem>>) target(%dma_start3A_167 : memref<48x1024xf32, #tpu.memory_space<hbm>>) target_semaphore(%arg12 : memref<!tpu.dma_semaphore, #tpu.memory_space<semaphore_mem>>)
    } else {
    }
    %gt3A_83 = arith.constant 192 : i32
    %gt3A_84 = arith.cmpi sgt, %min3A, %gt3A_83 : i32
    %convert_element_type3A_85 = arith.extui %gt3A_84 : i1 to i32
    %cond3A_86 = arith.constant 0 : i32
    %cond3A_87 = arith.cmpi ne, %convert_element_type3A_85, %cond3A_86 : i32
    scf.if %cond3A_87 {
      %dma_wait3A = arith.constant 192 : i32
      %dma_wait3A_163 = tpu.memref_slice %arg6[%dma_wait3A] : memref<384xi32, #tpu.memory_space<vmem>> -> memref<48xi32, #tpu.memory_space<vmem>>
      %dma_wait3A_164 = arith.constant 0 : i32
      %dma_wait3A_165 = arith.constant 0 : i32
      %dma_wait3A_166 = tpu.memref_slice %arg2[%dma_wait3A_164, %dma_wait3A_165] : memref<4096x1024xf32, #tpu.memory_space<hbm>> -> memref<4096x1024xf32, #tpu.memory_space<hbm>>
      tpu.wait_indirect_dma semaphore(%arg9 : memref<!tpu.dma_semaphore, #tpu.memory_space<semaphore_mem>>) src(%dma_wait3A_166 : memref<4096x1024xf32, #tpu.memory_space<hbm>>) dst(%arg7 : memref<48x1024xf32, #tpu.memory_space<vmem>>)
    } else {
    }
    %gt3A_88 = arith.constant 144 : i32
    %gt3A_89 = arith.cmpi sgt, %min3A, %gt3A_88 : i32
    %convert_element_type3A_90 = arith.extui %gt3A_89 : i1 to i32
    %cond3A_91 = arith.constant 0 : i32
    %cond3A_92 = arith.cmpi ne, %convert_element_type3A_90, %cond3A_91 : i32
    scf.if %cond3A_92 {
      %add3A_163 = arith.constant 144 : i32
      %add3A_164 = arith.addi %mul3A_2, %add3A_163 : i32
      %dma_wait3A = arith.constant 0 : i32
      %dma_wait3A_165 = tpu.memref_slice %arg5[%add3A_164, %dma_wait3A] : memref<12288x1024xf32, #tpu.memory_space<hbm>> -> memref<48x1024xf32, #tpu.memory_space<hbm>>
      %dma_wait3A_166 = arith.constant 0 : i32
      %dma_wait3A_167 = tpu.memref_slice %arg5[%add3A_164, %dma_wait3A_166] : memref<12288x1024xf32, #tpu.memory_space<hbm>> -> memref<48x1024xf32, #tpu.memory_space<hbm>>
      tpu.wait_dma2 semaphore(%arg12 : memref<!tpu.dma_semaphore, #tpu.memory_space<semaphore_mem>>) src(%arg8 : memref<48x1024xf32, #tpu.memory_space<vmem>>) dst(%dma_wait3A_167 : memref<48x1024xf32, #tpu.memory_space<hbm>>)
    } else {
    }
    %gt3A_93 = arith.constant 240 : i32
    %gt3A_94 = arith.cmpi sgt, %min3A, %gt3A_93 : i32
    %convert_element_type3A_95 = arith.extui %gt3A_94 : i1 to i32
    %cond3A_96 = arith.constant 0 : i32
    %cond3A_97 = arith.cmpi ne, %convert_element_type3A_95, %cond3A_96 : i32
    scf.if %cond3A_97 {
      %dma_start3A = arith.constant 240 : i32
      %dma_start3A_163 = tpu.memref_slice %arg6[%dma_start3A] : memref<384xi32, #tpu.memory_space<vmem>> -> memref<48xi32, #tpu.memory_space<vmem>>
      %dma_start3A_164 = arith.constant 0 : i32
      %dma_start3A_165 = arith.constant 0 : i32
      %dma_start3A_166 = tpu.memref_slice %arg2[%dma_start3A_164, %dma_start3A_165] : memref<4096x1024xf32, #tpu.memory_space<hbm>> -> memref<4096x1024xf32, #tpu.memory_space<hbm>>
      tpu.enqueue_indirect_dma source(%dma_start3A_166 : memref<4096x1024xf32, #tpu.memory_space<hbm>>) target(%arg8 : memref<48x1024xf32, #tpu.memory_space<vmem>>) offsets(%dma_start3A_163 : memref<48xi32, #tpu.memory_space<vmem>>) semaphore(%arg10 : memref<!tpu.dma_semaphore, #tpu.memory_space<semaphore_mem>>)
    } else {
    }
    %gt3A_98 = arith.constant 192 : i32
    %gt3A_99 = arith.cmpi sgt, %min3A, %gt3A_98 : i32
    %convert_element_type3A_100 = arith.extui %gt3A_99 : i1 to i32
    %cond3A_101 = arith.constant 0 : i32
    %cond3A_102 = arith.cmpi ne, %convert_element_type3A_100, %cond3A_101 : i32
    scf.if %cond3A_102 {
      %add3A_163 = arith.constant 192 : i32
      %add3A_164 = arith.addi %mul3A_2, %add3A_163 : i32
      %dma_start3A = arith.constant 0 : i32
      %dma_start3A_165 = tpu.memref_slice %arg5[%add3A_164, %dma_start3A] : memref<12288x1024xf32, #tpu.memory_space<hbm>> -> memref<48x1024xf32, #tpu.memory_space<hbm>>
      %dma_start3A_166 = arith.constant 0 : i32
      %dma_start3A_167 = tpu.memref_slice %arg5[%add3A_164, %dma_start3A_166] : memref<12288x1024xf32, #tpu.memory_space<hbm>> -> memref<48x1024xf32, #tpu.memory_space<hbm>>
      tpu.enqueue_dma source(%arg7 : memref<48x1024xf32, #tpu.memory_space<vmem>>) target(%dma_start3A_167 : memref<48x1024xf32, #tpu.memory_space<hbm>>) target_semaphore(%arg11 : memref<!tpu.dma_semaphore, #tpu.memory_space<semaphore_mem>>)
    } else {
    }
    %gt3A_103 = arith.constant 240 : i32
    %gt3A_104 = arith.cmpi sgt, %min3A, %gt3A_103 : i32
    %convert_element_type3A_105 = arith.extui %gt3A_104 : i1 to i32
    %cond3A_106 = arith.constant 0 : i32
    %cond3A_107 = arith.cmpi ne, %convert_element_type3A_105, %cond3A_106 : i32
    scf.if %cond3A_107 {
      %dma_wait3A = arith.constant 240 : i32
      %dma_wait3A_163 = tpu.memref_slice %arg6[%dma_wait3A] : memref<384xi32, #tpu.memory_space<vmem>> -> memref<48xi32, #tpu.memory_space<vmem>>
      %dma_wait3A_164 = arith.constant 0 : i32
      %dma_wait3A_165 = arith.constant 0 : i32
      %dma_wait3A_166 = tpu.memref_slice %arg2[%dma_wait3A_164, %dma_wait3A_165] : memref<4096x1024xf32, #tpu.memory_space<hbm>> -> memref<4096x1024xf32, #tpu.memory_space<hbm>>
      tpu.wait_indirect_dma semaphore(%arg10 : memref<!tpu.dma_semaphore, #tpu.memory_space<semaphore_mem>>) src(%dma_wait3A_166 : memref<4096x1024xf32, #tpu.memory_space<hbm>>) dst(%arg8 : memref<48x1024xf32, #tpu.memory_space<vmem>>)
    } else {
    }
    %gt3A_108 = arith.constant 192 : i32
    %gt3A_109 = arith.cmpi sgt, %min3A, %gt3A_108 : i32
    %convert_element_type3A_110 = arith.extui %gt3A_109 : i1 to i32
    %cond3A_111 = arith.constant 0 : i32
    %cond3A_112 = arith.cmpi ne, %convert_element_type3A_110, %cond3A_111 : i32
    scf.if %cond3A_112 {
      %add3A_163 = arith.constant 192 : i32
      %add3A_164 = arith.addi %mul3A_2, %add3A_163 : i32
      %dma_wait3A = arith.constant 0 : i32
      %dma_wait3A_165 = tpu.memref_slice %arg5[%add3A_164, %dma_wait3A] : memref<12288x1024xf32, #tpu.memory_space<hbm>> -> memref<48x1024xf32, #tpu.memory_space<hbm>>
      %dma_wait3A_166 = arith.constant 0 : i32
      %dma_wait3A_167 = tpu.memref_slice %arg5[%add3A_164, %dma_wait3A_166] : memref<12288x1024xf32, #tpu.memory_space<hbm>> -> memref<48x1024xf32, #tpu.memory_space<hbm>>
      tpu.wait_dma2 semaphore(%arg11 : memref<!tpu.dma_semaphore, #tpu.memory_space<semaphore_mem>>) src(%arg7 : memref<48x1024xf32, #tpu.memory_space<vmem>>) dst(%dma_wait3A_167 : memref<48x1024xf32, #tpu.memory_space<hbm>>)
    } else {
    }
    %gt3A_113 = arith.constant 288 : i32
    %gt3A_114 = arith.cmpi sgt, %min3A, %gt3A_113 : i32
    %convert_element_type3A_115 = arith.extui %gt3A_114 : i1 to i32
    %cond3A_116 = arith.constant 0 : i32
    %cond3A_117 = arith.cmpi ne, %convert_element_type3A_115, %cond3A_116 : i32
    scf.if %cond3A_117 {
      %dma_start3A = arith.constant 288 : i32
      %dma_start3A_163 = tpu.memref_slice %arg6[%dma_start3A] : memref<384xi32, #tpu.memory_space<vmem>> -> memref<48xi32, #tpu.memory_space<vmem>>
      %dma_start3A_164 = arith.constant 0 : i32
      %dma_start3A_165 = arith.constant 0 : i32
      %dma_start3A_166 = tpu.memref_slice %arg2[%dma_start3A_164, %dma_start3A_165] : memref<4096x1024xf32, #tpu.memory_space<hbm>> -> memref<4096x1024xf32, #tpu.memory_space<hbm>>
      tpu.enqueue_indirect_dma source(%dma_start3A_166 : memref<4096x1024xf32, #tpu.memory_space<hbm>>) target(%arg7 : memref<48x1024xf32, #tpu.memory_space<vmem>>) offsets(%dma_start3A_163 : memref<48xi32, #tpu.memory_space<vmem>>) semaphore(%arg9 : memref<!tpu.dma_semaphore, #tpu.memory_space<semaphore_mem>>)
    } else {
    }
    %gt3A_118 = arith.constant 240 : i32
    %gt3A_119 = arith.cmpi sgt, %min3A, %gt3A_118 : i32
    %convert_element_type3A_120 = arith.extui %gt3A_119 : i1 to i32
    %cond3A_121 = arith.constant 0 : i32
    %cond3A_122 = arith.cmpi ne, %convert_element_type3A_120, %cond3A_121 : i32
    scf.if %cond3A_122 {
      %add3A_163 = arith.constant 240 : i32
      %add3A_164 = arith.addi %mul3A_2, %add3A_163 : i32
      %dma_start3A = arith.constant 0 : i32
      %dma_start3A_165 = tpu.memref_slice %arg5[%add3A_164, %dma_start3A] : memref<12288x1024xf32, #tpu.memory_space<hbm>> -> memref<48x1024xf32, #tpu.memory_space<hbm>>
      %dma_start3A_166 = arith.constant 0 : i32
      %dma_start3A_167 = tpu.memref_slice %arg5[%add3A_164, %dma_start3A_166] : memref<12288x1024xf32, #tpu.memory_space<hbm>> -> memref<48x1024xf32, #tpu.memory_space<hbm>>
      tpu.enqueue_dma source(%arg8 : memref<48x1024xf32, #tpu.memory_space<vmem>>) target(%dma_start3A_167 : memref<48x1024xf32, #tpu.memory_space<hbm>>) target_semaphore(%arg12 : memref<!tpu.dma_semaphore, #tpu.memory_space<semaphore_mem>>)
    } else {
    }
    %gt3A_123 = arith.constant 288 : i32
    %gt3A_124 = arith.cmpi sgt, %min3A, %gt3A_123 : i32
    %convert_element_type3A_125 = arith.extui %gt3A_124 : i1 to i32
    %cond3A_126 = arith.constant 0 : i32
    %cond3A_127 = arith.cmpi ne, %convert_element_type3A_125, %cond3A_126 : i32
    scf.if %cond3A_127 {
      %dma_wait3A = arith.constant 288 : i32
      %dma_wait3A_163 = tpu.memref_slice %arg6[%dma_wait3A] : memref<384xi32, #tpu.memory_space<vmem>> -> memref<48xi32, #tpu.memory_space<vmem>>
      %dma_wait3A_164 = arith.constant 0 : i32
      %dma_wait3A_165 = arith.constant 0 : i32
      %dma_wait3A_166 = tpu.memref_slice %arg2[%dma_wait3A_164, %dma_wait3A_165] : memref<4096x1024xf32, #tpu.memory_space<hbm>> -> memref<4096x1024xf32, #tpu.memory_space<hbm>>
      tpu.wait_indirect_dma semaphore(%arg9 : memref<!tpu.dma_semaphore, #tpu.memory_space<semaphore_mem>>) src(%dma_wait3A_166 : memref<4096x1024xf32, #tpu.memory_space<hbm>>) dst(%arg7 : memref<48x1024xf32, #tpu.memory_space<vmem>>)
    } else {
    }
    %gt3A_128 = arith.constant 240 : i32
    %gt3A_129 = arith.cmpi sgt, %min3A, %gt3A_128 : i32
    %convert_element_type3A_130 = arith.extui %gt3A_129 : i1 to i32
    %cond3A_131 = arith.constant 0 : i32
    %cond3A_132 = arith.cmpi ne, %convert_element_type3A_130, %cond3A_131 : i32
    scf.if %cond3A_132 {
      %add3A_163 = arith.constant 240 : i32
      %add3A_164 = arith.addi %mul3A_2, %add3A_163 : i32
      %dma_wait3A = arith.constant 0 : i32
      %dma_wait3A_165 = tpu.memref_slice %arg5[%add3A_164, %dma_wait3A] : memref<12288x1024xf32, #tpu.memory_space<hbm>> -> memref<48x1024xf32, #tpu.memory_space<hbm>>
      %dma_wait3A_166 = arith.constant 0 : i32
      %dma_wait3A_167 = tpu.memref_slice %arg5[%add3A_164, %dma_wait3A_166] : memref<12288x1024xf32, #tpu.memory_space<hbm>> -> memref<48x1024xf32, #tpu.memory_space<hbm>>
      tpu.wait_dma2 semaphore(%arg12 : memref<!tpu.dma_semaphore, #tpu.memory_space<semaphore_mem>>) src(%arg8 : memref<48x1024xf32, #tpu.memory_space<vmem>>) dst(%dma_wait3A_167 : memref<48x1024xf32, #tpu.memory_space<hbm>>)
    } else {
    }
    %gt3A_133 = arith.constant 336 : i32
    %gt3A_134 = arith.cmpi sgt, %min3A, %gt3A_133 : i32
    %convert_element_type3A_135 = arith.extui %gt3A_134 : i1 to i32
    %cond3A_136 = arith.constant 0 : i32
    %cond3A_137 = arith.cmpi ne, %convert_element_type3A_135, %cond3A_136 : i32
    scf.if %cond3A_137 {
      %dma_start3A = arith.constant 336 : i32
      %dma_start3A_163 = tpu.memref_slice %arg6[%dma_start3A] : memref<384xi32, #tpu.memory_space<vmem>> -> memref<48xi32, #tpu.memory_space<vmem>>
      %dma_start3A_164 = arith.constant 0 : i32
      %dma_start3A_165 = arith.constant 0 : i32
      %dma_start3A_166 = tpu.memref_slice %arg2[%dma_start3A_164, %dma_start3A_165] : memref<4096x1024xf32, #tpu.memory_space<hbm>> -> memref<4096x1024xf32, #tpu.memory_space<hbm>>
      tpu.enqueue_indirect_dma source(%dma_start3A_166 : memref<4096x1024xf32, #tpu.memory_space<hbm>>) target(%arg8 : memref<48x1024xf32, #tpu.memory_space<vmem>>) offsets(%dma_start3A_163 : memref<48xi32, #tpu.memory_space<vmem>>) semaphore(%arg10 : memref<!tpu.dma_semaphore, #tpu.memory_space<semaphore_mem>>)
    } else {
    }
    %gt3A_138 = arith.constant 288 : i32
    %gt3A_139 = arith.cmpi sgt, %min3A, %gt3A_138 : i32
    %convert_element_type3A_140 = arith.extui %gt3A_139 : i1 to i32
    %cond3A_141 = arith.constant 0 : i32
    %cond3A_142 = arith.cmpi ne, %convert_element_type3A_140, %cond3A_141 : i32
    scf.if %cond3A_142 {
      %add3A_163 = arith.constant 288 : i32
      %add3A_164 = arith.addi %mul3A_2, %add3A_163 : i32
      %dma_start3A = arith.constant 0 : i32
      %dma_start3A_165 = tpu.memref_slice %arg5[%add3A_164, %dma_start3A] : memref<12288x1024xf32, #tpu.memory_space<hbm>> -> memref<48x1024xf32, #tpu.memory_space<hbm>>
      %dma_start3A_166 = arith.constant 0 : i32
      %dma_start3A_167 = tpu.memref_slice %arg5[%add3A_164, %dma_start3A_166] : memref<12288x1024xf32, #tpu.memory_space<hbm>> -> memref<48x1024xf32, #tpu.memory_space<hbm>>
      tpu.enqueue_dma source(%arg7 : memref<48x1024xf32, #tpu.memory_space<vmem>>) target(%dma_start3A_167 : memref<48x1024xf32, #tpu.memory_space<hbm>>) target_semaphore(%arg11 : memref<!tpu.dma_semaphore, #tpu.memory_space<semaphore_mem>>)
    } else {
    }
    %gt3A_143 = arith.constant 336 : i32
    %gt3A_144 = arith.cmpi sgt, %min3A, %gt3A_143 : i32
    %convert_element_type3A_145 = arith.extui %gt3A_144 : i1 to i32
    %cond3A_146 = arith.constant 0 : i32
    %cond3A_147 = arith.cmpi ne, %convert_element_type3A_145, %cond3A_146 : i32
    scf.if %cond3A_147 {
      %dma_wait3A = arith.constant 336 : i32
      %dma_wait3A_163 = tpu.memref_slice %arg6[%dma_wait3A] : memref<384xi32, #tpu.memory_space<vmem>> -> memref<48xi32, #tpu.memory_space<vmem>>
      %dma_wait3A_164 = arith.constant 0 : i32
      %dma_wait3A_165 = arith.constant 0 : i32
      %dma_wait3A_166 = tpu.memref_slice %arg2[%dma_wait3A_164, %dma_wait3A_165] : memref<4096x1024xf32, #tpu.memory_space<hbm>> -> memref<4096x1024xf32, #tpu.memory_space<hbm>>
      tpu.wait_indirect_dma semaphore(%arg10 : memref<!tpu.dma_semaphore, #tpu.memory_space<semaphore_mem>>) src(%dma_wait3A_166 : memref<4096x1024xf32, #tpu.memory_space<hbm>>) dst(%arg8 : memref<48x1024xf32, #tpu.memory_space<vmem>>)
    } else {
    }
    %gt3A_148 = arith.constant 288 : i32
    %gt3A_149 = arith.cmpi sgt, %min3A, %gt3A_148 : i32
    %convert_element_type3A_150 = arith.extui %gt3A_149 : i1 to i32
    %cond3A_151 = arith.constant 0 : i32
    %cond3A_152 = arith.cmpi ne, %convert_element_type3A_150, %cond3A_151 : i32
    scf.if %cond3A_152 {
      %add3A_163 = arith.constant 288 : i32
      %add3A_164 = arith.addi %mul3A_2, %add3A_163 : i32
      %dma_wait3A = arith.constant 0 : i32
      %dma_wait3A_165 = tpu.memref_slice %arg5[%add3A_164, %dma_wait3A] : memref<12288x1024xf32, #tpu.memory_space<hbm>> -> memref<48x1024xf32, #tpu.memory_space<hbm>>
      %dma_wait3A_166 = arith.constant 0 : i32
      %dma_wait3A_167 = tpu.memref_slice %arg5[%add3A_164, %dma_wait3A_166] : memref<12288x1024xf32, #tpu.memory_space<hbm>> -> memref<48x1024xf32, #tpu.memory_space<hbm>>
      tpu.wait_dma2 semaphore(%arg11 : memref<!tpu.dma_semaphore, #tpu.memory_space<semaphore_mem>>) src(%arg7 : memref<48x1024xf32, #tpu.memory_space<vmem>>) dst(%dma_wait3A_167 : memref<48x1024xf32, #tpu.memory_space<hbm>>)
    } else {
    }
    %gt3A_153 = arith.constant 336 : i32
    %gt3A_154 = arith.cmpi sgt, %min3A, %gt3A_153 : i32
    %convert_element_type3A_155 = arith.extui %gt3A_154 : i1 to i32
    %cond3A_156 = arith.constant 0 : i32
    %cond3A_157 = arith.cmpi ne, %convert_element_type3A_155, %cond3A_156 : i32
    scf.if %cond3A_157 {
      %add3A_163 = arith.constant 336 : i32
      %add3A_164 = arith.addi %mul3A_2, %add3A_163 : i32
      %dma_start3A = arith.constant 0 : i32
      %dma_start3A_165 = tpu.memref_slice %arg5[%add3A_164, %dma_start3A] : memref<12288x1024xf32, #tpu.memory_space<hbm>> -> memref<48x1024xf32, #tpu.memory_space<hbm>>
      %dma_start3A_166 = arith.constant 0 : i32
      %dma_start3A_167 = tpu.memref_slice %arg5[%add3A_164, %dma_start3A_166] : memref<12288x1024xf32, #tpu.memory_space<hbm>> -> memref<48x1024xf32, #tpu.memory_space<hbm>>
      tpu.enqueue_dma source(%arg8 : memref<48x1024xf32, #tpu.memory_space<vmem>>) target(%dma_start3A_167 : memref<48x1024xf32, #tpu.memory_space<hbm>>) target_semaphore(%arg12 : memref<!tpu.dma_semaphore, #tpu.memory_space<semaphore_mem>>)
    } else {
    }
    %gt3A_158 = arith.constant 336 : i32
    %gt3A_159 = arith.cmpi sgt, %min3A, %gt3A_158 : i32
    %convert_element_type3A_160 = arith.extui %gt3A_159 : i1 to i32
    %cond3A_161 = arith.constant 0 : i32
    %cond3A_162 = arith.cmpi ne, %convert_element_type3A_160, %cond3A_161 : i32
    scf.if %cond3A_162 {
      %add3A_163 = arith.constant 336 : i32
      %add3A_164 = arith.addi %mul3A_2, %add3A_163 : i32
      %dma_wait3A = arith.constant 0 : i32
      %dma_wait3A_165 = tpu.memref_slice %arg5[%add3A_164, %dma_wait3A] : memref<12288x1024xf32, #tpu.memory_space<hbm>> -> memref<48x1024xf32, #tpu.memory_space<hbm>>
      %dma_wait3A_166 = arith.constant 0 : i32
      %dma_wait3A_167 = tpu.memref_slice %arg5[%add3A_164, %dma_wait3A_166] : memref<12288x1024xf32, #tpu.memory_space<hbm>> -> memref<48x1024xf32, #tpu.memory_space<hbm>>
      tpu.wait_dma2 semaphore(%arg12 : memref<!tpu.dma_semaphore, #tpu.memory_space<semaphore_mem>>) src(%arg8 : memref<48x1024xf32, #tpu.memory_space<vmem>>) dst(%dma_wait3A_167 : memref<48x1024xf32, #tpu.memory_space<hbm>>)
    } else {
    }
    return
  }
}

module attributes {stable_mosaic.version = 14 : i64} {
  func.func @_rank_body(%arg0: i32, %arg1: memref<1x4096xf32, #tpu.memory_space<vmem>>, %arg2: memref<1x4096xi32, #tpu.memory_space<vmem>>, %arg3: memref<1x512xf32, #tpu.memory_space<vmem>>, %arg4: memref<1x512xi32, #tpu.memory_space<vmem>>, %arg5: memref<1x512xi32, #tpu.memory_space<vmem>>) attributes {dimension_semantics = [#tpu.dimension_semantics<arbitrary>], iteration_bounds = array<i64: 8>, scalar_prefetch = 0 : i64, scratch_operands = 0 : i64, tpu.core_type = #tpu.core_type<tc>, window_params = [{pipeline_mode = #tpu.pipeline_mode<synchronous>, transform_indices = @transform_0, window_bounds = array<i64: 1, 4096>}, {pipeline_mode = #tpu.pipeline_mode<synchronous>, transform_indices = @transform_1, window_bounds = array<i64: 1, 4096>}, {transform_indices = @transform_2, window_bounds = array<i64: 1, 512>}, {transform_indices = @transform_3, window_bounds = array<i64: 1, 512>}, {transform_indices = @transform_4, window_bounds = array<i64: 1, 512>}]} {
    %get3A = arith.constant 0 : index
    %get3A_0 = arith.constant 0 : index
    %get3A_1 = vector.load %arg1[%get3A, %get3A_0] : memref<1x4096xf32, #tpu.memory_space<vmem>>, vector<1x4096xf32>
    %get3A_2 = vector.shape_cast %get3A_1 : vector<1x4096xf32> to vector<4096xf32>
    %broadcast_in_dim3A = vector.shape_cast %get3A_2 : vector<4096xf32> to vector<1x4096xf32>
    %get3A_3 = arith.constant 0 : index
    %get3A_4 = arith.constant 0 : index
    %get3A_5 = vector.load %arg2[%get3A_3, %get3A_4] : memref<1x4096xi32, #tpu.memory_space<vmem>>, vector<1x4096xi32>
    %get3A_6 = vector.shape_cast %get3A_5 : vector<1x4096xi32> to vector<4096xi32>
    %broadcast_in_dim3A_7 = vector.shape_cast %get3A_6 : vector<4096xi32> to vector<1x4096xi32>
    %get3A_8 = arith.constant 0 : index
    %get3A_9 = arith.constant 0 : index
    %get3A_10 = vector.load %arg3[%get3A_8, %get3A_9] : memref<1x512xf32, #tpu.memory_space<vmem>>, vector<1x512xf32>
    %get3A_11 = vector.shape_cast %get3A_10 : vector<1x512xf32> to vector<512xf32>
    %broadcast_in_dim3A_12 = vector.shape_cast %get3A_11 : vector<512xf32> to vector<512x1xf32>
    %get3A_13 = arith.constant 0 : index
    %get3A_14 = arith.constant 0 : index
    %get3A_15 = vector.load %arg4[%get3A_13, %get3A_14] : memref<1x512xi32, #tpu.memory_space<vmem>>, vector<1x512xi32>
    %get3A_16 = vector.shape_cast %get3A_15 : vector<1x512xi32> to vector<512xi32>
    %broadcast_in_dim3A_17 = vector.shape_cast %get3A_16 : vector<512xi32> to vector<512x1xi32>
    %iota3A = tpu.iota {dimensions = array<i32: 1>} : vector<512x4096xi32>
    %mul3A = arith.constant 512 : i32
    %mul3A_18 = arith.muli %arg0, %mul3A : i32
    %iota3A_19 = tpu.iota {dimensions = array<i32: 0>} : vector<512x4096xi32>
    %add3A = vector.broadcast %mul3A_18 : i32 to vector<512x4096xi32>
    %add3A_20 = arith.addi %add3A, %iota3A_19 : vector<512x4096xi32>
    %eq3A = vector.broadcast %broadcast_in_dim3A_7 : vector<1x4096xi32> to vector<512x4096xi32>
    %eq3A_21 = vector.broadcast %broadcast_in_dim3A_17 : vector<512x1xi32> to vector<512x4096xi32>
    %eq3A_22 = arith.cmpi eq, %eq3A, %eq3A_21 : vector<512x4096xi32>
    %gt3A = vector.broadcast %broadcast_in_dim3A : vector<1x4096xf32> to vector<512x4096xf32>
    %gt3A_23 = vector.broadcast %broadcast_in_dim3A_12 : vector<512x1xf32> to vector<512x4096xf32>
    %gt3A_24 = arith.cmpf ogt, %gt3A, %gt3A_23 : vector<512x4096xf32>
    %eq3A_25 = vector.broadcast %broadcast_in_dim3A : vector<1x4096xf32> to vector<512x4096xf32>
    %eq3A_26 = vector.broadcast %broadcast_in_dim3A_12 : vector<512x1xf32> to vector<512x4096xf32>
    %eq3A_27 = arith.cmpf oeq, %eq3A_25, %eq3A_26 : vector<512x4096xf32>
    %lt3A = arith.cmpi slt, %iota3A, %add3A_20 : vector<512x4096xi32>
    %and3A = arith.andi %eq3A_27, %lt3A : vector<512x4096xi1>
    %or3A = arith.ori %gt3A_24, %and3A : vector<512x4096xi1>
    %and3A_28 = arith.andi %eq3A_22, %or3A : vector<512x4096xi1>
    %convert_element_type3A = arith.extui %and3A_28 : vector<512x4096xi1> to vector<512x4096xi32>
    %reduce_sum3A = arith.constant dense<0> : vector<512xi32>
    %reduce_sum3A_29 = vector.multi_reduction <add>, %convert_element_type3A, %reduce_sum3A [1] : vector<512x4096xi32> to vector<512xi32>
    %ge3A = arith.constant 409 : i32
    %ge3A_30 = vector.broadcast %ge3A : i32 to vector<512xi32>
    %ge3A_31 = arith.cmpi sge, %reduce_sum3A_29, %ge3A_30 : vector<512xi32>
    %convert_element_type3A_32 = arith.extui %ge3A_31 : vector<512xi1> to vector<512xi32>
    %swap3A = arith.constant 0 : index
    %swap3A_33 = arith.constant 0 : index
    %swap3A_34 = vector.load %arg5[%swap3A, %swap3A_33] : memref<1x512xi32, #tpu.memory_space<vmem>>, vector<1x512xi32>
    %swap3A_35 = vector.shape_cast %swap3A_34 : vector<1x512xi32> to vector<512xi32>
    %swap3A_36 = vector.shape_cast %convert_element_type3A_32 : vector<512xi32> to vector<1x512xi32>
    tpu.vector_store %arg5[%swap3A, %swap3A_33], %swap3A_36 {strides = array<i32>} : memref<1x512xi32, #tpu.memory_space<vmem>>, vector<1x512xi32>,
    return
  }
  func.func @transform_0(%arg0: i32) -> (i32, i32) {
    %c0_i32 = arith.constant 0 : i32
    %c0_i32_0 = arith.constant 0 : i32
    %c0_i32_1 = arith.constant 0 : i32
    return %c0_i32, %c0_i32_0 : i32, i32
  }
  func.func @transform_1(%arg0: i32) -> (i32, i32) {
    %c0_i32 = arith.constant 0 : i32
    %c0_i32_0 = arith.constant 0 : i32
    %c0_i32_1 = arith.constant 0 : i32
    return %c0_i32, %c0_i32_0 : i32, i32
  }
  func.func @transform_2(%arg0: i32) -> (i32, i32) {
    %c0_i32 = arith.constant 0 : i32
    %c0_i32_0 = arith.constant 0 : i32
    return %c0_i32, %arg0 : i32, i32
  }
  func.func @transform_3(%arg0: i32) -> (i32, i32) {
    %c0_i32 = arith.constant 0 : i32
    %c0_i32_0 = arith.constant 0 : i32
    return %c0_i32, %arg0 : i32, i32
  }
  func.func @transform_4(%arg0: i32) -> (i32, i32) {
    %c0_i32 = arith.constant 0 : i32
    %c0_i32_0 = arith.constant 0 : i32
    return %c0_i32, %arg0 : i32, i32
  }
}

module attributes {stable_mosaic.version = 14 : i64} {
  func.func @_ffn1_body(%arg0: i32, %arg1: i32, %arg2: memref<48xi32, #tpu.memory_space<smem>>, %arg3: memref<48xi32, #tpu.memory_space<smem>>, %arg4: memref<48xi32, #tpu.memory_space<smem>>, %arg5: memref<48xi32, #tpu.memory_space<smem>>, %arg6: memref<48xi32, #tpu.memory_space<smem>>, %arg7: memref<48xi32, #tpu.memory_space<smem>>, %arg8: memref<256x1024xf32, #tpu.memory_space<vmem>>, %arg9: memref<1x1024x2048xf32, #tpu.memory_space<vmem>>, %arg10: memref<1x1x2048xf32, #tpu.memory_space<vmem>>, %arg11: memref<1x1024x2048xf32, #tpu.memory_space<vmem>>, %arg12: memref<1x1x2048xf32, #tpu.memory_space<vmem>>, %arg13: memref<256x2048xbf16, #tpu.memory_space<vmem>>) attributes {dimension_semantics = [#tpu.dimension_semantics<arbitrary>, #tpu.dimension_semantics<arbitrary>], iteration_bounds = array<i64: 2, 48>, scalar_prefetch = 6 : i64, scratch_operands = 0 : i64, tpu.core_type = #tpu.core_type<tc>, window_params = [{transform_indices = @transform_0, window_bounds = array<i64: 256, 1024>}, {transform_indices = @transform_1, window_bounds = array<i64: 1, 1024, 2048>}, {transform_indices = @transform_2, window_bounds = array<i64: 1, 1, 2048>}, {transform_indices = @transform_3, window_bounds = array<i64: 1, 1024, 2048>}, {transform_indices = @transform_4, window_bounds = array<i64: 1, 1, 2048>}, {transform_indices = @transform_5, window_bounds = array<i64: 256, 2048>}]} {
    %get3A = arith.index_cast %arg1 : i32 to index
    %get3A_0 = memref.load %arg4[%get3A] : memref<48xi32, #tpu.memory_space<smem>>
    %eq3A = arith.constant 1 : i32
    %eq3A_1 = arith.cmpi eq, %get3A_0, %eq3A : i32
    %convert_element_type3A = arith.extui %eq3A_1 : i1 to i32
    %cond3A = arith.constant 0 : i32
    %cond3A_2 = arith.cmpi ne, %convert_element_type3A, %cond3A : i32
    scf.if %cond3A_2 {
      %get3A_10 = arith.constant 0 : index
      %get3A_11 = arith.constant 0 : index
      %get3A_12 = vector.load %arg8[%get3A_10, %get3A_11] : memref<256x1024xf32, #tpu.memory_space<vmem>>, vector<256x1024xf32>
      %get3A_13 = arith.constant 0 : index
      %get3A_14 = arith.constant 0 : index
      %get3A_15 = arith.constant 0 : index
      %get3A_16 = vector.load %arg9[%get3A_13, %get3A_14, %get3A_15] : memref<1x1024x2048xf32, #tpu.memory_space<vmem>>, vector<1x1024x1024xf32>
      %get3A_17 = vector.shape_cast %get3A_16 : vector<1x1024x1024xf32> to vector<1024x1024xf32>
      %dot_general3A = arith.constant dense<0.000000e+00> : vector<256x1024xf32>
      %dot_general3A_18 = tpu.matmul %get3A_12, %get3A_17, %dot_general3A {dimension_numbers = #tpu.dot_dimension_numbers<[1], [0], [0], [1], [0, 0, 1, 1], [], []>, transpose_lhs_hint = false} : vector<256x1024xf32>, vector<1024x1024xf32>, vector<256x1024xf32> -> vector<256x1024xf32>
      %get3A_19 = arith.constant 0 : index
      %get3A_20 = arith.constant 0 : index
      %get3A_21 = arith.constant 0 : index
      %get3A_22 = vector.load %arg10[%get3A_19, %get3A_20, %get3A_21] : memref<1x1x2048xf32, #tpu.memory_space<vmem>>, vector<1x1x1024xf32>
      %get3A_23 = vector.shape_cast %get3A_22 : vector<1x1x1024xf32> to vector<1x1024xf32>
      %add3A = vector.broadcast %get3A_23 : vector<1x1024xf32> to vector<256x1024xf32>
      %add3A_24 = arith.addf %dot_general3A_18, %add3A : vector<256x1024xf32>
      %integer_pow3A = arith.mulf %add3A_24, %add3A_24 : vector<256x1024xf32>
      %integer_pow3A_25 = arith.mulf %add3A_24, %integer_pow3A : vector<256x1024xf32>
      %mul3A = arith.constant 4.471500e-02 : f32
      %mul3A_26 = vector.broadcast %mul3A : f32 to vector<256x1024xf32>
      %mul3A_27 = arith.mulf %mul3A_26, %integer_pow3A_25 : vector<256x1024xf32>
      %add3A_28 = arith.addf %add3A_24, %mul3A_27 : vector<256x1024xf32>
      %mul3A_29 = arith.constant 0.797884583 : f32
      %mul3A_30 = vector.broadcast %mul3A_29 : f32 to vector<256x1024xf32>
      %mul3A_31 = arith.mulf %mul3A_30, %add3A_28 : vector<256x1024xf32>
      %tanh3A = math.tanh %mul3A_31 : vector<256x1024xf32>
      %add3A_32 = arith.constant 1.000000e+00 : f32
      %add3A_33 = vector.broadcast %add3A_32 : f32 to vector<256x1024xf32>
      %add3A_34 = arith.addf %add3A_33, %tanh3A : vector<256x1024xf32>
      %mul3A_35 = arith.constant 5.000000e-01 : f32
      %mul3A_36 = vector.broadcast %mul3A_35 : f32 to vector<256x1024xf32>
      %mul3A_37 = arith.mulf %mul3A_36, %add3A_34 : vector<256x1024xf32>
      %mul3A_38 = arith.mulf %add3A_24, %mul3A_37 : vector<256x1024xf32>
      %convert_element_type3A_39 = arith.truncf %mul3A_38 : vector<256x1024xf32> to vector<256x1024xbf16>
      %swap3A = arith.constant 0 : index
      %swap3A_40 = arith.constant 0 : index
      %swap3A_41 = vector.load %arg13[%swap3A, %swap3A_40] : memref<256x2048xbf16, #tpu.memory_space<vmem>>, vector<256x1024xbf16>
      tpu.vector_store %arg13[%swap3A, %swap3A_40], %convert_element_type3A_39 {strides = array<i32>} : memref<256x2048xbf16, #tpu.memory_space<vmem>>, vector<256x1024xbf16>,
      %get3A_42 = arith.constant 0 : index
      %get3A_43 = arith.constant 0 : index
      %get3A_44 = arith.constant 1024 : index
      %get3A_45 = vector.load %arg9[%get3A_42, %get3A_43, %get3A_44] : memref<1x1024x2048xf32, #tpu.memory_space<vmem>>, vector<1x1024x1024xf32>
      %get3A_46 = vector.shape_cast %get3A_45 : vector<1x1024x1024xf32> to vector<1024x1024xf32>
      %dot_general3A_47 = arith.constant dense<0.000000e+00> : vector<256x1024xf32>
      %dot_general3A_48 = tpu.matmul %get3A_12, %get3A_46, %dot_general3A_47 {dimension_numbers = #tpu.dot_dimension_numbers<[1], [0], [0], [1], [0, 0, 1, 1], [], []>, transpose_lhs_hint = false} : vector<256x1024xf32>, vector<1024x1024xf32>, vector<256x1024xf32> -> vector<256x1024xf32>
      %get3A_49 = arith.constant 0 : index
      %get3A_50 = arith.constant 0 : index
      %get3A_51 = arith.constant 1024 : index
      %get3A_52 = vector.load %arg10[%get3A_49, %get3A_50, %get3A_51] : memref<1x1x2048xf32, #tpu.memory_space<vmem>>, vector<1x1x1024xf32>
      %get3A_53 = vector.shape_cast %get3A_52 : vector<1x1x1024xf32> to vector<1x1024xf32>
      %add3A_54 = vector.broadcast %get3A_53 : vector<1x1024xf32> to vector<256x1024xf32>
      %add3A_55 = arith.addf %dot_general3A_48, %add3A_54 : vector<256x1024xf32>
      %integer_pow3A_56 = arith.mulf %add3A_55, %add3A_55 : vector<256x1024xf32>
      %integer_pow3A_57 = arith.mulf %add3A_55, %integer_pow3A_56 : vector<256x1024xf32>
      %mul3A_58 = arith.constant 4.471500e-02 : f32
      %mul3A_59 = vector.broadcast %mul3A_58 : f32 to vector<256x1024xf32>
      %mul3A_60 = arith.mulf %mul3A_59, %integer_pow3A_57 : vector<256x1024xf32>
      %add3A_61 = arith.addf %add3A_55, %mul3A_60 : vector<256x1024xf32>
      %mul3A_62 = arith.constant 0.797884583 : f32
      %mul3A_63 = vector.broadcast %mul3A_62 : f32 to vector<256x1024xf32>
      %mul3A_64 = arith.mulf %mul3A_63, %add3A_61 : vector<256x1024xf32>
      %tanh3A_65 = math.tanh %mul3A_64 : vector<256x1024xf32>
      %add3A_66 = arith.constant 1.000000e+00 : f32
      %add3A_67 = vector.broadcast %add3A_66 : f32 to vector<256x1024xf32>
      %add3A_68 = arith.addf %add3A_67, %tanh3A_65 : vector<256x1024xf32>
      %mul3A_69 = arith.constant 5.000000e-01 : f32
      %mul3A_70 = vector.broadcast %mul3A_69 : f32 to vector<256x1024xf32>
      %mul3A_71 = arith.mulf %mul3A_70, %add3A_68 : vector<256x1024xf32>
      %mul3A_72 = arith.mulf %add3A_55, %mul3A_71 : vector<256x1024xf32>
      %convert_element_type3A_73 = arith.truncf %mul3A_72 : vector<256x1024xf32> to vector<256x1024xbf16>
      %swap3A_74 = arith.constant 0 : index
      %swap3A_75 = arith.constant 1024 : index
      %swap3A_76 = vector.load %arg13[%swap3A_74, %swap3A_75] : memref<256x2048xbf16, #tpu.memory_space<vmem>>, vector<256x1024xbf16>
      tpu.vector_store %arg13[%swap3A_74, %swap3A_75], %convert_element_type3A_73 {strides = array<i32>} : memref<256x2048xbf16, #tpu.memory_space<vmem>>, vector<256x1024xbf16>,
    } else {
    }
    %get3A_3 = arith.index_cast %arg1 : i32 to index
    %get3A_4 = memref.load %arg5[%get3A_3] : memref<48xi32, #tpu.memory_space<smem>>
    %eq3A_5 = arith.constant 1 : i32
    %eq3A_6 = arith.cmpi eq, %get3A_4, %eq3A_5 : i32
    %convert_element_type3A_7 = arith.extui %eq3A_6 : i1 to i32
    %cond3A_8 = arith.constant 0 : i32
    %cond3A_9 = arith.cmpi ne, %convert_element_type3A_7, %cond3A_8 : i32
    scf.if %cond3A_9 {
      %get3A_10 = arith.constant 0 : index
      %get3A_11 = arith.constant 0 : index
      %get3A_12 = vector.load %arg8[%get3A_10, %get3A_11] : memref<256x1024xf32, #tpu.memory_space<vmem>>, vector<256x1024xf32>
      %get3A_13 = arith.constant 0 : index
      %get3A_14 = arith.constant 0 : index
      %get3A_15 = arith.constant 0 : index
      %get3A_16 = vector.load %arg11[%get3A_13, %get3A_14, %get3A_15] : memref<1x1024x2048xf32, #tpu.memory_space<vmem>>, vector<1x1024x1024xf32>
      %get3A_17 = vector.shape_cast %get3A_16 : vector<1x1024x1024xf32> to vector<1024x1024xf32>
      %dot_general3A = arith.constant dense<0.000000e+00> : vector<256x1024xf32>
      %dot_general3A_18 = tpu.matmul %get3A_12, %get3A_17, %dot_general3A {dimension_numbers = #tpu.dot_dimension_numbers<[1], [0], [0], [1], [0, 0, 1, 1], [], []>, transpose_lhs_hint = false} : vector<256x1024xf32>, vector<1024x1024xf32>, vector<256x1024xf32> -> vector<256x1024xf32>
      %get3A_19 = arith.constant 0 : index
      %get3A_20 = arith.constant 0 : index
      %get3A_21 = arith.constant 0 : index
      %get3A_22 = vector.load %arg12[%get3A_19, %get3A_20, %get3A_21] : memref<1x1x2048xf32, #tpu.memory_space<vmem>>, vector<1x1x1024xf32>
      %get3A_23 = vector.shape_cast %get3A_22 : vector<1x1x1024xf32> to vector<1x1024xf32>
      %add3A = vector.broadcast %get3A_23 : vector<1x1024xf32> to vector<256x1024xf32>
      %add3A_24 = arith.addf %dot_general3A_18, %add3A : vector<256x1024xf32>
      %integer_pow3A = arith.mulf %add3A_24, %add3A_24 : vector<256x1024xf32>
      %integer_pow3A_25 = arith.mulf %add3A_24, %integer_pow3A : vector<256x1024xf32>
      %mul3A = arith.constant 4.471500e-02 : f32
      %mul3A_26 = vector.broadcast %mul3A : f32 to vector<256x1024xf32>
      %mul3A_27 = arith.mulf %mul3A_26, %integer_pow3A_25 : vector<256x1024xf32>
      %add3A_28 = arith.addf %add3A_24, %mul3A_27 : vector<256x1024xf32>
      %mul3A_29 = arith.constant 0.797884583 : f32
      %mul3A_30 = vector.broadcast %mul3A_29 : f32 to vector<256x1024xf32>
      %mul3A_31 = arith.mulf %mul3A_30, %add3A_28 : vector<256x1024xf32>
      %tanh3A = math.tanh %mul3A_31 : vector<256x1024xf32>
      %add3A_32 = arith.constant 1.000000e+00 : f32
      %add3A_33 = vector.broadcast %add3A_32 : f32 to vector<256x1024xf32>
      %add3A_34 = arith.addf %add3A_33, %tanh3A : vector<256x1024xf32>
      %mul3A_35 = arith.constant 5.000000e-01 : f32
      %mul3A_36 = vector.broadcast %mul3A_35 : f32 to vector<256x1024xf32>
      %mul3A_37 = arith.mulf %mul3A_36, %add3A_34 : vector<256x1024xf32>
      %mul3A_38 = arith.mulf %add3A_24, %mul3A_37 : vector<256x1024xf32>
      %convert_element_type3A_39 = arith.truncf %mul3A_38 : vector<256x1024xf32> to vector<256x1024xbf16>
      %swap3A = arith.constant 0 : index
      %swap3A_40 = arith.constant 0 : index
      %swap3A_41 = vector.load %arg13[%swap3A, %swap3A_40] : memref<256x2048xbf16, #tpu.memory_space<vmem>>, vector<256x1024xbf16>
      tpu.vector_store %arg13[%swap3A, %swap3A_40], %convert_element_type3A_39 {strides = array<i32>} : memref<256x2048xbf16, #tpu.memory_space<vmem>>, vector<256x1024xbf16>,
      %get3A_42 = arith.constant 0 : index
      %get3A_43 = arith.constant 0 : index
      %get3A_44 = arith.constant 1024 : index
      %get3A_45 = vector.load %arg11[%get3A_42, %get3A_43, %get3A_44] : memref<1x1024x2048xf32, #tpu.memory_space<vmem>>, vector<1x1024x1024xf32>
      %get3A_46 = vector.shape_cast %get3A_45 : vector<1x1024x1024xf32> to vector<1024x1024xf32>
      %dot_general3A_47 = arith.constant dense<0.000000e+00> : vector<256x1024xf32>
      %dot_general3A_48 = tpu.matmul %get3A_12, %get3A_46, %dot_general3A_47 {dimension_numbers = #tpu.dot_dimension_numbers<[1], [0], [0], [1], [0, 0, 1, 1], [], []>, transpose_lhs_hint = false} : vector<256x1024xf32>, vector<1024x1024xf32>, vector<256x1024xf32> -> vector<256x1024xf32>
      %get3A_49 = arith.constant 0 : index
      %get3A_50 = arith.constant 0 : index
      %get3A_51 = arith.constant 1024 : index
      %get3A_52 = vector.load %arg12[%get3A_49, %get3A_50, %get3A_51] : memref<1x1x2048xf32, #tpu.memory_space<vmem>>, vector<1x1x1024xf32>
      %get3A_53 = vector.shape_cast %get3A_52 : vector<1x1x1024xf32> to vector<1x1024xf32>
      %add3A_54 = vector.broadcast %get3A_53 : vector<1x1024xf32> to vector<256x1024xf32>
      %add3A_55 = arith.addf %dot_general3A_48, %add3A_54 : vector<256x1024xf32>
      %integer_pow3A_56 = arith.mulf %add3A_55, %add3A_55 : vector<256x1024xf32>
      %integer_pow3A_57 = arith.mulf %add3A_55, %integer_pow3A_56 : vector<256x1024xf32>
      %mul3A_58 = arith.constant 4.471500e-02 : f32
      %mul3A_59 = vector.broadcast %mul3A_58 : f32 to vector<256x1024xf32>
      %mul3A_60 = arith.mulf %mul3A_59, %integer_pow3A_57 : vector<256x1024xf32>
      %add3A_61 = arith.addf %add3A_55, %mul3A_60 : vector<256x1024xf32>
      %mul3A_62 = arith.constant 0.797884583 : f32
      %mul3A_63 = vector.broadcast %mul3A_62 : f32 to vector<256x1024xf32>
      %mul3A_64 = arith.mulf %mul3A_63, %add3A_61 : vector<256x1024xf32>
      %tanh3A_65 = math.tanh %mul3A_64 : vector<256x1024xf32>
      %add3A_66 = arith.constant 1.000000e+00 : f32
      %add3A_67 = vector.broadcast %add3A_66 : f32 to vector<256x1024xf32>
      %add3A_68 = arith.addf %add3A_67, %tanh3A_65 : vector<256x1024xf32>
      %mul3A_69 = arith.constant 5.000000e-01 : f32
      %mul3A_70 = vector.broadcast %mul3A_69 : f32 to vector<256x1024xf32>
      %mul3A_71 = arith.mulf %mul3A_70, %add3A_68 : vector<256x1024xf32>
      %mul3A_72 = arith.mulf %add3A_55, %mul3A_71 : vector<256x1024xf32>
      %convert_element_type3A_73 = arith.truncf %mul3A_72 : vector<256x1024xf32> to vector<256x1024xbf16>
      %swap3A_74 = arith.constant 0 : index
      %swap3A_75 = arith.constant 1024 : index
      %swap3A_76 = vector.load %arg13[%swap3A_74, %swap3A_75] : memref<256x2048xbf16, #tpu.memory_space<vmem>>, vector<256x1024xbf16>
      tpu.vector_store %arg13[%swap3A_74, %swap3A_75], %convert_element_type3A_73 {strides = array<i32>} : memref<256x2048xbf16, #tpu.memory_space<vmem>>, vector<256x1024xbf16>,
    } else {
    }
    return
  }
  func.func @transform_0(%arg0: i32, %arg1: i32, %arg2: memref<48xi32, #tpu.memory_space<smem>>, %arg3: memref<48xi32, #tpu.memory_space<smem>>, %arg4: memref<48xi32, #tpu.memory_space<smem>>, %arg5: memref<48xi32, #tpu.memory_space<smem>>, %arg6: memref<48xi32, #tpu.memory_space<smem>>, %arg7: memref<48xi32, #tpu.memory_space<smem>>) -> (i32, i32) {
    %get3A = arith.index_cast %arg1 : i32 to index
    %get3A_0 = memref.load %arg7[%get3A] : memref<48xi32, #tpu.memory_space<smem>>
    %c0_i32 = arith.constant 0 : i32
    %c0_i32_1 = arith.constant 0 : i32
    return %get3A_0, %c0_i32 : i32, i32
  }
  func.func @transform_1(%arg0: i32, %arg1: i32, %arg2: memref<48xi32, #tpu.memory_space<smem>>, %arg3: memref<48xi32, #tpu.memory_space<smem>>, %arg4: memref<48xi32, #tpu.memory_space<smem>>, %arg5: memref<48xi32, #tpu.memory_space<smem>>, %arg6: memref<48xi32, #tpu.memory_space<smem>>, %arg7: memref<48xi32, #tpu.memory_space<smem>>) -> (i32, i32, i32) {
    %get3A = arith.index_cast %arg1 : i32 to index
    %get3A_0 = memref.load %arg2[%get3A] : memref<48xi32, #tpu.memory_space<smem>>
    %c0_i32 = arith.constant 0 : i32
    %c0_i32_1 = arith.constant 0 : i32
    return %get3A_0, %c0_i32, %arg0 : i32, i32, i32
  }
  func.func @transform_2(%arg0: i32, %arg1: i32, %arg2: memref<48xi32, #tpu.memory_space<smem>>, %arg3: memref<48xi32, #tpu.memory_space<smem>>, %arg4: memref<48xi32, #tpu.memory_space<smem>>, %arg5: memref<48xi32, #tpu.memory_space<smem>>, %arg6: memref<48xi32, #tpu.memory_space<smem>>, %arg7: memref<48xi32, #tpu.memory_space<smem>>) -> (i32, i32, i32) {
    %get3A = arith.index_cast %arg1 : i32 to index
    %get3A_0 = memref.load %arg2[%get3A] : memref<48xi32, #tpu.memory_space<smem>>
    %c0_i32 = arith.constant 0 : i32
    %c0_i32_1 = arith.constant 0 : i32
    return %get3A_0, %c0_i32, %arg0 : i32, i32, i32
  }
  func.func @transform_3(%arg0: i32, %arg1: i32, %arg2: memref<48xi32, #tpu.memory_space<smem>>, %arg3: memref<48xi32, #tpu.memory_space<smem>>, %arg4: memref<48xi32, #tpu.memory_space<smem>>, %arg5: memref<48xi32, #tpu.memory_space<smem>>, %arg6: memref<48xi32, #tpu.memory_space<smem>>, %arg7: memref<48xi32, #tpu.memory_space<smem>>) -> (i32, i32, i32) {
    %get3A = arith.index_cast %arg1 : i32 to index
    %get3A_0 = memref.load %arg3[%get3A] : memref<48xi32, #tpu.memory_space<smem>>
    %c0_i32 = arith.constant 0 : i32
    %c0_i32_1 = arith.constant 0 : i32
    return %get3A_0, %c0_i32, %arg0 : i32, i32, i32
  }
  func.func @transform_4(%arg0: i32, %arg1: i32, %arg2: memref<48xi32, #tpu.memory_space<smem>>, %arg3: memref<48xi32, #tpu.memory_space<smem>>, %arg4: memref<48xi32, #tpu.memory_space<smem>>, %arg5: memref<48xi32, #tpu.memory_space<smem>>, %arg6: memref<48xi32, #tpu.memory_space<smem>>, %arg7: memref<48xi32, #tpu.memory_space<smem>>) -> (i32, i32, i32) {
    %get3A = arith.index_cast %arg1 : i32 to index
    %get3A_0 = memref.load %arg3[%get3A] : memref<48xi32, #tpu.memory_space<smem>>
    %c0_i32 = arith.constant 0 : i32
    %c0_i32_1 = arith.constant 0 : i32
    return %get3A_0, %c0_i32, %arg0 : i32, i32, i32
  }
  func.func @transform_5(%arg0: i32, %arg1: i32, %arg2: memref<48xi32, #tpu.memory_space<smem>>, %arg3: memref<48xi32, #tpu.memory_space<smem>>, %arg4: memref<48xi32, #tpu.memory_space<smem>>, %arg5: memref<48xi32, #tpu.memory_space<smem>>, %arg6: memref<48xi32, #tpu.memory_space<smem>>, %arg7: memref<48xi32, #tpu.memory_space<smem>>) -> (i32, i32) {
    %get3A = arith.index_cast %arg1 : i32 to index
    %get3A_0 = memref.load %arg7[%get3A] : memref<48xi32, #tpu.memory_space<smem>>
    %c0_i32 = arith.constant 0 : i32
    return %get3A_0, %arg0 : i32, i32
  }
}

module attributes {stable_mosaic.version = 14 : i64} {
  func.func @_ffn2_body(%arg0: i32, %arg1: i32, %arg2: memref<48xi32, #tpu.memory_space<smem>>, %arg3: memref<48xi32, #tpu.memory_space<smem>>, %arg4: memref<48xi32, #tpu.memory_space<smem>>, %arg5: memref<48xi32, #tpu.memory_space<smem>>, %arg6: memref<48xi32, #tpu.memory_space<smem>>, %arg7: memref<48xi32, #tpu.memory_space<smem>>, %arg8: memref<256x4096xbf16, #tpu.memory_space<vmem>>, %arg9: memref<1x4096x512xf32, #tpu.memory_space<vmem>>, %arg10: memref<1x1x512xf32, #tpu.memory_space<vmem>>, %arg11: memref<1x4096x512xf32, #tpu.memory_space<vmem>>, %arg12: memref<1x1x512xf32, #tpu.memory_space<vmem>>, %arg13: memref<256x512xf32, #tpu.memory_space<vmem>>) attributes {dimension_semantics = [#tpu.dimension_semantics<arbitrary>, #tpu.dimension_semantics<arbitrary>], iteration_bounds = array<i64: 2, 48>, scalar_prefetch = 6 : i64, scratch_operands = 0 : i64, tpu.core_type = #tpu.core_type<tc>, window_params = [{transform_indices = @transform_0, window_bounds = array<i64: 256, 4096>}, {transform_indices = @transform_1, window_bounds = array<i64: 1, 4096, 512>}, {transform_indices = @transform_2, window_bounds = array<i64: 1, 1, 512>}, {transform_indices = @transform_3, window_bounds = array<i64: 1, 4096, 512>}, {transform_indices = @transform_4, window_bounds = array<i64: 1, 1, 512>}, {transform_indices = @transform_5, window_bounds = array<i64: 256, 512>}]} {
    %get3A = arith.index_cast %arg1 : i32 to index
    %get3A_0 = memref.load %arg4[%get3A] : memref<48xi32, #tpu.memory_space<smem>>
    %eq3A = arith.constant 1 : i32
    %eq3A_1 = arith.cmpi eq, %get3A_0, %eq3A : i32
    %convert_element_type3A = arith.extui %eq3A_1 : i1 to i32
    %cond3A = arith.constant 0 : i32
    %cond3A_2 = arith.cmpi ne, %convert_element_type3A, %cond3A : i32
    scf.if %cond3A_2 {
      %get3A_26 = arith.constant 0 : index
      %get3A_27 = arith.constant 0 : index
      %get3A_28 = vector.load %arg8[%get3A_26, %get3A_27] : memref<256x4096xbf16, #tpu.memory_space<vmem>>, vector<256x4096xbf16>
      %convert_element_type3A_29 = arith.extf %get3A_28 : vector<256x4096xbf16> to vector<256x4096xf32>
      %get3A_30 = arith.constant 0 : index
      %get3A_31 = arith.constant 0 : index
      %get3A_32 = arith.constant 0 : index
      %get3A_33 = vector.load %arg9[%get3A_30, %get3A_31, %get3A_32] : memref<1x4096x512xf32, #tpu.memory_space<vmem>>, vector<1x4096x512xf32>
      %get3A_34 = vector.shape_cast %get3A_33 : vector<1x4096x512xf32> to vector<4096x512xf32>
      %dot_general3A = arith.constant dense<0.000000e+00> : vector<256x512xf32>
      %dot_general3A_35 = tpu.matmul %convert_element_type3A_29, %get3A_34, %dot_general3A {dimension_numbers = #tpu.dot_dimension_numbers<[1], [0], [0], [1], [0, 0, 1, 1], [], []>, transpose_lhs_hint = false} : vector<256x4096xf32>, vector<4096x512xf32>, vector<256x512xf32> -> vector<256x512xf32>
      %get3A_36 = arith.constant 0 : index
      %get3A_37 = arith.constant 0 : index
      %get3A_38 = arith.constant 0 : index
      %get3A_39 = vector.load %arg10[%get3A_36, %get3A_37, %get3A_38] : memref<1x1x512xf32, #tpu.memory_space<vmem>>, vector<1x1x512xf32>
      %get3A_40 = vector.shape_cast %get3A_39 : vector<1x1x512xf32> to vector<1x512xf32>
      %add3A = vector.broadcast %get3A_40 : vector<1x512xf32> to vector<256x512xf32>
      %add3A_41 = arith.addf %dot_general3A_35, %add3A : vector<256x512xf32>
      %swap3A = arith.constant 0 : index
      %swap3A_42 = arith.constant 0 : index
      %swap3A_43 = vector.load %arg13[%swap3A, %swap3A_42] : memref<256x512xf32, #tpu.memory_space<vmem>>, vector<256x512xf32>
      tpu.vector_store %arg13[%swap3A, %swap3A_42], %add3A_41 {strides = array<i32>} : memref<256x512xf32, #tpu.memory_space<vmem>>, vector<256x512xf32>,
    } else {
    }
    %get3A_3 = arith.index_cast %arg1 : i32 to index
    %get3A_4 = memref.load %arg5[%get3A_3] : memref<48xi32, #tpu.memory_space<smem>>
    %eq3A_5 = arith.constant 1 : i32
    %eq3A_6 = arith.cmpi eq, %get3A_4, %eq3A_5 : i32
    %convert_element_type3A_7 = arith.extui %eq3A_6 : i1 to i32
    %cond3A_8 = arith.constant 0 : i32
    %cond3A_9 = arith.cmpi ne, %convert_element_type3A_7, %cond3A_8 : i32
    scf.if %cond3A_9 {
      %get3A_26 = arith.constant 0 : index
      %get3A_27 = arith.constant 0 : index
      %get3A_28 = vector.load %arg8[%get3A_26, %get3A_27] : memref<256x4096xbf16, #tpu.memory_space<vmem>>, vector<256x4096xbf16>
      %convert_element_type3A_29 = arith.extf %get3A_28 : vector<256x4096xbf16> to vector<256x4096xf32>
      %get3A_30 = arith.constant 0 : index
      %get3A_31 = arith.constant 0 : index
      %get3A_32 = arith.constant 0 : index
      %get3A_33 = vector.load %arg11[%get3A_30, %get3A_31, %get3A_32] : memref<1x4096x512xf32, #tpu.memory_space<vmem>>, vector<1x4096x512xf32>
      %get3A_34 = vector.shape_cast %get3A_33 : vector<1x4096x512xf32> to vector<4096x512xf32>
      %dot_general3A = arith.constant dense<0.000000e+00> : vector<256x512xf32>
      %dot_general3A_35 = tpu.matmul %convert_element_type3A_29, %get3A_34, %dot_general3A {dimension_numbers = #tpu.dot_dimension_numbers<[1], [0], [0], [1], [0, 0, 1, 1], [], []>, transpose_lhs_hint = false} : vector<256x4096xf32>, vector<4096x512xf32>, vector<256x512xf32> -> vector<256x512xf32>
      %get3A_36 = arith.constant 0 : index
      %get3A_37 = arith.constant 0 : index
      %get3A_38 = arith.constant 0 : index
      %get3A_39 = vector.load %arg12[%get3A_36, %get3A_37, %get3A_38] : memref<1x1x512xf32, #tpu.memory_space<vmem>>, vector<1x1x512xf32>
      %get3A_40 = vector.shape_cast %get3A_39 : vector<1x1x512xf32> to vector<1x512xf32>
      %add3A = vector.broadcast %get3A_40 : vector<1x512xf32> to vector<256x512xf32>
      %add3A_41 = arith.addf %dot_general3A_35, %add3A : vector<256x512xf32>
      %swap3A = arith.constant 0 : index
      %swap3A_42 = arith.constant 0 : index
      %swap3A_43 = vector.load %arg13[%swap3A, %swap3A_42] : memref<256x512xf32, #tpu.memory_space<vmem>>, vector<256x512xf32>
      tpu.vector_store %arg13[%swap3A, %swap3A_42], %add3A_41 {strides = array<i32>} : memref<256x512xf32, #tpu.memory_space<vmem>>, vector<256x512xf32>,
    } else {
    }
    %get3A_10 = arith.index_cast %arg1 : i32 to index
    %get3A_11 = memref.load %arg4[%get3A_10] : memref<48xi32, #tpu.memory_space<smem>>
    %eq3A_12 = arith.constant 0 : i32
    %eq3A_13 = arith.cmpi eq, %get3A_11, %eq3A_12 : i32
    %get3A_14 = arith.index_cast %arg1 : i32 to index
    %get3A_15 = memref.load %arg5[%get3A_14] : memref<48xi32, #tpu.memory_space<smem>>
    %eq3A_16 = arith.constant 0 : i32
    %eq3A_17 = arith.cmpi eq, %get3A_15, %eq3A_16 : i32
    %and3A = arith.andi %eq3A_13, %eq3A_17 : i1
    %get3A_18 = arith.index_cast %arg1 : i32 to index
    %get3A_19 = memref.load %arg6[%get3A_18] : memref<48xi32, #tpu.memory_space<smem>>
    %eq3A_20 = arith.constant 1 : i32
    %eq3A_21 = arith.cmpi eq, %get3A_19, %eq3A_20 : i32
    %and3A_22 = arith.andi %and3A, %eq3A_21 : i1
    %convert_element_type3A_23 = arith.extui %and3A_22 : i1 to i32
    %cond3A_24 = arith.constant 0 : i32
    %cond3A_25 = arith.cmpi ne, %convert_element_type3A_23, %cond3A_24 : i32
    scf.if %cond3A_25 {
      %broadcast_in_dim3A = arith.constant 0.000000e+00 : f32
      %broadcast_in_dim3A_26 = vector.broadcast %broadcast_in_dim3A : f32 to vector<256x512xf32>
      %swap3A = arith.constant 0 : index
      %swap3A_27 = arith.constant 0 : index
      %swap3A_28 = vector.load %arg13[%swap3A, %swap3A_27] : memref<256x512xf32, #tpu.memory_space<vmem>>, vector<256x512xf32>
      tpu.vector_store %arg13[%swap3A, %swap3A_27], %broadcast_in_dim3A_26 {strides = array<i32>} : memref<256x512xf32, #tpu.memory_space<vmem>>, vector<256x512xf32>,
    } else {
    }
    return
  }
  func.func @transform_0(%arg0: i32, %arg1: i32, %arg2: memref<48xi32, #tpu.memory_space<smem>>, %arg3: memref<48xi32, #tpu.memory_space<smem>>, %arg4: memref<48xi32, #tpu.memory_space<smem>>, %arg5: memref<48xi32, #tpu.memory_space<smem>>, %arg6: memref<48xi32, #tpu.memory_space<smem>>, %arg7: memref<48xi32, #tpu.memory_space<smem>>) -> (i32, i32) {
    %get3A = arith.index_cast %arg1 : i32 to index
    %get3A_0 = memref.load %arg7[%get3A] : memref<48xi32, #tpu.memory_space<smem>>
    %c0_i32 = arith.constant 0 : i32
    %c0_i32_1 = arith.constant 0 : i32
    return %get3A_0, %c0_i32 : i32, i32
  }
  func.func @transform_1(%arg0: i32, %arg1: i32, %arg2: memref<48xi32, #tpu.memory_space<smem>>, %arg3: memref<48xi32, #tpu.memory_space<smem>>, %arg4: memref<48xi32, #tpu.memory_space<smem>>, %arg5: memref<48xi32, #tpu.memory_space<smem>>, %arg6: memref<48xi32, #tpu.memory_space<smem>>, %arg7: memref<48xi32, #tpu.memory_space<smem>>) -> (i32, i32, i32) {
    %get3A = arith.index_cast %arg1 : i32 to index
    %get3A_0 = memref.load %arg2[%get3A] : memref<48xi32, #tpu.memory_space<smem>>
    %c0_i32 = arith.constant 0 : i32
    %c0_i32_1 = arith.constant 0 : i32
    return %get3A_0, %c0_i32, %arg0 : i32, i32, i32
  }
  func.func @transform_2(%arg0: i32, %arg1: i32, %arg2: memref<48xi32, #tpu.memory_space<smem>>, %arg3: memref<48xi32, #tpu.memory_space<smem>>, %arg4: memref<48xi32, #tpu.memory_space<smem>>, %arg5: memref<48xi32, #tpu.memory_space<smem>>, %arg6: memref<48xi32, #tpu.memory_space<smem>>, %arg7: memref<48xi32, #tpu.memory_space<smem>>) -> (i32, i32, i32) {
    %get3A = arith.index_cast %arg1 : i32 to index
    %get3A_0 = memref.load %arg2[%get3A] : memref<48xi32, #tpu.memory_space<smem>>
    %c0_i32 = arith.constant 0 : i32
    %c0_i32_1 = arith.constant 0 : i32
    return %get3A_0, %c0_i32, %arg0 : i32, i32, i32
  }
  func.func @transform_3(%arg0: i32, %arg1: i32, %arg2: memref<48xi32, #tpu.memory_space<smem>>, %arg3: memref<48xi32, #tpu.memory_space<smem>>, %arg4: memref<48xi32, #tpu.memory_space<smem>>, %arg5: memref<48xi32, #tpu.memory_space<smem>>, %arg6: memref<48xi32, #tpu.memory_space<smem>>, %arg7: memref<48xi32, #tpu.memory_space<smem>>) -> (i32, i32, i32) {
    %get3A = arith.index_cast %arg1 : i32 to index
    %get3A_0 = memref.load %arg3[%get3A] : memref<48xi32, #tpu.memory_space<smem>>
    %c0_i32 = arith.constant 0 : i32
    %c0_i32_1 = arith.constant 0 : i32
    return %get3A_0, %c0_i32, %arg0 : i32, i32, i32
  }
  func.func @transform_4(%arg0: i32, %arg1: i32, %arg2: memref<48xi32, #tpu.memory_space<smem>>, %arg3: memref<48xi32, #tpu.memory_space<smem>>, %arg4: memref<48xi32, #tpu.memory_space<smem>>, %arg5: memref<48xi32, #tpu.memory_space<smem>>, %arg6: memref<48xi32, #tpu.memory_space<smem>>, %arg7: memref<48xi32, #tpu.memory_space<smem>>) -> (i32, i32, i32) {
    %get3A = arith.index_cast %arg1 : i32 to index
    %get3A_0 = memref.load %arg3[%get3A] : memref<48xi32, #tpu.memory_space<smem>>
    %c0_i32 = arith.constant 0 : i32
    %c0_i32_1 = arith.constant 0 : i32
    return %get3A_0, %c0_i32, %arg0 : i32, i32, i32
  }
  func.func @transform_5(%arg0: i32, %arg1: i32, %arg2: memref<48xi32, #tpu.memory_space<smem>>, %arg3: memref<48xi32, #tpu.memory_space<smem>>, %arg4: memref<48xi32, #tpu.memory_space<smem>>, %arg5: memref<48xi32, #tpu.memory_space<smem>>, %arg6: memref<48xi32, #tpu.memory_space<smem>>, %arg7: memref<48xi32, #tpu.memory_space<smem>>) -> (i32, i32) {
    %get3A = arith.index_cast %arg1 : i32 to index
    %get3A_0 = memref.load %arg7[%get3A] : memref<48xi32, #tpu.memory_space<smem>>
    %c0_i32 = arith.constant 0 : i32
    return %get3A_0, %arg0 : i32, i32
  }
}

module attributes {stable_mosaic.version = 14 : i64} {
  func.func @_add_body(%arg0: i32, %arg1: memref<256x1024xf32, #tpu.memory_space<vmem>>, %arg2: memref<256x1024xf32, #tpu.memory_space<vmem>>, %arg3: memref<256x1024xf32, #tpu.memory_space<vmem>>) attributes {dimension_semantics = [#tpu.dimension_semantics<arbitrary>], iteration_bounds = array<i64: 16>, scalar_prefetch = 0 : i64, scratch_operands = 0 : i64, tpu.core_type = #tpu.core_type<tc>, window_params = [{transform_indices = @transform_0, window_bounds = array<i64: 256, 1024>}, {transform_indices = @transform_1, window_bounds = array<i64: 256, 1024>}, {transform_indices = @transform_2, window_bounds = array<i64: 256, 1024>}]} {
    %get3A = arith.constant 0 : index
    %get3A_0 = arith.constant 0 : index
    %get3A_1 = vector.load %arg1[%get3A, %get3A_0] : memref<256x1024xf32, #tpu.memory_space<vmem>>, vector<256x1024xf32>
    %get3A_2 = arith.constant 0 : index
    %get3A_3 = arith.constant 0 : index
    %get3A_4 = vector.load %arg2[%get3A_2, %get3A_3] : memref<256x1024xf32, #tpu.memory_space<vmem>>, vector<256x1024xf32>
    %add3A = arith.addf %get3A_1, %get3A_4 : vector<256x1024xf32>
    %swap3A = arith.constant 0 : index
    %swap3A_5 = arith.constant 0 : index
    %swap3A_6 = vector.load %arg3[%swap3A, %swap3A_5] : memref<256x1024xf32, #tpu.memory_space<vmem>>, vector<256x1024xf32>
    tpu.vector_store %arg3[%swap3A, %swap3A_5], %add3A {strides = array<i32>} : memref<256x1024xf32, #tpu.memory_space<vmem>>, vector<256x1024xf32>,
    return
  }
  func.func @transform_0(%arg0: i32) -> (i32, i32) {
    %c0_i32 = arith.constant 0 : i32
    %c0_i32_0 = arith.constant 0 : i32
    return %arg0, %c0_i32 : i32, i32
  }
  func.func @transform_1(%arg0: i32) -> (i32, i32) {
    %add3A = arith.constant 16 : i32
    %add3A_0 = arith.addi %arg0, %add3A : i32
    %c0_i32 = arith.constant 0 : i32
    %c0_i32_1 = arith.constant 0 : i32
    return %add3A_0, %c0_i32 : i32, i32
  }
  func.func @transform_2(%arg0: i32) -> (i32, i32) {
    %c0_i32 = arith.constant 0 : i32
    %c0_i32_0 = arith.constant 0 : i32
    return %arg0, %c0_i32 : i32, i32
  }
}

</mosaic_0001>

<sc_bundles>
// kernel: gather_offload_async_start.1
scs
__scs_entry_jumppad:
0x0: {  	(pc) =	sbr.rel $0x88, $3  }
0x1: {  	(tag) =	ssettag $0x0;
	lr =	simm.s32 $0x1  }
0x2: {  	[smem:$0x3F94] =	sst lr;
	_ =	strace $0xD0000000  }
0x3: {  	_ = 	snop  }
0x4: {  	_ = 	snop  }
0x5: {  	_ = 	snop  }
0x6: {  	_ = 	snop  }
0x7: {  	_ = 	snop  }
__scs_overlays_trampoline_lowered:
0x8: {  	[smem:$0x3FA3] =	sst s0  }
0x9: {  	[smem:$0x3FA4] =	sst s1  }
0xa: {  	[smem:$0x3FA5] =	sst s2  }
0xb: {  	[smem:$0x3FA6] =	sst s3  }
0xc: {  	[smem:$0x3FA7] =	sst s4  }
0xd: {  	[smem:$0x3FA8] =	sst s5  }
0xe: {  	[smem:$0x3FA9] =	sst s6  }
0xf: {  	[smem:$0x3FAA] =	sst s7  }
0x10: {  	[smem:$0x3FAB] =	sst s8  }
0x11: {  	[smem:$0x3FAC] =	sst s9;
	s0 =	simm.s32 @!p0 $0x0  }
0x12: {  	s1 =	sld [smem:$0x3F92];
	s0 =	simm.s32 @p0 $0x1  }
0x13: {  	[smem:$0x3FAD] =	sst s0;
	s0 =	simm.s32 @!p1 $0x0  }
0x14: {  	s2 =	sld [smem:$0x3F91];
	s0 =	simm.s32 @p1 $0x1  }
0x15: {  	[smem:$0x3FAE] =	sst s0;
	s0 =	simm.s32 @!p2 $0x0  }
0x16: {  	s3 =	sld [smem:$0x3FDB];
	s0 =	simm.s32 @p2 $0x1  }
0x17: {  	s4 =	simm.s32 $0x1BF5;
	[smem:$0x3FB0] =	sst s0  }
0x18: {  	s0 =	sld [smem:$0x3F93];
	_ =	swait.ge [sflag:s4], $0x0  }
0x19: {  	s7 =	sld [smem:$0x3F94]  }
0x1a: {  	s8 =	sadd.s32 $0xFFFFE003, lr  }
0x1b: {  	s9 =	sadd.s32 $0xFFFFFEF7, lr;
	s5 =	simm.s32 $0xFFFFFFFF;
	p2 =	slt.u32 s8, $0xFFFFF086  }
0x1c: {  	p1 =	slt.u32 s9, $0xF7A;
	s5 =	simm.s32 @!p2 $0x0  }
0x1d: {  	s5 =	simm.s32 @p1 $0x1;
	p0 =	seq.s32 s7, s2  }
0x1e: {  	s7 =	smul.u32 @!p0 $0xF7A, s2;
	p2 =	seq.s32 @!p0 s5, $0x0  }
0x1f: {  	s9 =	smul.u32 $0xF7A, s1;
	s8 =	simm.s32 @!p0 $0x1BF5;
	p2 =	por !p2, p0  }
0x20: {  	[sflag:s8] =	ssyncset.s32 @!p0 $0xFFFFF086;
	s6 =	sadd.s32 @!p0 s3, s7;
	s7 =	simm.s32 @!p0 $0x108  }
0x21: {  	s3 =	sadd.s32 s3, s9;
	s6 =	sadd.s32 @!p0 $0x88, s6;
	s7 =	simm.s32 @p2 $0x1082  }
0x22: {  	[simem:s7], [sflag:s8] =	dma.local @!p0 [hbm:s6], $0xF7A  }
0x23: {  	s9 =	sor.u32 $0xD0000000, s2;
	s6 =	simm.s32 $0x108;
	_ =	swait.ge @!p0 [sflag:s8], $0x0  }
0x24: {  	s3 =	sadd.s32 $0x88, s3;
	s6 =	simm.s32 @!p1 $0x1082;
	[sflag:s4] =	ssyncset.s32 $0xFFFFF086  }
0x25: {  	[simem:s6], [sflag:s4] =	dma.local [hbm:s3], $0xF7A  }
0x26: {  	[smem:$0x3F94] =	sst s1;
	(tag) =	ssettag s2;
	_ =	strace s9  }
0x27: {  	s1 =	sld [smem:$0x3FA4]  }
0x28: {  	s2 =	sld [smem:$0x3FA5]  }
0x29: {  	s4 =	sld [smem:$0x3FA7]  }
0x2a: {  	p0 =	seq.s32 s5, $0x0;
	s5 =	sld [smem:$0x3FA8]  }
0x2b: {  	s6 =	sld [smem:$0x3FA9]  }
0x2c: {  	s7 =	sld [smem:$0x3FAA]  }
0x2d: {  	s3 =	simm.s32 $0x108;
	s8 =	sld [smem:$0x3FAB]  }
0x2e: {  	s3 =	simm.s32 @!p0 $0x1082;
	s9 =	sld [smem:$0x3FAC]  }
0x2f: {  	lr =	sadd.s32 s0, s3;
	s0 =	sld [smem:$0x3FA3]  }
0x30: {  	s3 =	sld [smem:$0x3FA6]  }
0x31: {  	[smem:$0x3FAF] =	sst s10  }
0x32: {  	s10 =	sld [smem:$0x3FAD];
	_ =	sdelay $0x3  }
0x33: {  	p0 =	seq.s32 s10, $0x1;
	s10 =	sld [smem:$0x3FAF];
	_ =	sdelay $0x3  }
0x34: {  	[smem:$0x3FAF] =	sst s10  }
0x35: {  	s10 =	sld [smem:$0x3FAE];
	_ =	sdelay $0x3  }
0x36: {  	p1 =	seq.s32 s10, $0x1;
	s10 =	sld [smem:$0x3FAF];
	_ =	sdelay $0x3  }
0x37: {  	[smem:$0x3FAF] =	sst s10  }
0x38: {  	s10 =	sld [smem:$0x3FB0]  }
0x39: {  	_ = 	snop;
	(pc) =	sbr.ind lr, $3  }
0x3a: {  	_ = 	snop  }
0x3b: {  	_ = 	snop  }
0x3c: {  	p2 =	seq.s32 s10, $0x1;
	s10 =	sld [smem:$0x3FAF]  }
0x3d: {  	_ =	shalt  }
0x3e: {  	_ =	shalt  }
0x3f: {  	_ =	shalt  }
0x40: {  	_ =	shalt  }
0x41: {  	_ =	shalt  }
0x42: {  	_ =	shalt  }
0x43: {  	_ =	shalt  }
0x44: {  	_ =	shalt  }
0x45: {  	_ =	shalt  }
0x46: {  	_ =	shalt  }
0x47: {  	_ =	shalt  }
0x48: {  	_ =	shalt  }
0x49: {  	_ =	shalt  }
0x4a: {  	_ =	shalt  }
0x4b: {  	_ =	shalt  }
0x4c: {  	_ =	shalt  }
0x4d: {  	_ =	shalt  }
0x4e: {  	_ =	shalt  }
0x4f: {  	_ =	shalt  }
0x50: {  	_ =	shalt  }
0x51: {  	_ =	shalt  }
0x52: {  	_ =	shalt  }
0x53: {  	_ =	shalt  }
0x54: {  	_ =	shalt  }
0x55: {  	_ =	shalt  }
0x56: {  	_ =	shalt  }
0x57: {  	_ =	shalt  }
0x58: {  	_ =	shalt  }
0x59: {  	_ =	shalt  }
0x5a: {  	_ =	shalt  }
0x5b: {  	_ =	shalt  }
0x5c: {  	_ =	shalt  }
0x5d: {  	_ =	shalt  }
0x5e: {  	_ =	shalt  }
0x5f: {  	_ =	shalt  }
0x60: {  	_ =	shalt  }
0x61: {  	_ =	shalt  }
0x62: {  	_ =	shalt  }
0x63: {  	_ =	shalt  }
0x64: {  	_ =	shalt  }
0x65: {  	_ =	shalt  }
0x66: {  	_ =	shalt  }
0x67: {  	_ =	shalt  }
0x68: {  	_ =	shalt  }
0x69: {  	_ =	shalt  }
0x6a: {  	_ =	shalt  }
0x6b: {  	_ =	shalt  }
0x6c: {  	_ =	shalt  }
0x6d: {  	_ =	shalt  }
0x6e: {  	_ =	shalt  }
0x6f: {  	_ =	shalt  }
0x70: {  	_ =	shalt  }
0x71: {  	_ =	shalt  }
0x72: {  	_ =	shalt  }
0x73: {  	_ =	shalt  }
0x74: {  	_ =	shalt  }
0x75: {  	_ =	shalt  }
0x76: {  	_ =	shalt  }
0x77: {  	_ =	shalt  }
0x78: {  	_ =	shalt  }
0x79: {  	_ =	shalt  }
0x7a: {  	_ =	shalt  }
0x7b: {  	_ =	shalt  }
0x7c: {  	_ =	shalt  }
0x7d: {  	_ =	shalt  }
0x7e: {  	_ =	shalt  }
0x7f: {  	_ =	shalt  }
0x80: {  	_ =	shalt  }
0x81: {  	_ =	shalt  }
0x82: {  	_ =	shalt  }
0x83: {  	_ =	shalt  }
0x84: {  	_ =	shalt  }
0x85: {  	_ =	shalt  }
0x86: {  	_ =	shalt  }
0x87: {  	_ =	shalt  }
.Lfunc_end0:
.L_simem_size_0:
called_computation.2_lowered:
.L_overlay_start_0:
0x88: {  	s2 =	sld [smem:$0x3FD9]  }
0x89: {  	s3 =	sld [smem:$0x3FFE];
	_ =	sdelay $0x1  }
0x8a: {  	s1 =	srdreg.scid  }
0x8b: {  	s0 =	sand.u32 $0x1, s1  }
0x8c: {  	s17 =	sshll.u32 s0, $0xA;
	s2 =	sadd.s32 s3, s2  }
0x8d: {  	s2 =	sadd.s32 s2, s17  }
0x8e: {  	[smem:$0x3FBB] =	sst s2  }
0x8f: {  	_ = 	snop  }
0x90: {  	s2 =	sld [smem:$0x3FD0];
	(tm) =	ssettm $0x1  }
0x91: {  	s18 =	sld [smem:$0x3FFB];
	_ =	sdelay $0x3  }
0x92: {  	_ =	strace s18  }
0x93: {  	s3 =	sld [smem:$0x3FFC];
	_ =	sdelay $0x3  }
0x94: {  	_ =	strace s3  }
0x95: {  	s3 =	sld [smem:$0x3FFD];
	_ =	sdelay $0x3  }
0x96: {  	_ =	strace s3  }
0x97: {  	_ =	strace $0x8FFFFFFF  }
0x98: {  	s19 =	sld [smem:$0x3FDB];
	_ =	sdelay $0x1  }
0x99: {  	s4 =	simm.s32 $_scs_section_size  }
0x9a: {  	s5 =	simm.s32 $_size__tile_overlayer_lowered;
	s6 =	simm.s32 $_tile_overlayer_lowered  }
0x9b: {  	s22 =	simm.s32 $0x1BFF;
	s21 =	sshll.u32 s6, $0x1;
	s3 =	sadd.s32 s4, s19  }
0x9c: {  	s7 =	simm.s32 $0x0;
	s20 =	sshll.u32 s5, $0x1;
	s5 =	sadd.s32 s21, s3  }
0x9d: {  	[timem:s7], [sflag:s22] =	dma.local [hbm:s5], s20  }
0x9e: {  	_ =	swait.ge [sflag:s22], s20  }
0x9f: {  	s4 =	ssub.s32 $0x0, s20;
	[sflag:s22] =	ssyncset.done $0x0  }
0xa0: {  	[sflag:s22] =	ssyncadd.s32 s4;
	_ =	sdelay $0x1  }
0xa1: {  	s23 =	simm.s32 $0x1B8B  }
0xa2: {  	_ =	swait.ge [sflag:s23], $0x1  }
0xa3: {  	[sflag:s23] =	ssyncset.done $0x0  }
0xa4: {  	s25 =	simm.s32 $0x1B8E;
	s24 =	sld [smem:$0x3FFE];
	[sflag:s23] =	ssyncadd.s32 $0xFFFFFFFF  }
0xa5: {  	s26 =	simm.s32 $execute0_lowered;
	[smem:$0x3FD2] =	sst s25  }
0xa6: {  	s5 =	sshll.u32 s26, $0x1;
	_ =	strace $0x80000049;
	[dreg:$0x1] =	wrdreg $0xFFFFFFFF  }
0xa7: {  	s28 =	simm.s32 $_size_execute0_lowered;
	s3 =	sadd.s32 s3, s5;
	[dreg:$0x0] =	wrdreg $0x0  }
0xa8: {  	s5 =	sshll.u32 s28, $0x1;
	[dreg:$0x2] =	wrdreg s3  }
0xa9: {  	[dreg:$0x3] =	wrdreg s5  }
0xaa: {  	[dreg:$0x4] =	wrdreg $0xC0  }
0xab: {  	_ =	task [dreg:s7], $0x5FFFF  }
0xac: {  	[dreg:$0x1] =	wrdreg $0xFFFFFFFF  }
0xad: {  	[dreg:$0x0] =	wrdreg $0x60  }
0xae: {  	[dreg:$0x2] =	wrdreg s2  }
0xaf: {  	[dreg:$0x3] =	wrdreg s24  }
0xb0: {  	[dreg:$0x4] =	wrdreg $0x9  }
0xb1: {  	_ =	task.clear_ibuf [dreg:s7], $0x5FFFF;
	_ =	strace $0x90000049  }
0xb2: {  	s29 =	simm.s32 $0x9;
	_ =	strace $0x8000004B  }
0xb3: {  	_ =	swait.ge [sflag:s29], $0x1  }
0xb4: {  	[sflag:s29] =	ssyncadd.s32 $0xFFFFFFFF  }
0xb5: {  	_ =	strace $0x9000004B  }
0xb6: {  	_ =	sfence  }
0xb7: {  	s30 =	sld [smem:$0x0];
	_ =	sdelay $0x2  }
0xb8: {  	s31 =	sshll.u32 s1, $0xD;
	s1 =	sshrl.u32 s1, $0x2  }
0xb9: {  	s3 =	sand.u32 $0x4000, s31;
	s1 =	sadd.s32 s1, s30  }
0xba: {  	s0 =	sor.u32 s3, s0;
	s1 =	sshll.u32 s1, $0x11  }
0xbb: {  	s0 =	sor.u32 s1, s0  }
0xbc: {  	s0 =	sadd.s32 $0x8F2B, s0  }
0xbd: {  	[sflag:s0] =	ssyncadd.remote.s32 $0x1  }
0xbe: {  	_ =	sfence.sel $0xFFFF  }
0xbf: {  	[dreg:$0x0] =	wrdreg $0xFFFFFFFF;
	(pc) =	sbr.abs _section_cstart, $3  }
0xc0: {  	[dreg:$0x1] =	wrdreg $0xFFFFFFFF  }
0xc1: {  	_ =	task.clear_ibuf [dreg:s7], $0x2FFFF;
	_ =	strace $0x9FFFFFFF  }
0xc2: {  	(tm) =	ssettm $0x7FFFFFFF  }
0xc3: {  	_ =	shalt  }
tec
execute0_lowered:
.L_overlay_start_1:
0x0: {  	(tag) =	ssettag $0x1  }
0x1: {  	s1 =	srdreg.scid;
	s2 =	rddreg [dreg:$0x0]  }
0x2: {  	s0 =	stileid.u32;
	s5 =	rddreg [dreg:$0x1];
	s6 =	simm.s32 $0x1  }
0x3: {  	s9 =	simm.s32 $0x1;
	s10 =	simm.s32 $0x3;
	s1 =	sshll.u32 s1, $0x6  }
0x4: {  	s13 =	simm.s32 $0x0;
	s3 =	sshll.u32 s0, $0x7;
	s4 =	sand.u32 $0x40, s1  }
0x5: {  	s12 =	simm.s32 $0x0;
	s1 =	rddreg [dreg:$0x2];
	s3 =	sor.u32 s3, s4  }
0x6: {  	_ =	strace $0x8000004A;
	s4 =	sadd.s32 $0x1800, s5;
	s8 =	ssub.s32 $0x1000, s3  }
.Ltmp0:
0x7: {  	s5 =	sadd.s32 $0x1400, s5;
	s7 =	sand.u32 $0x7C0, s8;
	(pc) =	sbr.rel .LBB2_1-.Ltmp0, $4  }
0x8: {  	[sflag:s6] =	ssyncpa.u1 $0x0;
	s11 =	smov.u32 s3;
	p0 =	sne.s32 s7, $0x0  }
0x9: {  	s8 =	sshrl.u32 s8, $0xB;
	s7 =	simm.s32 $0x2;
	s9 =	simm.s32 @!p0 $0x0  }
0xa: {  	[sflag:s7] =	ssyncpa.u1 $0x0;
	p0 =	por $0x0, $0x0;
	s8 =	sadd.s32 s9, s8  }
0xb: {  	vm0 =	vmmov $0xffff;
	[sflag:s10] =	ssyncpa.u1 $0x0;
	s10 =	simm.s32 $0x0;
	s9 =	sadd.s32 $0x1, s8  }
.LBB2_4:
0xc: {  	v5 =	vshrl.u32 v1, $0xC;
	v6 =	vshll.u32 v1, $0x7  }
0xd: {  	vm1 =	veq.s32 v1, $0x80000000;
	v58 =	vand.u32 $0x7, v5;
	v59 =	vand.u32 $0x7FF80, v6  }
0xe: {  	v1 =	vsel vm1, $0xFFFFFFFF, v58;
	v5 =	vsel vm1, $0xFFFFFF80, v59  }
0xf: {  	v3 =	vor.u32 v4, v3;
	v60 =	vand.u32 $0xFFFFFC00, v5;
	v61 =	vand.u32 $0xFFFFFC00, v1  }
0x10: {  	v2 =	vor.u32 v2, v3;
	v63 =	vand.u32 $0x380, v5;
	v62 =	vadd.s32 v61, v60  }
0x11: {  	v1 =	vand.u32 $0x7F, v1;
	v3 =	vor.u32 v63, v62  }
0x12: {  	v1 =	vor.u32 v1, v3  }
0x13: {  	[tilespmem:s15], [sflag:$0x1] =	stream.indirect_vreg.gather [hbm4b:s2+s10], $0x1, v0, vm0, $0x4038;
	[tilespmem:$0x100] =	vst v63  }
0x14: {  	(ifvalue) =	ssetifvalue $0x7FFFFFFF  }
0x15: {  	[tilespmem:s16], [sflag:$0x1] =	stream.indirect_vreg.gather [hbm4b:s2+s10], $0x1, v2, vm0, $0x4038;
	[tilespmem:$0x100] =	vst v63  }
0x16: {  	s29 =	sadd.s32 $0x10, s16;
	(ifvalue) =	ssetifvalue $0x7FFFFFFF  }
0x17: {  	[tilespmem:s29], [sflag:$0x1] =	stream.indirect_vreg.gather [hbm4b:s2+s10], $0x1, v1, vm0, $0x4038;
	[tilespmem:$0x100] =	vst v63  }
0x18: {  	_ =	swait.ge [sflag:s6], $0x40  }
0x19: {  	s30 =	sshrl.u32 s13, $0x3;
	[sflag:s6] =	ssyncset.done $0x0  }
0x1a: {  	s31 =	sand.u32 $0x7, s13;
	s15 =	sadd.s32 s5, s30;
	[sflag:s6] =	ssyncadd.s32 $0xFFFFFFC0  }
0x1b: {  	[hbm4b:s15+s31] =	stream.linear.scatter [tilespmem:s14], [sflag:$0x3], $0x40, $0x38;
	[tilespmem:$0x100] =	vst v63  }
.LBB2_5:
0x1c: {  	s15 =	sadd.s32 $0x800, s11  }
0x1d: {  	p2 =	sgt.s32 s15, $0xFFF  }
0x1e: {  	s15 =	smov.u32 @p2 s3;
	p2 =	sne.s32 s12, s9  }
.Ltmp1:
0x1f: {  	p1 =	slt.u32 s12, $0x2;
	(pc) =	sbr.rel @!p2 .LBB2_6-.Ltmp1, $4  }
0x20: {  	s14 =	simm.s32 @!p1 $0x3  }
0x21: {  	s16 =	sadd.s32 $0x1, s12;
	_ =	swait.ge @!p1 [sflag:s14], $0x40  }
0x22: {  	s13 =	smov.u32 s11;
	p0 =	por !p0, !p0;
	[sflag:s14] =	ssyncset.done @!p1 $0x0  }
0x23: {  	s12 =	smov.u32 s16;
	s11 =	smov.u32 s15;
	[sflag:s14] =	ssyncadd.s32 @!p1 $0xFFFFFFC0  }
.LBB2_1:
0x24: {  	p1 =	sge.u32 s12, s8  }
0x25: {  	s14 =	sxor.u32 @!p1 $0xFFFFFFFF, s12  }
0x26: {  	s31 =	sadd.s32 $0xFFFFFFFF, s12;
	s15 =	sshrl.u32 @!p1 s11, $0x3;
	s14 =	sshll.u32 @!p1 s14, $0x6  }
0x27: {  	s16 =	sand.u32 @!p1 $0x7, s11;
	s15 =	sadd.s32 @!p1 s4, s15;
	s14 =	sand.u32 @!p1 $0x40, s14  }
0x28: {  	[tilespmem:s14], [sflag:$0x2] =	stream.linear.gather @!p1 [hbm4b:s15+s16], $0x40, $0x38;
	[tilespmem:$0x100] =	vst v63  }
0x29: {  	p1 =	sge.u32 s31, s8  }
.Ltmp2:
0x2a: {  	_ = 	snop;
	(pc) =	sbr.rel @p1 .LBB2_5-.Ltmp2, $1  }
0x2b: {  	_ =	sdelay $0x3  }
0x2c: {  	s14 =	simm.s32 $0x1  }
0x2d: {  	_ =	swait.ge [sflag:s7], $0x40;
	s14 =	simm.s32 @!p0 $0x0  }
0x2e: {  	[sflag:s7] =	ssyncset.done $0x0;
	s14 =	sshll.u32 s14, $0x6  }
0x2f: {  	[sflag:s7] =	ssyncadd.s32 $0xFFFFFFC0;
	(ifvalue) =	ssetifvalue $0x7FFFFFFF;
	v0 =	vld.msk [tilespmem:s14+$0x0 ss:$0x1], $0xffff;
	_ =	sdelay $0x4  }
0x30: {  	s15 =	sadd.s32 $0x10, s14;
	v2 =	vshrl.u32 v0, $0xC;
	v3 =	vshll.u32 v0, $0x7  }
0x31: {  	v1 =	vld.msk [tilespmem:s15+$0x0 ss:$0x1], $0xffff;
	vm1 =	veq.s32 v0, $0x80000000;
	v0 =	vand.u32 $0x7, v2;
	v2 =	vand.u32 $0x7FF80, v3  }
0x32: {  	v0 =	vsel vm1, $0xFFFFFFFF, v0;
	v2 =	vsel vm1, $0xFFFFFF80, v2  }
0x33: {  	v3 =	vand.u32 $0xFFFFFC00, v2;
	v4 =	vand.u32 $0xFFFFFC00, v0  }
0x34: {  	v2 =	vand.u32 $0x380, v2;
	v3 =	vadd.s32 v4, v3  }
0x35: {  	v0 =	vand.u32 $0x7F, v0;
	v2 =	vor.u32 v2, v3  }
0x36: {  	v5 =	vshll.u32 v1, $0x7;
	v4 =	vshrl.u32 v1, $0xC;
	v0 =	vor.u32 v0, v2  }
0x37: {  	s16 =	sshll.u32 s12, $0x6;
	vm1 =	veq.s32 v1, $0x80000000;
	v1 =	vand.u32 $0x7, v4;
	v4 =	vand.u32 $0x7FF80, v5  }
0x38: {  	s16 =	sand.u32 $0x40, s16;
	s18 =	sadd.s32 $0x10, s15;
	v3 =	vsel vm1, $0xFFFFFFFF, v1;
	v4 =	vsel vm1, $0xFFFFFF80, v4  }
0x39: {  	s17 =	simm.s32 $0x20;
	s15 =	sor.u32 $0x80, s14;
	s14 =	sor.u32 $0x80, s16;
	v1 =	vld.msk [tilespmem:s18+$0x0 ss:$0x1], $0xffff;
	v5 =	vand.u32 $0xFFFFFC00, v4;
	v6 =	vand.u32 $0xFFFFFC00, v3  }
0x3a: {  	s16 =	sadd.s32 $0x10, s15;
	s18 =	sadd.s32 $0x10, s18;
	(ifvalue) =	ssetifvalue $0x7FFFFFFF;
	v2 =	vand.u32 $0x7F, v3;
	v4 =	vand.u32 $0x380, v4;
	v3 =	vadd.s32 v6, v5  }
.LBB2_3:
0x3b: {  	[tilespmem:s15], [sflag:$0x1] =	stream.indirect_vreg.gather [hbm4b:s2+s10], $0x1, v0, vm0, $0x4038;
	[tilespmem:$0x100] =	vst v63  }
0x3c: {  	s17 =	sadd.s32 $0x10, s17  }
0x3d: {  	v3 =	vor.u32 v4, v3;
	p1 =	slt.u32 s17, $0x30  }
.Ltmp3:
0x3e: {  	v4 =	vshrl.u32 v1, $0xC;
	v5 =	vshll.u32 v1, $0x7;
	s15 =	smov.u32 s16;
	v0 =	vor.u32 v2, v3;
	v2 =	vmovc v1;
	v1 =	vld.msk [tilespmem:s18+$0x0 ss:$0x1], $0xffff;
	(pc) =	sbr.rel @p1 .LBB2_3-.Ltmp3, $4  }
0x3f: {  	v3 =	vand.u32 $0x7FF80, v5;
	vm1 =	veq.s32 v2, $0x80000000;
	v2 =	vand.u32 $0x7, v4  }
0x40: {  	v4 =	vsel vm1, $0xFFFFFFFF, v2;
	v5 =	vsel vm1, $0xFFFFFF80, v3  }
0x41: {  	v2 =	vand.u32 $0x7F, v4;
	v3 =	vand.u32 $0xFFFFFC00, v5;
	v4 =	vand.u32 $0xFFFFFC00, v4  }
0x42: {  	s16 =	sadd.s32 $0x10, s16;
	s18 =	sadd.s32 $0x10, s18;
	v3 =	vadd.s32 v4, v3;
	v4 =	vand.u32 $0x380, v5;
	(ifvalue) =	ssetifvalue $0x7FFFFFFF  }
.Ltmp4:
0x43: {  	_ = 	snop;
	(pc) =	sbr.rel .LBB2_4-.Ltmp4, $1  }
0x44: {  	_ =	sdelay $0x3  }
.LBB2_6:
0x45: {  	_ =	sfence.sel $0x180000  }
0x46: {  	s2 =	simm.s32 $0x2;
	[bflag:$0x0] =	sbarrier.arrive $0xFFFF  }
0x47: {  	s30 =	simm.s32 $0x3;
	[sflag:s2] =	ssyncpa.u1 $0x1  }
0x48: {  	s31 =	simm.s32 $0x1;
	[sflag:s30] =	ssyncpa.u1 $0x1  }
0x49: {  	[sflag:s31] =	ssyncpa.u1 $0x1  }
0x4a: {  	p0 =	sne.s32 s0, $0x0;
	_ =	strace $0x9000004A  }
0x4b: {  	s0 =	sadd.s32 @!p0 $0x100000, s1;
	[bflag:$0x2] =	sbarrier.arrive $0xFFFF  }
0x4c: {  	[sflag:s0] =	ssyncadd.tile.s32 @!p0 $0x1;
	_ =	shalt  }
.Lfunc_end2:
_tile_overlayer_lowered:
.L_overlay_start_2:
0x4d: {  	(tag) =	ssettag $0x2  }
0x4e: {  	s0 =	rddreg [dreg:$0x0];
	s2 =	stileid.u32  }
0x4f: {  	s1 =	rddreg [dreg:$0x1];
	p0 =	sne.s32 s2, $0x0  }
0x50: {  	s3 =	rddreg [dreg:$0x2];
	[bflag:$0x3] =	sbarrier.arrive $0xFFFF;
	s2 =	simm.s32 @!p0 $0x1C01  }
0x51: {  	[timem:s3], [sflag:s2] =	dma.local @!p0 [hbm:s0], s1  }
0x52: {  	s0 =	simm.s32 @!p0 $0x1  }
0x53: {  	_ =	swait.ge @!p0 [sflag:s0], s1  }
0x54: {  	s1 =	ssub.s32 @!p0 $0x0, s1;
	[sflag:s0] =	ssyncset.done @!p0 $0x0  }
0x55: {  	[sflag:s0] =	ssyncadd.s32 @!p0 s1  }
0x56: {  	[bflag:$0x3] =	sbarrier.arrive $0xFFFF  }
0x57: {  	_ =	shalt  }

// kernel: gather_offload_async_start
scs
__scs_entry_jumppad:
0x0: {  	(pc) =	sbr.rel $0x88, $3  }
0x1: {  	(tag) =	ssettag $0x0;
	lr =	simm.s32 $0x1  }
0x2: {  	[smem:$0x3F94] =	sst lr;
	_ =	strace $0xD0000000  }
0x3: {  	_ = 	snop  }
0x4: {  	_ = 	snop  }
0x5: {  	_ = 	snop  }
0x6: {  	_ = 	snop  }
0x7: {  	_ = 	snop  }
__scs_overlays_trampoline_lowered:
0x8: {  	[smem:$0x3FA3] =	sst s0  }
0x9: {  	[smem:$0x3FA4] =	sst s1  }
0xa: {  	[smem:$0x3FA5] =	sst s2  }
0xb: {  	[smem:$0x3FA6] =	sst s3  }
0xc: {  	[smem:$0x3FA7] =	sst s4  }
0xd: {  	[smem:$0x3FA8] =	sst s5  }
0xe: {  	[smem:$0x3FA9] =	sst s6  }
0xf: {  	[smem:$0x3FAA] =	sst s7  }
0x10: {  	[smem:$0x3FAB] =	sst s8  }
0x11: {  	[smem:$0x3FAC] =	sst s9;
	s0 =	simm.s32 @!p0 $0x0  }
0x12: {  	s1 =	sld [smem:$0x3F92];
	s0 =	simm.s32 @p0 $0x1  }
0x13: {  	[smem:$0x3FAD] =	sst s0;
	s0 =	simm.s32 @!p1 $0x0  }
0x14: {  	s2 =	sld [smem:$0x3F91];
	s0 =	simm.s32 @p1 $0x1  }
0x15: {  	[smem:$0x3FAE] =	sst s0;
	s0 =	simm.s32 @!p2 $0x0  }
0x16: {  	s3 =	sld [smem:$0x3FDB];
	s0 =	simm.s32 @p2 $0x1  }
0x17: {  	s4 =	simm.s32 $0x1BF5;
	[smem:$0x3FB0] =	sst s0  }
0x18: {  	s0 =	sld [smem:$0x3F93];
	_ =	swait.ge [sflag:s4], $0x0  }
0x19: {  	s7 =	sld [smem:$0x3F94]  }
0x1a: {  	s8 =	sadd.s32 $0xFFFFE003, lr  }
0x1b: {  	s9 =	sadd.s32 $0xFFFFFEF7, lr;
	s5 =	simm.s32 $0xFFFFFFFF;
	p2 =	slt.u32 s8, $0xFFFFF086  }
0x1c: {  	p1 =	slt.u32 s9, $0xF7A;
	s5 =	simm.s32 @!p2 $0x0  }
0x1d: {  	s5 =	simm.s32 @p1 $0x1;
	p0 =	seq.s32 s7, s2  }
0x1e: {  	s7 =	smul.u32 @!p0 $0xF7A, s2;
	p2 =	seq.s32 @!p0 s5, $0x0  }
0x1f: {  	s9 =	smul.u32 $0xF7A, s1;
	s8 =	simm.s32 @!p0 $0x1BF5;
	p2 =	por !p2, p0  }
0x20: {  	[sflag:s8] =	ssyncset.s32 @!p0 $0xFFFFF086;
	s6 =	sadd.s32 @!p0 s3, s7;
	s7 =	simm.s32 @!p0 $0x108  }
0x21: {  	s3 =	sadd.s32 s3, s9;
	s6 =	sadd.s32 @!p0 $0x88, s6;
	s7 =	simm.s32 @p2 $0x1082  }
0x22: {  	[simem:s7], [sflag:s8] =	dma.local @!p0 [hbm:s6], $0xF7A  }
0x23: {  	s9 =	sor.u32 $0xD0000000, s2;
	s6 =	simm.s32 $0x108;
	_ =	swait.ge @!p0 [sflag:s8], $0x0  }
0x24: {  	s3 =	sadd.s32 $0x88, s3;
	s6 =	simm.s32 @!p1 $0x1082;
	[sflag:s4] =	ssyncset.s32 $0xFFFFF086  }
0x25: {  	[simem:s6], [sflag:s4] =	dma.local [hbm:s3], $0xF7A  }
0x26: {  	[smem:$0x3F94] =	sst s1;
	(tag) =	ssettag s2;
	_ =	strace s9  }
0x27: {  	s1 =	sld [smem:$0x3FA4]  }
0x28: {  	s2 =	sld [smem:$0x3FA5]  }
0x29: {  	s4 =	sld [smem:$0x3FA7]  }
0x2a: {  	p0 =	seq.s32 s5, $0x0;
	s5 =	sld [smem:$0x3FA8]  }
0x2b: {  	s6 =	sld [smem:$0x3FA9]  }
0x2c: {  	s7 =	sld [smem:$0x3FAA]  }
0x2d: {  	s3 =	simm.s32 $0x108;
	s8 =	sld [smem:$0x3FAB]  }
0x2e: {  	s3 =	simm.s32 @!p0 $0x1082;
	s9 =	sld [smem:$0x3FAC]  }
0x2f: {  	lr =	sadd.s32 s0, s3;
	s0 =	sld [smem:$0x3FA3]  }
0x30: {  	s3 =	sld [smem:$0x3FA6]  }
0x31: {  	[smem:$0x3FAF] =	sst s10  }
0x32: {  	s10 =	sld [smem:$0x3FAD];
	_ =	sdelay $0x3  }
0x33: {  	p0 =	seq.s32 s10, $0x1;
	s10 =	sld [smem:$0x3FAF];
	_ =	sdelay $0x3  }
0x34: {  	[smem:$0x3FAF] =	sst s10  }
0x35: {  	s10 =	sld [smem:$0x3FAE];
	_ =	sdelay $0x3  }
0x36: {  	p1 =	seq.s32 s10, $0x1;
	s10 =	sld [smem:$0x3FAF];
	_ =	sdelay $0x3  }
0x37: {  	[smem:$0x3FAF] =	sst s10  }
0x38: {  	s10 =	sld [smem:$0x3FB0]  }
0x39: {  	_ = 	snop;
	(pc) =	sbr.ind lr, $3  }
0x3a: {  	_ = 	snop  }
0x3b: {  	_ = 	snop  }
0x3c: {  	p2 =	seq.s32 s10, $0x1;
	s10 =	sld [smem:$0x3FAF]  }
0x3d: {  	_ =	shalt  }
0x3e: {  	_ =	shalt  }
0x3f: {  	_ =	shalt  }
0x40: {  	_ =	shalt  }
0x41: {  	_ =	shalt  }
0x42: {  	_ =	shalt  }
0x43: {  	_ =	shalt  }
0x44: {  	_ =	shalt  }
0x45: {  	_ =	shalt  }
0x46: {  	_ =	shalt  }
0x47: {  	_ =	shalt  }
0x48: {  	_ =	shalt  }
0x49: {  	_ =	shalt  }
0x4a: {  	_ =	shalt  }
0x4b: {  	_ =	shalt  }
0x4c: {  	_ =	shalt  }
0x4d: {  	_ =	shalt  }
0x4e: {  	_ =	shalt  }
0x4f: {  	_ =	shalt  }
0x50: {  	_ =	shalt  }
0x51: {  	_ =	shalt  }
0x52: {  	_ =	shalt  }
0x53: {  	_ =	shalt  }
0x54: {  	_ =	shalt  }
0x55: {  	_ =	shalt  }
0x56: {  	_ =	shalt  }
0x57: {  	_ =	shalt  }
0x58: {  	_ =	shalt  }
0x59: {  	_ =	shalt  }
0x5a: {  	_ =	shalt  }
0x5b: {  	_ =	shalt  }
0x5c: {  	_ =	shalt  }
0x5d: {  	_ =	shalt  }
0x5e: {  	_ =	shalt  }
0x5f: {  	_ =	shalt  }
0x60: {  	_ =	shalt  }
0x61: {  	_ =	shalt  }
0x62: {  	_ =	shalt  }
0x63: {  	_ =	shalt  }
0x64: {  	_ =	shalt  }
0x65: {  	_ =	shalt  }
0x66: {  	_ =	shalt  }
0x67: {  	_ =	shalt  }
0x68: {  	_ =	shalt  }
0x69: {  	_ =	shalt  }
0x6a: {  	_ =	shalt  }
0x6b: {  	_ =	shalt  }
0x6c: {  	_ =	shalt  }
0x6d: {  	_ =	shalt  }
0x6e: {  	_ =	shalt  }
0x6f: {  	_ =	shalt  }
0x70: {  	_ =	shalt  }
0x71: {  	_ =	shalt  }
0x72: {  	_ =	shalt  }
0x73: {  	_ =	shalt  }
0x74: {  	_ =	shalt  }
0x75: {  	_ =	shalt  }
0x76: {  	_ =	shalt  }
0x77: {  	_ =	shalt  }
0x78: {  	_ =	shalt  }
0x79: {  	_ =	shalt  }
0x7a: {  	_ =	shalt  }
0x7b: {  	_ =	shalt  }
0x7c: {  	_ =	shalt  }
0x7d: {  	_ =	shalt  }
0x7e: {  	_ =	shalt  }
0x7f: {  	_ =	shalt  }
0x80: {  	_ =	shalt  }
0x81: {  	_ =	shalt  }
0x82: {  	_ =	shalt  }
0x83: {  	_ =	shalt  }
0x84: {  	_ =	shalt  }
0x85: {  	_ =	shalt  }
0x86: {  	_ =	shalt  }
0x87: {  	_ =	shalt  }
.Lfunc_end0:
.L_simem_size_0:
called_computation.1_lowered:
.L_overlay_start_0:
0x88: {  	s2 =	sld [smem:$0x3FD9]  }
0x89: {  	s3 =	sld [smem:$0x3FFE];
	_ =	sdelay $0x1  }
0x8a: {  	s1 =	srdreg.scid  }
0x8b: {  	s0 =	sand.u32 $0x1, s1  }
0x8c: {  	s17 =	sshll.u32 s0, $0xA;
	s2 =	sadd.s32 s3, s2  }
0x8d: {  	s2 =	sadd.s32 s2, s17  }
0x8e: {  	[smem:$0x3FBB] =	sst s2  }
0x8f: {  	_ = 	snop  }
0x90: {  	s2 =	sld [smem:$0x3FD0];
	(tm) =	ssettm $0x1  }
0x91: {  	s18 =	sld [smem:$0x3FFB];
	_ =	sdelay $0x3  }
0x92: {  	_ =	strace s18  }
0x93: {  	s3 =	sld [smem:$0x3FFC];
	_ =	sdelay $0x3  }
0x94: {  	_ =	strace s3  }
0x95: {  	s3 =	sld [smem:$0x3FFD];
	_ =	sdelay $0x3  }
0x96: {  	_ =	strace s3  }
0x97: {  	_ =	strace $0x8FFFFFFF  }
0x98: {  	s19 =	sld [smem:$0x3FDB];
	_ =	sdelay $0x1  }
0x99: {  	s4 =	simm.s32 $_scs_section_size  }
0x9a: {  	s5 =	simm.s32 $_size__tile_overlayer_lowered;
	s6 =	simm.s32 $_tile_overlayer_lowered  }
0x9b: {  	s22 =	simm.s32 $0x1BFF;
	s21 =	sshll.u32 s6, $0x1;
	s3 =	sadd.s32 s4, s19  }
0x9c: {  	s7 =	simm.s32 $0x0;
	s20 =	sshll.u32 s5, $0x1;
	s5 =	sadd.s32 s21, s3  }
0x9d: {  	[timem:s7], [sflag:s22] =	dma.local [hbm:s5], s20  }
0x9e: {  	_ =	swait.ge [sflag:s22], s20  }
0x9f: {  	s4 =	ssub.s32 $0x0, s20;
	[sflag:s22] =	ssyncset.done $0x0  }
0xa0: {  	[sflag:s22] =	ssyncadd.s32 s4;
	_ =	sdelay $0x1  }
0xa1: {  	s23 =	simm.s32 $0x1B8B  }
0xa2: {  	_ =	swait.ge [sflag:s23], $0x1  }
0xa3: {  	[sflag:s23] =	ssyncset.done $0x0  }
0xa4: {  	s25 =	simm.s32 $0x1B8E;
	s24 =	sld [smem:$0x3FFE];
	[sflag:s23] =	ssyncadd.s32 $0xFFFFFFFF  }
0xa5: {  	s26 =	simm.s32 $execute0_lowered;
	[smem:$0x3FD2] =	sst s25  }
0xa6: {  	s5 =	sshll.u32 s26, $0x1;
	_ =	strace $0x8000004C;
	[dreg:$0x1] =	wrdreg $0xFFFFFFFF  }
0xa7: {  	s28 =	simm.s32 $_size_execute0_lowered;
	s3 =	sadd.s32 s3, s5;
	[dreg:$0x0] =	wrdreg $0x0  }
0xa8: {  	s5 =	sshll.u32 s28, $0x1;
	[dreg:$0x2] =	wrdreg s3  }
0xa9: {  	[dreg:$0x3] =	wrdreg s5  }
0xaa: {  	[dreg:$0x4] =	wrdreg $0xC0  }
0xab: {  	_ =	task [dreg:s7], $0x5FFFF  }
0xac: {  	[dreg:$0x1] =	wrdreg $0xFFFFFFFF  }
0xad: {  	[dreg:$0x0] =	wrdreg $0x60  }
0xae: {  	[dreg:$0x2] =	wrdreg s24  }
0xaf: {  	[dreg:$0x3] =	wrdreg s2  }
0xb0: {  	[dreg:$0x4] =	wrdreg $0x9  }
0xb1: {  	_ =	task.clear_ibuf [dreg:s7], $0x5FFFF;
	_ =	strace $0x9000004C  }
0xb2: {  	s29 =	simm.s32 $0x9;
	_ =	strace $0x8000004E  }
0xb3: {  	_ =	swait.ge [sflag:s29], $0x1  }
0xb4: {  	[sflag:s29] =	ssyncadd.s32 $0xFFFFFFFF  }
0xb5: {  	_ =	strace $0x9000004E  }
0xb6: {  	_ =	sfence  }
0xb7: {  	s30 =	sld [smem:$0x0];
	_ =	sdelay $0x2  }
0xb8: {  	s31 =	sshll.u32 s1, $0xD;
	s1 =	sshrl.u32 s1, $0x2  }
0xb9: {  	s3 =	sand.u32 $0x4000, s31;
	s1 =	sadd.s32 s1, s30  }
0xba: {  	s0 =	sor.u32 s3, s0;
	s1 =	sshll.u32 s1, $0x11  }
0xbb: {  	s0 =	sor.u32 s1, s0  }
0xbc: {  	s0 =	sadd.s32 $0x8F2B, s0  }
0xbd: {  	[sflag:s0] =	ssyncadd.remote.s32 $0x1  }
0xbe: {  	_ =	sfence.sel $0xFFFF  }
0xbf: {  	[dreg:$0x0] =	wrdreg $0xFFFFFFFF;
	(pc) =	sbr.abs _section_cstart, $3  }
0xc0: {  	[dreg:$0x1] =	wrdreg $0xFFFFFFFF  }
0xc1: {  	_ =	task.clear_ibuf [dreg:s7], $0x2FFFF;
	_ =	strace $0x9FFFFFFF  }
0xc2: {  	(tm) =	ssettm $0x7FFFFFFF  }
0xc3: {  	_ =	shalt  }
tec
execute0_lowered:
.L_overlay_start_1:
0x0: {  	(tag) =	ssettag $0x1  }
0x1: {  	s1 =	srdreg.scid;
	s5 =	rddreg [dreg:$0x0]  }
0x2: {  	s0 =	stileid.u32;
	s2 =	rddreg [dreg:$0x1];
	s6 =	simm.s32 $0x1  }
0x3: {  	s9 =	simm.s32 $0x1;
	s10 =	simm.s32 $0x3;
	s1 =	sshll.u32 s1, $0x6  }
0x4: {  	s13 =	simm.s32 $0x0;
	s3 =	sshll.u32 s0, $0x7;
	s4 =	sand.u32 $0x40, s1  }
0x5: {  	s12 =	simm.s32 $0x0;
	s1 =	rddreg [dreg:$0x2];
	s3 =	sor.u32 s3, s4  }
0x6: {  	_ =	strace $0x8000004D;
	s4 =	sadd.s32 $0x200, s5;
	s8 =	ssub.s32 $0x1000, s3  }
.Ltmp0:
0x7: {  	s5 =	sadd.s32 $0x1A00, s5;
	s7 =	sand.u32 $0x7C0, s8;
	(pc) =	sbr.rel .LBB2_1-.Ltmp0, $4  }
0x8: {  	[sflag:s6] =	ssyncpa.u1 $0x0;
	s11 =	smov.u32 s3;
	p0 =	sne.s32 s7, $0x0  }
0x9: {  	s8 =	sshrl.u32 s8, $0xB;
	s7 =	simm.s32 $0x2;
	s9 =	simm.s32 @!p0 $0x0  }
0xa: {  	[sflag:s7] =	ssyncpa.u1 $0x0;
	p0 =	por $0x0, $0x0;
	s8 =	sadd.s32 s9, s8  }
0xb: {  	vm0 =	vmmov $0xffff;
	[sflag:s10] =	ssyncpa.u1 $0x0;
	s10 =	simm.s32 $0x0;
	s9 =	sadd.s32 $0x1, s8  }
.LBB2_4:
0xc: {  	v1 =	vsel vm1, $0xFFFFFFFF, v1;
	v2 =	vand.u32 $0x7, v2  }
0xd: {  	v2 =	vsel vm1, $0xFFFFFFFF, v2;
	v3 =	vshll.u32 v1, $0x3  }
0xe: {  	v4 =	vand.u32 $0xFFFF8000, v2;
	v3 =	vand.u32 $0xFFFFFC00, v3;
	v2 =	vshll.u32 v2, $0x7  }
0xf: {  	v3 =	vadd.s32 v3, v4;
	v2 =	vand.u32 $0x380, v2  }
0x10: {  	v1 =	vand.u32 $0x7F, v1;
	v2 =	vor.u32 v2, v3  }
0x11: {  	v1 =	vor.u32 v1, v2;
	_ =	sdelay $0x1  }
0x12: {  	(ifvalue) =	ssetifvalue $0x7FFFFFFF;
	s15 =	sadd.s32 $0x10, s15  }
0x13: {  	[tilespmem:s15], [sflag:$0x1] =	stream.indirect_vreg.gather [hbm4b:s4+s10], $0x1, v0, vm0, $0x4038;
	[tilespmem:$0x100] =	vst v63  }
0x14: {  	(ifvalue) =	ssetifvalue $0x7FFFFFFF;
	s15 =	sadd.s32 $0x10, s15  }
0x15: {  	[tilespmem:s15], [sflag:$0x1] =	stream.indirect_vreg.gather [hbm4b:s4+s10], $0x1, v1, vm0, $0x4038;
	[tilespmem:$0x100] =	vst v63  }
0x16: {  	_ =	swait.ge [sflag:s6], $0x40  }
0x17: {  	s30 =	sshrl.u32 s13, $0x3;
	[sflag:s6] =	ssyncset.done $0x0  }
0x18: {  	s31 =	sand.u32 $0x7, s13;
	s15 =	sadd.s32 s2, s30;
	[sflag:s6] =	ssyncadd.s32 $0xFFFFFFC0  }
0x19: {  	[hbm4b:s15+s31] =	stream.linear.scatter [tilespmem:s14], [sflag:$0x3], $0x40, $0x38;
	[tilespmem:$0x100] =	vst v63  }
.LBB2_5:
0x1a: {  	s15 =	sadd.s32 $0x800, s11  }
0x1b: {  	p2 =	sgt.s32 s15, $0xFFF  }
0x1c: {  	s15 =	smov.u32 @p2 s3;
	p2 =	sne.s32 s12, s9  }
.Ltmp1:
0x1d: {  	p1 =	slt.u32 s12, $0x2;
	(pc) =	sbr.rel @!p2 .LBB2_6-.Ltmp1, $4  }
0x1e: {  	s14 =	simm.s32 @!p1 $0x3  }
0x1f: {  	s16 =	sadd.s32 $0x1, s12;
	_ =	swait.ge @!p1 [sflag:s14], $0x40  }
0x20: {  	s13 =	smov.u32 s11;
	p0 =	por !p0, !p0;
	[sflag:s14] =	ssyncset.done @!p1 $0x0  }
0x21: {  	s12 =	smov.u32 s16;
	s11 =	smov.u32 s15;
	[sflag:s14] =	ssyncadd.s32 @!p1 $0xFFFFFFC0  }
.LBB2_1:
0x22: {  	p1 =	sge.u32 s12, s8  }
0x23: {  	s14 =	sxor.u32 @!p1 $0xFFFFFFFF, s12  }
0x24: {  	s31 =	sadd.s32 $0xFFFFFFFF, s12;
	s15 =	sshrl.u32 @!p1 s11, $0x3;
	s14 =	sshll.u32 @!p1 s14, $0x6  }
0x25: {  	s16 =	sand.u32 @!p1 $0x7, s11;
	s15 =	sadd.s32 @!p1 s5, s15;
	s14 =	sand.u32 @!p1 $0x40, s14  }
0x26: {  	[tilespmem:s14], [sflag:$0x2] =	stream.linear.gather @!p1 [hbm4b:s15+s16], $0x40, $0x38;
	[tilespmem:$0x100] =	vst v63  }
0x27: {  	p1 =	sge.u32 s31, s8  }
.Ltmp2:
0x28: {  	_ = 	snop;
	(pc) =	sbr.rel @p1 .LBB2_5-.Ltmp2, $1  }
0x29: {  	_ =	sdelay $0x3  }
0x2a: {  	s14 =	simm.s32 $0x1  }
0x2b: {  	_ =	swait.ge [sflag:s7], $0x40;
	s14 =	simm.s32 @!p0 $0x0  }
0x2c: {  	[sflag:s7] =	ssyncset.done $0x0;
	s14 =	sshll.u32 s14, $0x6  }
0x2d: {  	[sflag:s7] =	ssyncadd.s32 $0xFFFFFFC0;
	(ifvalue) =	ssetifvalue $0x7FFFFFFF;
	v0 =	vld.msk [tilespmem:s14+$0x0 ss:$0x1], $0xffff;
	_ =	sdelay $0x3  }
0x2e: {  	s15 =	sadd.s32 $0x10, s14  }
0x2f: {  	v2 =	vld.msk [tilespmem:s15+$0x0 ss:$0x1], $0xffff;
	vm1 =	veq.s32 v0, $0x80000000;
	v1 =	vand.u32 $0xFFF, v0;
	v0 =	vshrl.u32 v0, $0xC  }
0x30: {  	v1 =	vsel vm1, $0xFFFFFFFF, v1;
	v0 =	vand.u32 $0x7, v0  }
0x31: {  	v0 =	vsel vm1, $0xFFFFFFFF, v0;
	v3 =	vshll.u32 v1, $0x3  }
0x32: {  	v4 =	vand.u32 $0xFFFF8000, v0;
	v3 =	vand.u32 $0xFFFFFC00, v3;
	v0 =	vshll.u32 v0, $0x7  }
0x33: {  	v3 =	vadd.s32 v3, v4;
	v0 =	vand.u32 $0x380, v0  }
0x34: {  	v1 =	vand.u32 $0x7F, v1;
	vm1 =	veq.s32 v2, $0x80000000;
	v0 =	vor.u32 v0, v3  }
0x35: {  	v0 =	vor.u32 v1, v0;
	v1 =	vand.u32 $0xFFF, v2;
	v2 =	vshrl.u32 v2, $0xC  }
0x36: {  	s17 =	sadd.s32 $0x10, s15;
	v1 =	vsel vm1, $0xFFFFFFFF, v1;
	v2 =	vand.u32 $0x7, v2  }
0x37: {  	v3 =	vld.msk [tilespmem:s17+$0x0 ss:$0x1], $0xffff;
	v2 =	vsel vm1, $0xFFFFFFFF, v2;
	v63 =	vshll.u32 v1, $0x3  }
0x38: {  	v5 =	vand.u32 $0xFFFF8000, v2;
	v4 =	vand.u32 $0xFFFFFC00, v63;
	v2 =	vshll.u32 v2, $0x7  }
0x39: {  	s31 =	sshll.u32 s12, $0x6;
	s15 =	sor.u32 $0x80, s14;
	(ifvalue) =	ssetifvalue $0x7FFFFFFF;
	v4 =	vadd.s32 v4, v5;
	v2 =	vand.u32 $0x380, v2  }
0x3a: {  	[tilespmem:s15], [sflag:$0x1] =	stream.indirect_vreg.gather [hbm4b:s4+s10], $0x1, v0, vm0, $0x4038;
	v0 =	vand.u32 $0x7F, v1;
	v1 =	vor.u32 v2, v4;
	[tilespmem:$0x100] =	vst v63  }
0x3b: {  	s14 =	sand.u32 $0x40, s31;
	v0 =	vor.u32 v0, v1  }
0x3c: {  	s16 =	simm.s32 $0x20;
	s14 =	sor.u32 $0x80, s14;
	s17 =	sadd.s32 $0x10, s17;
	vm1 =	veq.s32 v3, $0x80000000;
	v2 =	vshrl.u32 v3, $0xC;
	v1 =	vand.u32 $0xFFF, v3  }
.LBB2_3:
0x3d: {  	v3 =	vld.msk [tilespmem:s17+$0x0 ss:$0x1], $0xffff;
	s16 =	sadd.s32 $0x10, s16;
	v1 =	vsel vm1, $0xFFFFFFFF, v1;
	v2 =	vand.u32 $0x7, v2  }
0x3e: {  	p1 =	slt.u32 s16, $0x30;
	v2 =	vsel vm1, $0xFFFFFFFF, v2;
	v4 =	vshll.u32 v1, $0x3  }
.Ltmp3:
0x3f: {  	s15 =	sadd.s32 $0x10, s15;
	v5 =	vand.u32 $0xFFFF8000, v2;
	v4 =	vand.u32 $0xFFFFFC00, v4;
	v2 =	vshll.u32 v2, $0x7;
	(ifvalue) =	ssetifvalue $0x7FFFFFFF;
	(pc) =	sbr.rel @p1 .LBB2_3-.Ltmp3, $4  }
0x40: {  	v4 =	vadd.s32 v4, v5;
	v2 =	vand.u32 $0x380, v2;
	[tilespmem:s15], [sflag:$0x1] =	stream.indirect_vreg.gather [hbm4b:s4+s10], $0x1, v0, vm0, $0x4038;
	[tilespmem:$0x100] =	vst v63  }
0x41: {  	v0 =	vand.u32 $0x7F, v1;
	v1 =	vor.u32 v2, v4  }
0x42: {  	v0 =	vor.u32 v0, v1  }
0x43: {  	s17 =	sadd.s32 $0x10, s17;
	vm1 =	veq.s32 v3, $0x80000000;
	v1 =	vand.u32 $0xFFF, v3;
	v2 =	vshrl.u32 v3, $0xC  }
.Ltmp4:
0x44: {  	_ = 	snop;
	(pc) =	sbr.rel .LBB2_4-.Ltmp4, $1  }
0x45: {  	_ =	sdelay $0x3  }
.LBB2_6:
0x46: {  	_ =	sfence.sel $0x180000  }
0x47: {  	s2 =	simm.s32 $0x2;
	[bflag:$0x0] =	sbarrier.arrive $0xFFFF  }
0x48: {  	s30 =	simm.s32 $0x3;
	[sflag:s2] =	ssyncpa.u1 $0x1  }
0x49: {  	s31 =	simm.s32 $0x1;
	[sflag:s30] =	ssyncpa.u1 $0x1  }
0x4a: {  	[sflag:s31] =	ssyncpa.u1 $0x1  }
0x4b: {  	p0 =	sne.s32 s0, $0x0;
	_ =	strace $0x9000004D  }
0x4c: {  	s0 =	sadd.s32 @!p0 $0x100000, s1;
	[bflag:$0x2] =	sbarrier.arrive $0xFFFF  }
0x4d: {  	[sflag:s0] =	ssyncadd.tile.s32 @!p0 $0x1;
	_ =	shalt  }
.Lfunc_end2:
_tile_overlayer_lowered:
.L_overlay_start_2:
0x4e: {  	(tag) =	ssettag $0x2  }
0x4f: {  	s0 =	rddreg [dreg:$0x0];
	s2 =	stileid.u32  }
0x50: {  	s1 =	rddreg [dreg:$0x1];
	p0 =	sne.s32 s2, $0x0  }
0x51: {  	s3 =	rddreg [dreg:$0x2];
	[bflag:$0x3] =	sbarrier.arrive $0xFFFF;
	s2 =	simm.s32 @!p0 $0x1C01  }
0x52: {  	[timem:s3], [sflag:s2] =	dma.local @!p0 [hbm:s0], s1  }
0x53: {  	s0 =	simm.s32 @!p0 $0x1  }
0x54: {  	_ =	swait.ge @!p0 [sflag:s0], s1  }
0x55: {  	s1 =	ssub.s32 @!p0 $0x0, s1;
	[sflag:s0] =	ssyncset.done @!p0 $0x0  }
0x56: {  	[sflag:s0] =	ssyncadd.s32 @!p0 s1  }
0x57: {  	[bflag:$0x3] =	sbarrier.arrive $0xFFFF  }
0x58: {  	_ =	shalt  }

// kernel: kernel.11.cloned.1.call-start
scs
__scs_entry_jumppad:
0x0: {  	(pc) =	sbr.rel $0x88, $3  }
0x1: {  	(tag) =	ssettag $0x0;
	lr =	simm.s32 $0x1  }
0x2: {  	[smem:$0x3F94] =	sst lr;
	_ =	strace $0xD0000000  }
0x3: {  	_ = 	snop  }
0x4: {  	_ = 	snop  }
0x5: {  	_ = 	snop  }
0x6: {  	_ = 	snop  }
0x7: {  	_ = 	snop  }
__scs_overlays_trampoline_lowered:
0x8: {  	[smem:$0x3FA3] =	sst s0  }
0x9: {  	[smem:$0x3FA4] =	sst s1  }
0xa: {  	[smem:$0x3FA5] =	sst s2  }
0xb: {  	[smem:$0x3FA6] =	sst s3  }
0xc: {  	[smem:$0x3FA7] =	sst s4  }
0xd: {  	[smem:$0x3FA8] =	sst s5  }
0xe: {  	[smem:$0x3FA9] =	sst s6  }
0xf: {  	[smem:$0x3FAA] =	sst s7  }
0x10: {  	[smem:$0x3FAB] =	sst s8  }
0x11: {  	[smem:$0x3FAC] =	sst s9;
	s0 =	simm.s32 @!p0 $0x0  }
0x12: {  	s1 =	sld [smem:$0x3F92];
	s0 =	simm.s32 @p0 $0x1  }
0x13: {  	[smem:$0x3FAD] =	sst s0;
	s0 =	simm.s32 @!p1 $0x0  }
0x14: {  	s2 =	sld [smem:$0x3F91];
	s0 =	simm.s32 @p1 $0x1  }
0x15: {  	[smem:$0x3FAE] =	sst s0;
	s0 =	simm.s32 @!p2 $0x0  }
0x16: {  	s3 =	sld [smem:$0x3FDB];
	s0 =	simm.s32 @p2 $0x1  }
0x17: {  	s4 =	simm.s32 $0x1BF5;
	[smem:$0x3FB0] =	sst s0  }
0x18: {  	s0 =	sld [smem:$0x3F93];
	_ =	swait.ge [sflag:s4], $0x0  }
0x19: {  	s7 =	sld [smem:$0x3F94]  }
0x1a: {  	s8 =	sadd.s32 $0xFFFFE003, lr  }
0x1b: {  	s9 =	sadd.s32 $0xFFFFFEF7, lr;
	s5 =	simm.s32 $0xFFFFFFFF;
	p2 =	slt.u32 s8, $0xFFFFF086  }
0x1c: {  	p1 =	slt.u32 s9, $0xF7A;
	s5 =	simm.s32 @!p2 $0x0  }
0x1d: {  	s5 =	simm.s32 @p1 $0x1;
	p0 =	seq.s32 s7, s2  }
0x1e: {  	s7 =	smul.u32 @!p0 $0xF7A, s2;
	p2 =	seq.s32 @!p0 s5, $0x0  }
0x1f: {  	s9 =	smul.u32 $0xF7A, s1;
	s8 =	simm.s32 @!p0 $0x1BF5;
	p2 =	por !p2, p0  }
0x20: {  	[sflag:s8] =	ssyncset.s32 @!p0 $0xFFFFF086;
	s6 =	sadd.s32 @!p0 s3, s7;
	s7 =	simm.s32 @!p0 $0x108  }
0x21: {  	s3 =	sadd.s32 s3, s9;
	s6 =	sadd.s32 @!p0 $0x88, s6;
	s7 =	simm.s32 @p2 $0x1082  }
0x22: {  	[simem:s7], [sflag:s8] =	dma.local @!p0 [hbm:s6], $0xF7A  }
0x23: {  	s9 =	sor.u32 $0xD0000000, s2;
	s6 =	simm.s32 $0x108;
	_ =	swait.ge @!p0 [sflag:s8], $0x0  }
0x24: {  	s3 =	sadd.s32 $0x88, s3;
	s6 =	simm.s32 @!p1 $0x1082;
	[sflag:s4] =	ssyncset.s32 $0xFFFFF086  }
0x25: {  	[simem:s6], [sflag:s4] =	dma.local [hbm:s3], $0xF7A  }
0x26: {  	[smem:$0x3F94] =	sst s1;
	(tag) =	ssettag s2;
	_ =	strace s9  }
0x27: {  	s1 =	sld [smem:$0x3FA4]  }
0x28: {  	s2 =	sld [smem:$0x3FA5]  }
0x29: {  	s4 =	sld [smem:$0x3FA7]  }
0x2a: {  	p0 =	seq.s32 s5, $0x0;
	s5 =	sld [smem:$0x3FA8]  }
0x2b: {  	s6 =	sld [smem:$0x3FA9]  }
0x2c: {  	s7 =	sld [smem:$0x3FAA]  }
0x2d: {  	s3 =	simm.s32 $0x108;
	s8 =	sld [smem:$0x3FAB]  }
0x2e: {  	s3 =	simm.s32 @!p0 $0x1082;
	s9 =	sld [smem:$0x3FAC]  }
0x2f: {  	lr =	sadd.s32 s0, s3;
	s0 =	sld [smem:$0x3FA3]  }
0x30: {  	s3 =	sld [smem:$0x3FA6]  }
0x31: {  	[smem:$0x3FAF] =	sst s10  }
0x32: {  	s10 =	sld [smem:$0x3FAD];
	_ =	sdelay $0x3  }
0x33: {  	p0 =	seq.s32 s10, $0x1;
	s10 =	sld [smem:$0x3FAF];
	_ =	sdelay $0x3  }
0x34: {  	[smem:$0x3FAF] =	sst s10  }
0x35: {  	s10 =	sld [smem:$0x3FAE];
	_ =	sdelay $0x3  }
0x36: {  	p1 =	seq.s32 s10, $0x1;
	s10 =	sld [smem:$0x3FAF];
	_ =	sdelay $0x3  }
0x37: {  	[smem:$0x3FAF] =	sst s10  }
0x38: {  	s10 =	sld [smem:$0x3FB0]  }
0x39: {  	_ = 	snop;
	(pc) =	sbr.ind lr, $3  }
0x3a: {  	_ = 	snop  }
0x3b: {  	_ = 	snop  }
0x3c: {  	p2 =	seq.s32 s10, $0x1;
	s10 =	sld [smem:$0x3FAF]  }
0x3d: {  	_ =	shalt  }
0x3e: {  	_ =	shalt  }
0x3f: {  	_ =	shalt  }
0x40: {  	_ =	shalt  }
0x41: {  	_ =	shalt  }
0x42: {  	_ =	shalt  }
0x43: {  	_ =	shalt  }
0x44: {  	_ =	shalt  }
0x45: {  	_ =	shalt  }
0x46: {  	_ =	shalt  }
0x47: {  	_ =	shalt  }
0x48: {  	_ =	shalt  }
0x49: {  	_ =	shalt  }
0x4a: {  	_ =	shalt  }
0x4b: {  	_ =	shalt  }
0x4c: {  	_ =	shalt  }
0x4d: {  	_ =	shalt  }
0x4e: {  	_ =	shalt  }
0x4f: {  	_ =	shalt  }
0x50: {  	_ =	shalt  }
0x51: {  	_ =	shalt  }
0x52: {  	_ =	shalt  }
0x53: {  	_ =	shalt  }
0x54: {  	_ =	shalt  }
0x55: {  	_ =	shalt  }
0x56: {  	_ =	shalt  }
0x57: {  	_ =	shalt  }
0x58: {  	_ =	shalt  }
0x59: {  	_ =	shalt  }
0x5a: {  	_ =	shalt  }
0x5b: {  	_ =	shalt  }
0x5c: {  	_ =	shalt  }
0x5d: {  	_ =	shalt  }
0x5e: {  	_ =	shalt  }
0x5f: {  	_ =	shalt  }
0x60: {  	_ =	shalt  }
0x61: {  	_ =	shalt  }
0x62: {  	_ =	shalt  }
0x63: {  	_ =	shalt  }
0x64: {  	_ =	shalt  }
0x65: {  	_ =	shalt  }
0x66: {  	_ =	shalt  }
0x67: {  	_ =	shalt  }
0x68: {  	_ =	shalt  }
0x69: {  	_ =	shalt  }
0x6a: {  	_ =	shalt  }
0x6b: {  	_ =	shalt  }
0x6c: {  	_ =	shalt  }
0x6d: {  	_ =	shalt  }
0x6e: {  	_ =	shalt  }
0x6f: {  	_ =	shalt  }
0x70: {  	_ =	shalt  }
0x71: {  	_ =	shalt  }
0x72: {  	_ =	shalt  }
0x73: {  	_ =	shalt  }
0x74: {  	_ =	shalt  }
0x75: {  	_ =	shalt  }
0x76: {  	_ =	shalt  }
0x77: {  	_ =	shalt  }
0x78: {  	_ =	shalt  }
0x79: {  	_ =	shalt  }
0x7a: {  	_ =	shalt  }
0x7b: {  	_ =	shalt  }
0x7c: {  	_ =	shalt  }
0x7d: {  	_ =	shalt  }
0x7e: {  	_ =	shalt  }
0x7f: {  	_ =	shalt  }
0x80: {  	_ =	shalt  }
0x81: {  	_ =	shalt  }
0x82: {  	_ =	shalt  }
0x83: {  	_ =	shalt  }
0x84: {  	_ =	shalt  }
0x85: {  	_ =	shalt  }
0x86: {  	_ =	shalt  }
0x87: {  	_ =	shalt  }
.Lfunc_end0:
.L_simem_size_0:
called_computation.4_lowered:
.L_overlay_start_0:
0x88: {  	s2 =	sld [smem:$0x3FD9]  }
0x89: {  	s3 =	sld [smem:$0x3FFE];
	_ =	sdelay $0x1  }
0x8a: {  	s1 =	srdreg.scid  }
0x8b: {  	s0 =	sand.u32 $0x1, s1  }
0x8c: {  	s16 =	sshll.u32 s0, $0xA;
	s2 =	sadd.s32 s3, s2  }
0x8d: {  	s2 =	sadd.s32 s2, s16  }
0x8e: {  	[smem:$0x3FBB] =	sst s2  }
0x8f: {  	_ = 	snop  }
0x90: {  	(tm) =	ssettm $0x1  }
0x91: {  	s17 =	sld [smem:$0x3FFB];
	_ =	sdelay $0x3  }
0x92: {  	_ =	strace s17  }
0x93: {  	s2 =	sld [smem:$0x3FFC];
	_ =	sdelay $0x3  }
0x94: {  	_ =	strace s2  }
0x95: {  	s2 =	sld [smem:$0x3FFD];
	_ =	sdelay $0x3  }
0x96: {  	_ =	strace s2  }
0x97: {  	_ =	strace $0x8FFFFFFF  }
0x98: {  	s18 =	sld [smem:$0x3FDB];
	_ =	sdelay $0x1  }
0x99: {  	s19 =	simm.s32 $_scs_section_size  }
0x9a: {  	s4 =	simm.s32 $_size__tile_overlayer_lowered;
	s5 =	simm.s32 $_tile_overlayer_lowered  }
0x9b: {  	s22 =	simm.s32 $0x1BFF;
	s21 =	sshll.u32 s5, $0x1;
	s2 =	sadd.s32 s19, s18  }
0x9c: {  	s6 =	simm.s32 $0x0;
	s20 =	sshll.u32 s4, $0x1;
	s4 =	sadd.s32 s21, s2  }
0x9d: {  	[timem:s6], [sflag:s22] =	dma.local [hbm:s4], s20  }
0x9e: {  	_ =	swait.ge [sflag:s22], s20  }
0x9f: {  	s3 =	ssub.s32 $0x0, s20;
	[sflag:s22] =	ssyncset.done $0x0  }
0xa0: {  	[sflag:s22] =	ssyncadd.s32 s3;
	_ =	sdelay $0x1  }
0xa1: {  	s23 =	simm.s32 $0x1B8B  }
0xa2: {  	_ =	swait.ge [sflag:s23], $0x1  }
0xa3: {  	[sflag:s23] =	ssyncset.done $0x0  }
0xa4: {  	s25 =	simm.s32 $0x1B8E;
	s24 =	sld [smem:$0x3FFE];
	[sflag:s23] =	ssyncadd.s32 $0xFFFFFFFF  }
0xa5: {  	s26 =	simm.s32 $execute0_lowered;
	[smem:$0x3FD2] =	sst s25  }
0xa6: {  	s4 =	sshll.u32 s26, $0x1;
	_ =	strace $0x80000052;
	[dreg:$0x1] =	wrdreg $0xFFFFFFFF  }
0xa7: {  	s28 =	simm.s32 $_size_execute0_lowered;
	s2 =	sadd.s32 s2, s4;
	[dreg:$0x0] =	wrdreg $0x0  }
0xa8: {  	s4 =	sshll.u32 s28, $0x1;
	[dreg:$0x2] =	wrdreg s2  }
0xa9: {  	[dreg:$0x3] =	wrdreg s4  }
0xaa: {  	[dreg:$0x4] =	wrdreg $0xC0  }
0xab: {  	_ =	task [dreg:s6], $0x5FFFF  }
0xac: {  	[dreg:$0x1] =	wrdreg $0xFFFFFFFF  }
0xad: {  	[dreg:$0x0] =	wrdreg $0x60  }
0xae: {  	[dreg:$0x2] =	wrdreg s24  }
0xaf: {  	[dreg:$0x3] =	wrdreg $0x9  }
0xb0: {  	_ =	task.clear_ibuf [dreg:s6], $0x4FFFF;
	_ =	strace $0x90000052  }
0xb1: {  	s29 =	simm.s32 $0x9;
	_ =	strace $0x80000054  }
0xb2: {  	_ =	swait.ge [sflag:s29], $0x1  }
0xb3: {  	[sflag:s29] =	ssyncadd.s32 $0xFFFFFFFF  }
0xb4: {  	_ =	strace $0x90000054  }
0xb5: {  	_ =	sfence  }
0xb6: {  	s30 =	sld [smem:$0x0];
	_ =	sdelay $0x2  }
0xb7: {  	s31 =	sshll.u32 s1, $0xD;
	s1 =	sshrl.u32 s1, $0x2  }
0xb8: {  	s3 =	sand.u32 $0x4000, s31;
	s1 =	sadd.s32 s1, s30  }
0xb9: {  	s0 =	sor.u32 s3, s0;
	s1 =	sshll.u32 s1, $0x11  }
0xba: {  	s0 =	sor.u32 s1, s0  }
0xbb: {  	s0 =	sadd.s32 $0x8F2B, s0  }
0xbc: {  	[sflag:s0] =	ssyncadd.remote.s32 $0x1  }
0xbd: {  	_ =	sfence.sel $0xFFFF  }
0xbe: {  	[dreg:$0x0] =	wrdreg $0xFFFFFFFF;
	(pc) =	sbr.abs _section_cstart, $3  }
0xbf: {  	[dreg:$0x1] =	wrdreg $0xFFFFFFFF  }
0xc0: {  	_ =	task.clear_ibuf [dreg:s6], $0x2FFFF;
	_ =	strace $0x9FFFFFFF  }
0xc1: {  	(tm) =	ssettm $0x7FFFFFFF  }
tec
execute0_lowered:
.L_overlay_start_1:
0x0: {  	(tag) =	ssettag $0x1  }
0x1: {  	s0 =	srdreg.scid  }
0x2: {  	s1 =	stileid.u32;
	s0 =	sand.u32 $0x1, s0  }
0x3: {  	s6 =	rddreg [dreg:$0x0];
	s1 =	sshll.u32 s1, $0x9;
	s2 =	sshll.u32 s0, $0x8  }
0x4: {  	s25 =	simm.s32 $0x1;
	s18 =	simm.s32 $0x2;
	s1 =	sor.u32 s2, s1  }
0x5: {  	s19 =	simm.s32 $0x3;
	s20 =	simm.s32 $0x4;
	s3 =	sshrl.u32 s1, $0x3  }
0x6: {  	s2 =	simm.s32 $0x0;
	s1 =	sshll.u32 s1, $0x7;
	s3 =	sadd.s32 s3, s6  }
0x7: {  	[smem:$0x7FF] =	sst s2;
	s1 =	sadd.s32 s1, s6;
	s3 =	sadd.s32 $0x182E00, s3  }
0x8: {  	_ =	strace $0x80000053;
	s4 =	sadd.s32 $0x183200, s1;
	[dreg:$0x2] =	wrdreg s3  }
0x9: {  	s0 =	ssub.s32 $0x2, s0;
	s26 =	sadd.s32 $0x184200, s1;
	[dreg:$0x3] =	wrdreg s4  }
0xa: {  	s5 =	sshrl.u32 s0, $0x1;
	s28 =	sadd.s32 $0x185200, s1;
	[dreg:$0x4] =	wrdreg s26  }
0xb: {  	s0 =	ssub.s32 s0, s5;
	s29 =	sadd.s32 $0x186200, s1;
	[dreg:$0x5] =	wrdreg s28  }
0xc: {  	s5 =	sadd.s32 $0x1600, s6;
	s30 =	sadd.s32 $0x187200, s1;
	[dreg:$0x6] =	wrdreg s29  }
0xd: {  	s7 =	sadd.s32 $0x188200, s1;
	s31 =	sadd.s32 $0x189200, s1;
	[dreg:$0x7] =	wrdreg s30  }
0xe: {  	v2 =	vlaneseq.u32;
	s1 =	sadd.s32 $0x18A200, s1;
	s3 =	sadd.s32 $0x1400, s6;
	[dreg:$0x8] =	wrdreg s7  }
0xf: {  	vm0 =	vmmov $0xffff;
	v1 =	vshrl.u32 v2, $0x3;
	s4 =	sadd.s32 $0x1500, s6;
	s6 =	sadd.s32 $0x1700, s6;
	[dreg:$0x9] =	wrdreg s31  }
0x10: {  	v0 =	vand.u32 $0x7, v2;
	v2 =	vor.u32 $0x8, v2;
	v1 =	vmul.u32 $0x8, v1;
	[dreg:$0xa] =	wrdreg s1;
	s7 =	smax.u32 s0, $0x1;
	s1 =	simm.s32 $0x8100  }
.LBB2_1:
0x11: {  	s21 =	rddreg [dreg:$0x2];
	s8 =	simm.s32 $0x5  }
0x12: {  	[tilespmem:s2], [sflag:$0x5] =	stream.linear.gather [hbm4b:s21+s2], $0x100, $0x38;
	[tilespmem:$0x10100] =	vst v63  }
0x13: {  	_ =	swait.ge [sflag:s8], $0x100  }
0x14: {  	[sflag:s8] =	ssyncset.done $0x0  }
0x15: {  	[sflag:s8] =	ssyncadd.s32 $0xFFFFFF00  }
0x16: {  	v3 =	vld [tilespmem:$0x0];
	_ =	sdelay $0x4  }
0x17: {  	v4 =	vshll.u32 v3, $0x3  }
0x18: {  	v3 =	vand.u32 $0x7, v3;
	v4 =	vand.u32 $0xFFFFFFC0, v4  }
0x19: {  	v3 =	vor.u32 v3, v4  }
0x1a: {  	v4 =	vperm.xlane v3, v0;
	_ =	sdelay $0x1  }
0x1b: {  	v4 =	vadd.s32 v1, v4;
	_ =	sdelay $0x3  }
0x1c: {  	s0 =	simm.s32 $0x100  }
0x1d: {  	[tilespmem:s0], [sflag:$0x1] =	stream.indirect_vreg.gather [hbm4b:s3+s2], $0x80, v4, vm0, $0xb8;
	[tilespmem:$0x10100] =	vst v63  }
0x1e: {  	s9 =	simm.s32 $0x900;
	v3 =	vperm.xlane v3, v2  }
0x1f: {  	[tilespmem:s9], [sflag:$0x1] =	stream.indirect_vreg.gather [hbm4b:s4+s2], $0x80, v4, vm0, $0xb8;
	[tilespmem:$0x10100] =	vst v63  }
0x20: {  	s10 =	simm.s32 $0x1100;
	v3 =	vadd.s32 v1, v3  }
0x21: {  	[tilespmem:s10], [sflag:$0x1] =	stream.indirect_vreg.gather [hbm4b:s5+s2], $0x80, v4, vm0, $0xb8;
	[tilespmem:$0x10100] =	vst v63  }
0x22: {  	s11 =	simm.s32 $0x1900  }
0x23: {  	[tilespmem:s11], [sflag:$0x1] =	stream.indirect_vreg.gather [hbm4b:s6+s2], $0x80, v4, vm0, $0xb8;
	[tilespmem:$0x10100] =	vst v63  }
0x24: {  	s12 =	simm.s32 $0x2100  }
0x25: {  	[tilespmem:s12], [sflag:$0x1] =	stream.indirect_vreg.gather [hbm4b:s3+s2], $0x80, v3, vm0, $0xb8;
	[tilespmem:$0x10100] =	vst v63  }
0x26: {  	s13 =	simm.s32 $0x2900  }
0x27: {  	[tilespmem:s13], [sflag:$0x1] =	stream.indirect_vreg.gather [hbm4b:s4+s2], $0x80, v3, vm0, $0xb8;
	[tilespmem:$0x10100] =	vst v63  }
0x28: {  	s15 =	simm.s32 $0x3100  }
0x29: {  	[tilespmem:s15], [sflag:$0x1] =	stream.indirect_vreg.gather [hbm4b:s5+s2], $0x80, v3, vm0, $0xb8;
	[tilespmem:$0x10100] =	vst v63  }
0x2a: {  	s16 =	simm.s32 $0x3900  }
0x2b: {  	[tilespmem:s16], [sflag:$0x1] =	stream.indirect_vreg.gather [hbm4b:s6+s2], $0x80, v3, vm0, $0xb8;
	[tilespmem:$0x10100] =	vst v63  }
0x2c: {  	v3 =	vld [tilespmem:$0x10];
	_ =	sdelay $0x4  }
0x2d: {  	v49 =	vshll.u32 v3, $0x3  }
0x2e: {  	v3 =	vand.u32 $0x7, v3;
	v4 =	vand.u32 $0xFFFFFFC0, v49  }
0x2f: {  	v3 =	vor.u32 v3, v4  }
0x30: {  	v4 =	vperm.xlane v3, v0;
	_ =	sdelay $0x1  }
0x31: {  	v4 =	vadd.s32 v1, v4;
	_ =	sdelay $0x3  }
0x32: {  	s17 =	simm.s32 $0x4100  }
0x33: {  	[tilespmem:s17], [sflag:$0x1] =	stream.indirect_vreg.gather [hbm4b:s3+s2], $0x80, v4, vm0, $0xb8;
	[tilespmem:$0x10100] =	vst v63  }
0x34: {  	s21 =	simm.s32 $0x4900;
	v3 =	vperm.xlane v3, v2  }
0x35: {  	[tilespmem:s21], [sflag:$0x1] =	stream.indirect_vreg.gather [hbm4b:s4+s2], $0x80, v4, vm0, $0xb8;
	[tilespmem:$0x10100] =	vst v63  }
0x36: {  	s23 =	simm.s32 $0x5100;
	v3 =	vadd.s32 v1, v3  }
0x37: {  	[tilespmem:s23], [sflag:$0x1] =	stream.indirect_vreg.gather [hbm4b:s5+s2], $0x80, v4, vm0, $0xb8;
	[tilespmem:$0x10100] =	vst v63  }
0x38: {  	s24 =	simm.s32 $0x5900  }
0x39: {  	[tilespmem:s24], [sflag:$0x1] =	stream.indirect_vreg.gather [hbm4b:s6+s2], $0x80, v4, vm0, $0xb8;
	[tilespmem:$0x10100] =	vst v63  }
0x3a: {  	s26 =	simm.s32 $0x6100  }
0x3b: {  	[tilespmem:s26], [sflag:$0x1] =	stream.indirect_vreg.gather [hbm4b:s3+s2], $0x80, v3, vm0, $0xb8;
	[tilespmem:$0x10100] =	vst v63  }
0x3c: {  	s28 =	simm.s32 $0x6900  }
0x3d: {  	[tilespmem:s28], [sflag:$0x1] =	stream.indirect_vreg.gather [hbm4b:s4+s2], $0x80, v3, vm0, $0xb8;
	[tilespmem:$0x10100] =	vst v63  }
0x3e: {  	s29 =	simm.s32 $0x7100  }
0x3f: {  	[tilespmem:s29], [sflag:$0x1] =	stream.indirect_vreg.gather [hbm4b:s5+s2], $0x80, v3, vm0, $0xb8;
	[tilespmem:$0x10100] =	vst v63  }
0x40: {  	s30 =	simm.s32 $0x7900  }
0x41: {  	[tilespmem:s30], [sflag:$0x1] =	stream.indirect_vreg.gather [hbm4b:s6+s2], $0x80, v3, vm0, $0xb8;
	[tilespmem:$0x10100] =	vst v63  }
0x42: {  	_ =	swait.ge [sflag:s25], $0x8000  }
0x43: {  	[sflag:s25] =	ssyncset.done $0x0  }
0x44: {  	[sflag:s25] =	ssyncadd.s32 $0xFFFF8000  }
0x45: {  	v3 =	vld [tilespmem:$0x20];
	_ =	sdelay $0x4  }
0x46: {  	v50 =	vshll.u32 v3, $0x3  }
0x47: {  	v3 =	vand.u32 $0x7, v3;
	v4 =	vand.u32 $0xFFFFFFC0, v50  }
0x48: {  	v3 =	vor.u32 v3, v4  }
0x49: {  	v4 =	vperm.xlane v3, v0;
	_ =	sdelay $0x1  }
0x4a: {  	v4 =	vadd.s32 v1, v4;
	_ =	sdelay $0x4  }
0x4b: {  	[tilespmem:s1], [sflag:$0x2] =	stream.indirect_vreg.gather [hbm4b:s3+s2], $0x80, v4, vm0, $0xb8;
	[tilespmem:$0x10100] =	vst v63  }
0x4c: {  	s15 =	simm.s32 $0x8900;
	v3 =	vperm.xlane v3, v2  }
0x4d: {  	[tilespmem:s15], [sflag:$0x2] =	stream.indirect_vreg.gather [hbm4b:s4+s2], $0x80, v4, vm0, $0xb8;
	[tilespmem:$0x10100] =	vst v63  }
0x4e: {  	s31 =	simm.s32 $0x9100;
	v3 =	vadd.s32 v1, v3  }
0x4f: {  	[tilespmem:s31], [sflag:$0x2] =	stream.indirect_vreg.gather [hbm4b:s5+s2], $0x80, v4, vm0, $0xb8;
	[tilespmem:$0x10100] =	vst v63  }
0x50: {  	s8 =	simm.s32 $0x9900  }
0x51: {  	[tilespmem:s8], [sflag:$0x2] =	stream.indirect_vreg.gather [hbm4b:s6+s2], $0x80, v4, vm0, $0xb8;
	[tilespmem:$0x10100] =	vst v63  }
0x52: {  	s9 =	simm.s32 $0xA100  }
0x53: {  	[tilespmem:s9], [sflag:$0x2] =	stream.indirect_vreg.gather [hbm4b:s3+s2], $0x80, v3, vm0, $0xb8;
	[tilespmem:$0x10100] =	vst v63  }
0x54: {  	s10 =	simm.s32 $0xA900  }
0x55: {  	[tilespmem:s10], [sflag:$0x2] =	stream.indirect_vreg.gather [hbm4b:s4+s2], $0x80, v3, vm0, $0xb8;
	[tilespmem:$0x10100] =	vst v63  }
0x56: {  	s15 =	simm.s32 $0xB100  }
0x57: {  	[tilespmem:s15], [sflag:$0x2] =	stream.indirect_vreg.gather [hbm4b:s5+s2], $0x80, v3, vm0, $0xb8;
	[tilespmem:$0x10100] =	vst v63  }
0x58: {  	s23 =	simm.s32 $0xB900  }
0x59: {  	[tilespmem:s23], [sflag:$0x2] =	stream.indirect_vreg.gather [hbm4b:s6+s2], $0x80, v3, vm0, $0xb8;
	[tilespmem:$0x10100] =	vst v63  }
0x5a: {  	v3 =	vld [tilespmem:$0x30];
	_ =	sdelay $0x4  }
0x5b: {  	v51 =	vshll.u32 v3, $0x3  }
0x5c: {  	v3 =	vand.u32 $0x7, v3;
	v4 =	vand.u32 $0xFFFFFFC0, v51  }
0x5d: {  	v3 =	vor.u32 v3, v4  }
0x5e: {  	v4 =	vperm.xlane v3, v0;
	_ =	sdelay $0x1  }
0x5f: {  	v4 =	vadd.s32 v1, v4;
	_ =	sdelay $0x3  }
0x60: {  	s24 =	simm.s32 $0xC100  }
0x61: {  	[tilespmem:s24], [sflag:$0x2] =	stream.indirect_vreg.gather [hbm4b:s3+s2], $0x80, v4, vm0, $0xb8;
	[tilespmem:$0x10100] =	vst v63  }
0x62: {  	s28 =	simm.s32 $0xC900;
	v3 =	vperm.xlane v3, v2  }
0x63: {  	[tilespmem:s28], [sflag:$0x2] =	stream.indirect_vreg.gather [hbm4b:s4+s2], $0x80, v4, vm0, $0xb8;
	[tilespmem:$0x10100] =	vst v63  }
0x64: {  	s29 =	simm.s32 $0xD100;
	v3 =	vadd.s32 v1, v3  }
0x65: {  	[tilespmem:s29], [sflag:$0x2] =	stream.indirect_vreg.gather [hbm4b:s5+s2], $0x80, v4, vm0, $0xb8;
	[tilespmem:$0x10100] =	vst v63  }
0x66: {  	s30 =	simm.s32 $0xD900  }
0x67: {  	[tilespmem:s30], [sflag:$0x2] =	stream.indirect_vreg.gather [hbm4b:s6+s2], $0x80, v4, vm0, $0xb8;
	[tilespmem:$0x10100] =	vst v63  }
0x68: {  	s31 =	simm.s32 $0xE100  }
0x69: {  	[tilespmem:s31], [sflag:$0x2] =	stream.indirect_vreg.gather [hbm4b:s3+s2], $0x80, v3, vm0, $0xb8;
	[tilespmem:$0x10100] =	vst v63  }
0x6a: {  	s15 =	simm.s32 $0xE900  }
0x6b: {  	[tilespmem:s15], [sflag:$0x2] =	stream.indirect_vreg.gather [hbm4b:s4+s2], $0x80, v3, vm0, $0xb8;
	[tilespmem:$0x10100] =	vst v63  }
0x6c: {  	s23 =	simm.s32 $0xF100  }
0x6d: {  	[tilespmem:s23], [sflag:$0x2] =	stream.indirect_vreg.gather [hbm4b:s5+s2], $0x80, v3, vm0, $0xb8;
	[tilespmem:$0x10100] =	vst v63  }
0x6e: {  	s28 =	simm.s32 $0xF900  }
0x6f: {  	[tilespmem:s28], [sflag:$0x2] =	stream.indirect_vreg.gather [hbm4b:s6+s2], $0x80, v3, vm0, $0xb8;
	[tilespmem:$0x10100] =	vst v63  }
0x70: {  	s22 =	simm.s32 $0x100;
	s24 =	rddreg [dreg:$0x3]  }
0x71: {  	[hbm4b:s24+s2] =	stream.linear.scatter [tilespmem:s22], [sflag:$0x3], $0x8000, $0x38;
	[tilespmem:$0x10100] =	vst v63  }
0x72: {  	_ =	swait.ge [sflag:s18], $0x8000  }
0x73: {  	[sflag:s18] =	ssyncset.done $0x0  }
0x74: {  	[sflag:s18] =	ssyncadd.s32 $0xFFFF8000  }
0x75: {  	_ =	swait.ge [sflag:s19], $0x8000  }
0x76: {  	[sflag:s19] =	ssyncset.done $0x0  }
0x77: {  	[sflag:s19] =	ssyncadd.s32 $0xFFFF8000  }
0x78: {  	v3 =	vld [tilespmem:$0x40];
	_ =	sdelay $0x4  }
0x79: {  	v52 =	vshll.u32 v3, $0x3  }
0x7a: {  	v3 =	vand.u32 $0x7, v3;
	v4 =	vand.u32 $0xFFFFFFC0, v52  }
0x7b: {  	v3 =	vor.u32 v3, v4  }
0x7c: {  	v4 =	vperm.xlane v3, v0;
	_ =	sdelay $0x1  }
0x7d: {  	v4 =	vadd.s32 v1, v4;
	_ =	sdelay $0x4  }
0x7e: {  	[tilespmem:s22], [sflag:$0x1] =	stream.indirect_vreg.gather [hbm4b:s3+s2], $0x80, v4, vm0, $0xb8;
	[tilespmem:$0x10100] =	vst v63  }
0x7f: {  	v3 =	vperm.xlane v3, v2;
	s22 =	simm.s32 $0x900  }
0x80: {  	[tilespmem:s22], [sflag:$0x1] =	stream.indirect_vreg.gather [hbm4b:s4+s2], $0x80, v4, vm0, $0xb8;
	[tilespmem:$0x10100] =	vst v63  }
0x81: {  	s14 =	simm.s32 $0x1100;
	v3 =	vadd.s32 v1, v3  }
0x82: {  	[tilespmem:s14], [sflag:$0x1] =	stream.indirect_vreg.gather [hbm4b:s5+s2], $0x80, v4, vm0, $0xb8;
	[tilespmem:$0x10100] =	vst v63  }
0x83: {  	s24 =	simm.s32 $0x1900  }
0x84: {  	[tilespmem:s24], [sflag:$0x1] =	stream.indirect_vreg.gather [hbm4b:s6+s2], $0x80, v4, vm0, $0xb8;
	[tilespmem:$0x10100] =	vst v63  }
0x85: {  	s23 =	simm.s32 $0x2100  }
0x86: {  	[tilespmem:s23], [sflag:$0x1] =	stream.indirect_vreg.gather [hbm4b:s3+s2], $0x80, v3, vm0, $0xb8;
	[tilespmem:$0x10100] =	vst v63  }
0x87: {  	s28 =	simm.s32 $0x2900  }
0x88: {  	[tilespmem:s28], [sflag:$0x1] =	stream.indirect_vreg.gather [hbm4b:s4+s2], $0x80, v3, vm0, $0xb8;
	[tilespmem:$0x10100] =	vst v63  }
0x89: {  	s30 =	simm.s32 $0x3100  }
0x8a: {  	[tilespmem:s30], [sflag:$0x1] =	stream.indirect_vreg.gather [hbm4b:s5+s2], $0x80, v3, vm0, $0xb8;
	[tilespmem:$0x10100] =	vst v63  }
0x8b: {  	s31 =	simm.s32 $0x3900  }
0x8c: {  	[tilespmem:s31], [sflag:$0x1] =	stream.indirect_vreg.gather [hbm4b:s6+s2], $0x80, v3, vm0, $0xb8;
	[tilespmem:$0x10100] =	vst v63  }
0x8d: {  	v3 =	vld [tilespmem:$0x50];
	_ =	sdelay $0x4  }
0x8e: {  	v53 =	vshll.u32 v3, $0x3  }
0x8f: {  	v3 =	vand.u32 $0x7, v3;
	v4 =	vand.u32 $0xFFFFFFC0, v53  }
0x90: {  	v3 =	vor.u32 v3, v4  }
0x91: {  	v4 =	vperm.xlane v3, v0;
	_ =	sdelay $0x1  }
0x92: {  	v4 =	vadd.s32 v1, v4;
	_ =	sdelay $0x3  }
0x93: {  	s17 =	simm.s32 $0x4100  }
0x94: {  	[tilespmem:s17], [sflag:$0x1] =	stream.indirect_vreg.gather [hbm4b:s3+s2], $0x80, v4, vm0, $0xb8;
	[tilespmem:$0x10100] =	vst v63  }
0x95: {  	s16 =	simm.s32 $0x4900;
	v3 =	vperm.xlane v3, v2  }
0x96: {  	[tilespmem:s16], [sflag:$0x1] =	stream.indirect_vreg.gather [hbm4b:s4+s2], $0x80, v4, vm0, $0xb8;
	[tilespmem:$0x10100] =	vst v63  }
0x97: {  	s13 =	simm.s32 $0x5100;
	v3 =	vadd.s32 v1, v3  }
0x98: {  	[tilespmem:s13], [sflag:$0x1] =	stream.indirect_vreg.gather [hbm4b:s5+s2], $0x80, v4, vm0, $0xb8;
	[tilespmem:$0x10100] =	vst v63  }
0x99: {  	s13 =	simm.s32 $0x5900  }
0x9a: {  	[tilespmem:s13], [sflag:$0x1] =	stream.indirect_vreg.gather [hbm4b:s6+s2], $0x80, v4, vm0, $0xb8;
	[tilespmem:$0x10100] =	vst v63  }
0x9b: {  	s14 =	simm.s32 $0x6100  }
0x9c: {  	[tilespmem:s14], [sflag:$0x1] =	stream.indirect_vreg.gather [hbm4b:s3+s2], $0x80, v3, vm0, $0xb8;
	[tilespmem:$0x10100] =	vst v63  }
0x9d: {  	s16 =	simm.s32 $0x6900  }
0x9e: {  	[tilespmem:s16], [sflag:$0x1] =	stream.indirect_vreg.gather [hbm4b:s4+s2], $0x80, v3, vm0, $0xb8;
	[tilespmem:$0x10100] =	vst v63  }
0x9f: {  	s17 =	simm.s32 $0x7100  }
0xa0: {  	[tilespmem:s17], [sflag:$0x1] =	stream.indirect_vreg.gather [hbm4b:s5+s2], $0x80, v3, vm0, $0xb8;
	[tilespmem:$0x10100] =	vst v63  }
0xa1: {  	s12 =	simm.s32 $0x7900  }
0xa2: {  	[tilespmem:s12], [sflag:$0x1] =	stream.indirect_vreg.gather [hbm4b:s6+s2], $0x80, v3, vm0, $0xb8;
	[tilespmem:$0x10100] =	vst v63  }
0xa3: {  	s29 =	rddreg [dreg:$0x4]  }
0xa4: {  	[hbm4b:s29+s2] =	stream.linear.scatter [tilespmem:s1], [sflag:$0x4], $0x8000, $0x38;
	[tilespmem:$0x10100] =	vst v63  }
0xa5: {  	_ =	swait.ge [sflag:s25], $0x8000  }
0xa6: {  	[sflag:s25] =	ssyncset.done $0x0  }
0xa7: {  	[sflag:s25] =	ssyncadd.s32 $0xFFFF8000  }
0xa8: {  	_ =	swait.ge [sflag:s20], $0x8000  }
0xa9: {  	[sflag:s20] =	ssyncset.done $0x0  }
0xaa: {  	[sflag:s20] =	ssyncadd.s32 $0xFFFF8000  }
0xab: {  	v3 =	vld [tilespmem:$0x60];
	_ =	sdelay $0x4  }
0xac: {  	v54 =	vshll.u32 v3, $0x3  }
0xad: {  	v3 =	vand.u32 $0x7, v3;
	v4 =	vand.u32 $0xFFFFFFC0, v54  }
0xae: {  	v3 =	vor.u32 v3, v4  }
0xaf: {  	v4 =	vperm.xlane v3, v0;
	_ =	sdelay $0x1  }
0xb0: {  	v4 =	vadd.s32 v1, v4;
	_ =	sdelay $0x4  }
0xb1: {  	[tilespmem:s1], [sflag:$0x2] =	stream.indirect_vreg.gather [hbm4b:s3+s2], $0x80, v4, vm0, $0xb8;
	[tilespmem:$0x10100] =	vst v63  }
0xb2: {  	s11 =	simm.s32 $0x8900;
	v3 =	vperm.xlane v3, v2  }
0xb3: {  	[tilespmem:s11], [sflag:$0x2] =	stream.indirect_vreg.gather [hbm4b:s4+s2], $0x80, v4, vm0, $0xb8;
	[tilespmem:$0x10100] =	vst v63  }
0xb4: {  	s26 =	simm.s32 $0x9100;
	v3 =	vadd.s32 v1, v3  }
0xb5: {  	[tilespmem:s26], [sflag:$0x2] =	stream.indirect_vreg.gather [hbm4b:s5+s2], $0x80, v4, vm0, $0xb8;
	[tilespmem:$0x10100] =	vst v63  }
0xb6: {  	s0 =	simm.s32 $0x9900  }
0xb7: {  	[tilespmem:s0], [sflag:$0x2] =	stream.indirect_vreg.gather [hbm4b:s6+s2], $0x80, v4, vm0, $0xb8;
	[tilespmem:$0x10100] =	vst v63  }
0xb8: {  	s15 =	simm.s32 $0xA100  }
0xb9: {  	[tilespmem:s15], [sflag:$0x2] =	stream.indirect_vreg.gather [hbm4b:s3+s2], $0x80, v3, vm0, $0xb8;
	[tilespmem:$0x10100] =	vst v63  }
0xba: {  	s0 =	simm.s32 $0xA900  }
0xbb: {  	[tilespmem:s0], [sflag:$0x2] =	stream.indirect_vreg.gather [hbm4b:s4+s2], $0x80, v3, vm0, $0xb8;
	[tilespmem:$0x10100] =	vst v63  }
0xbc: {  	s26 =	simm.s32 $0xB100  }
0xbd: {  	[tilespmem:s26], [sflag:$0x2] =	stream.indirect_vreg.gather [hbm4b:s5+s2], $0x80, v3, vm0, $0xb8;
	[tilespmem:$0x10100] =	vst v63  }
0xbe: {  	s8 =	simm.s32 $0xB900  }
0xbf: {  	[tilespmem:s8], [sflag:$0x2] =	stream.indirect_vreg.gather [hbm4b:s6+s2], $0x80, v3, vm0, $0xb8;
	[tilespmem:$0x10100] =	vst v63  }
0xc0: {  	v3 =	vld [tilespmem:$0x70];
	_ =	sdelay $0x4  }
0xc1: {  	v55 =	vshll.u32 v3, $0x3  }
0xc2: {  	v3 =	vand.u32 $0x7, v3;
	v4 =	vand.u32 $0xFFFFFFC0, v55  }
0xc3: {  	v3 =	vor.u32 v3, v4  }
0xc4: {  	v4 =	vperm.xlane v3, v0;
	_ =	sdelay $0x1  }
0xc5: {  	v4 =	vadd.s32 v1, v4;
	_ =	sdelay $0x3  }
0xc6: {  	s9 =	simm.s32 $0xC100  }
0xc7: {  	[tilespmem:s9], [sflag:$0x2] =	stream.indirect_vreg.gather [hbm4b:s3+s2], $0x80, v4, vm0, $0xb8;
	[tilespmem:$0x10100] =	vst v63  }
0xc8: {  	s10 =	simm.s32 $0xC900;
	v3 =	vperm.xlane v3, v2  }
0xc9: {  	[tilespmem:s10], [sflag:$0x2] =	stream.indirect_vreg.gather [hbm4b:s4+s2], $0x80, v4, vm0, $0xb8;
	[tilespmem:$0x10100] =	vst v63  }
0xca: {  	s8 =	simm.s32 $0xD100;
	v3 =	vadd.s32 v1, v3  }
0xcb: {  	[tilespmem:s8], [sflag:$0x2] =	stream.indirect_vreg.gather [hbm4b:s5+s2], $0x80, v4, vm0, $0xb8;
	[tilespmem:$0x10100] =	vst v63  }
0xcc: {  	s9 =	simm.s32 $0xD900  }
0xcd: {  	[tilespmem:s9], [sflag:$0x2] =	stream.indirect_vreg.gather [hbm4b:s6+s2], $0x80, v4, vm0, $0xb8;
	[tilespmem:$0x10100] =	vst v63  }
0xce: {  	s10 =	simm.s32 $0xE100  }
0xcf: {  	[tilespmem:s10], [sflag:$0x2] =	stream.indirect_vreg.gather [hbm4b:s3+s2], $0x80, v3, vm0, $0xb8;
	[tilespmem:$0x10100] =	vst v63  }
0xd0: {  	s11 =	simm.s32 $0xE900  }
0xd1: {  	[tilespmem:s11], [sflag:$0x2] =	stream.indirect_vreg.gather [hbm4b:s4+s2], $0x80, v3, vm0, $0xb8;
	[tilespmem:$0x10100] =	vst v63  }
0xd2: {  	s12 =	simm.s32 $0xF100  }
0xd3: {  	[tilespmem:s12], [sflag:$0x2] =	stream.indirect_vreg.gather [hbm4b:s5+s2], $0x80, v3, vm0, $0xb8;
	[tilespmem:$0x10100] =	vst v63  }
0xd4: {  	s29 =	simm.s32 $0xF900  }
0xd5: {  	[tilespmem:s29], [sflag:$0x2] =	stream.indirect_vreg.gather [hbm4b:s6+s2], $0x80, v3, vm0, $0xb8;
	[tilespmem:$0x10100] =	vst v63  }
0xd6: {  	s21 =	rddreg [dreg:$0x5];
	s29 =	simm.s32 $0x100  }
0xd7: {  	[hbm4b:s21+s2] =	stream.linear.scatter [tilespmem:s29], [sflag:$0x3], $0x8000, $0x38;
	[tilespmem:$0x10100] =	vst v63  }
0xd8: {  	_ =	swait.ge [sflag:s18], $0x8000  }
0xd9: {  	[sflag:s18] =	ssyncset.done $0x0  }
0xda: {  	[sflag:s18] =	ssyncadd.s32 $0xFFFF8000  }
0xdb: {  	_ =	swait.ge [sflag:s19], $0x8000  }
0xdc: {  	[sflag:s19] =	ssyncset.done $0x0  }
0xdd: {  	[sflag:s19] =	ssyncadd.s32 $0xFFFF8000  }
0xde: {  	v3 =	vld [tilespmem:$0x80];
	_ =	sdelay $0x4  }
0xdf: {  	v56 =	vshll.u32 v3, $0x3  }
0xe0: {  	v3 =	vand.u32 $0x7, v3;
	v4 =	vand.u32 $0xFFFFFFC0, v56  }
0xe1: {  	v3 =	vor.u32 v3, v4  }
0xe2: {  	v4 =	vperm.xlane v3, v0;
	_ =	sdelay $0x1  }
0xe3: {  	v4 =	vadd.s32 v1, v4;
	_ =	sdelay $0x4  }
0xe4: {  	[tilespmem:s29], [sflag:$0x1] =	stream.indirect_vreg.gather [hbm4b:s3+s2], $0x80, v4, vm0, $0xb8;
	[tilespmem:$0x10100] =	vst v63  }
0xe5: {  	v3 =	vperm.xlane v3, v2  }
0xe6: {  	[tilespmem:s22], [sflag:$0x1] =	stream.indirect_vreg.gather [hbm4b:s4+s2], $0x80, v4, vm0, $0xb8;
	[tilespmem:$0x10100] =	vst v63  }
0xe7: {  	s21 =	simm.s32 $0x1100;
	v3 =	vadd.s32 v1, v3  }
0xe8: {  	[tilespmem:s21], [sflag:$0x1] =	stream.indirect_vreg.gather [hbm4b:s5+s2], $0x80, v4, vm0, $0xb8;
	[tilespmem:$0x10100] =	vst v63  }
0xe9: {  	_ = 	snop  }
0xea: {  	[tilespmem:s24], [sflag:$0x1] =	stream.indirect_vreg.gather [hbm4b:s6+s2], $0x80, v4, vm0, $0xb8;
	[tilespmem:$0x10100] =	vst v63  }
0xeb: {  	_ = 	snop  }
0xec: {  	[tilespmem:s23], [sflag:$0x1] =	stream.indirect_vreg.gather [hbm4b:s3+s2], $0x80, v3, vm0, $0xb8;
	[tilespmem:$0x10100] =	vst v63  }
0xed: {  	_ = 	snop  }
0xee: {  	[tilespmem:s28], [sflag:$0x1] =	stream.indirect_vreg.gather [hbm4b:s4+s2], $0x80, v3, vm0, $0xb8;
	[tilespmem:$0x10100] =	vst v63  }
0xef: {  	_ = 	snop  }
0xf0: {  	[tilespmem:s30], [sflag:$0x1] =	stream.indirect_vreg.gather [hbm4b:s5+s2], $0x80, v3, vm0, $0xb8;
	[tilespmem:$0x10100] =	vst v63  }
0xf1: {  	_ = 	snop  }
0xf2: {  	[tilespmem:s31], [sflag:$0x1] =	stream.indirect_vreg.gather [hbm4b:s6+s2], $0x80, v3, vm0, $0xb8;
	[tilespmem:$0x10100] =	vst v63  }
0xf3: {  	v3 =	vld [tilespmem:$0x90];
	_ =	sdelay $0x4  }
0xf4: {  	v57 =	vshll.u32 v3, $0x3  }
0xf5: {  	v3 =	vand.u32 $0x7, v3;
	v4 =	vand.u32 $0xFFFFFFC0, v57  }
0xf6: {  	v3 =	vor.u32 v3, v4  }
0xf7: {  	v4 =	vperm.xlane v3, v0;
	_ =	sdelay $0x1  }
0xf8: {  	v4 =	vadd.s32 v1, v4;
	_ =	sdelay $0x3  }
0xf9: {  	s21 =	simm.s32 $0x4100  }
0xfa: {  	[tilespmem:s21], [sflag:$0x1] =	stream.indirect_vreg.gather [hbm4b:s3+s2], $0x80, v4, vm0, $0xb8;
	[tilespmem:$0x10100] =	vst v63  }
0xfb: {  	v3 =	vperm.xlane v3, v2;
	s21 =	simm.s32 $0x4900  }
0xfc: {  	[tilespmem:s21], [sflag:$0x1] =	stream.indirect_vreg.gather [hbm4b:s4+s2], $0x80, v4, vm0, $0xb8;
	[tilespmem:$0x10100] =	vst v63  }
0xfd: {  	v3 =	vadd.s32 v1, v3;
	s21 =	simm.s32 $0x5100  }
0xfe: {  	[tilespmem:s21], [sflag:$0x1] =	stream.indirect_vreg.gather [hbm4b:s5+s2], $0x80, v4, vm0, $0xb8;
	[tilespmem:$0x10100] =	vst v63  }
0xff: {  	_ = 	snop  }
0x100: {  	[tilespmem:s13], [sflag:$0x1] =	stream.indirect_vreg.gather [hbm4b:s6+s2], $0x80, v4, vm0, $0xb8;
	[tilespmem:$0x10100] =	vst v63  }
0x101: {  	_ = 	snop  }
0x102: {  	[tilespmem:s14], [sflag:$0x1] =	stream.indirect_vreg.gather [hbm4b:s3+s2], $0x80, v3, vm0, $0xb8;
	[tilespmem:$0x10100] =	vst v63  }
0x103: {  	_ = 	snop  }
0x104: {  	[tilespmem:s16], [sflag:$0x1] =	stream.indirect_vreg.gather [hbm4b:s4+s2], $0x80, v3, vm0, $0xb8;
	[tilespmem:$0x10100] =	vst v63  }
0x105: {  	_ = 	snop  }
0x106: {  	[tilespmem:s17], [sflag:$0x1] =	stream.indirect_vreg.gather [hbm4b:s5+s2], $0x80, v3, vm0, $0xb8;
	[tilespmem:$0x10100] =	vst v63  }
0x107: {  	s13 =	simm.s32 $0x7900  }
0x108: {  	[tilespmem:s13], [sflag:$0x1] =	stream.indirect_vreg.gather [hbm4b:s6+s2], $0x80, v3, vm0, $0xb8;
	[tilespmem:$0x10100] =	vst v63  }
0x109: {  	s21 =	rddreg [dreg:$0x6]  }
0x10a: {  	[hbm4b:s21+s2] =	stream.linear.scatter [tilespmem:s1], [sflag:$0x4], $0x8000, $0x38;
	[tilespmem:$0x10100] =	vst v63  }
0x10b: {  	_ =	swait.ge [sflag:s25], $0x8000  }
0x10c: {  	[sflag:s25] =	ssyncset.done $0x0  }
0x10d: {  	[sflag:s25] =	ssyncadd.s32 $0xFFFF8000  }
0x10e: {  	_ =	swait.ge [sflag:s20], $0x8000  }
0x10f: {  	[sflag:s20] =	ssyncset.done $0x0  }
0x110: {  	[sflag:s20] =	ssyncadd.s32 $0xFFFF8000  }
0x111: {  	v3 =	vld [tilespmem:$0xA0];
	_ =	sdelay $0x4  }
0x112: {  	v58 =	vshll.u32 v3, $0x3  }
0x113: {  	v3 =	vand.u32 $0x7, v3;
	v4 =	vand.u32 $0xFFFFFFC0, v58  }
0x114: {  	v3 =	vor.u32 v3, v4  }
0x115: {  	v4 =	vperm.xlane v3, v0;
	_ =	sdelay $0x1  }
0x116: {  	v4 =	vadd.s32 v1, v4;
	_ =	sdelay $0x4  }
0x117: {  	[tilespmem:s1], [sflag:$0x2] =	stream.indirect_vreg.gather [hbm4b:s3+s2], $0x80, v4, vm0, $0xb8;
	[tilespmem:$0x10100] =	vst v63  }
0x118: {  	s13 =	simm.s32 $0x8900;
	v3 =	vperm.xlane v3, v2  }
0x119: {  	[tilespmem:s13], [sflag:$0x2] =	stream.indirect_vreg.gather [hbm4b:s4+s2], $0x80, v4, vm0, $0xb8;
	[tilespmem:$0x10100] =	vst v63  }
0x11a: {  	v3 =	vadd.s32 v1, v3;
	s13 =	simm.s32 $0x9100  }
0x11b: {  	[tilespmem:s13], [sflag:$0x2] =	stream.indirect_vreg.gather [hbm4b:s5+s2], $0x80, v4, vm0, $0xb8;
	[tilespmem:$0x10100] =	vst v63  }
0x11c: {  	s21 =	simm.s32 $0x9900  }
0x11d: {  	[tilespmem:s21], [sflag:$0x2] =	stream.indirect_vreg.gather [hbm4b:s6+s2], $0x80, v4, vm0, $0xb8;
	[tilespmem:$0x10100] =	vst v63  }
0x11e: {  	_ = 	snop  }
0x11f: {  	[tilespmem:s15], [sflag:$0x2] =	stream.indirect_vreg.gather [hbm4b:s3+s2], $0x80, v3, vm0, $0xb8;
	[tilespmem:$0x10100] =	vst v63  }
0x120: {  	_ = 	snop  }
0x121: {  	[tilespmem:s0], [sflag:$0x2] =	stream.indirect_vreg.gather [hbm4b:s4+s2], $0x80, v3, vm0, $0xb8;
	[tilespmem:$0x10100] =	vst v63  }
0x122: {  	_ = 	snop  }
0x123: {  	[tilespmem:s26], [sflag:$0x2] =	stream.indirect_vreg.gather [hbm4b:s5+s2], $0x80, v3, vm0, $0xb8;
	[tilespmem:$0x10100] =	vst v63  }
0x124: {  	s0 =	simm.s32 $0xB900  }
0x125: {  	[tilespmem:s0], [sflag:$0x2] =	stream.indirect_vreg.gather [hbm4b:s6+s2], $0x80, v3, vm0, $0xb8;
	[tilespmem:$0x10100] =	vst v63  }
0x126: {  	v3 =	vld [tilespmem:$0xB0];
	_ =	sdelay $0x4  }
0x127: {  	v59 =	vshll.u32 v3, $0x3  }
0x128: {  	v3 =	vand.u32 $0x7, v3;
	v4 =	vand.u32 $0xFFFFFFC0, v59  }
0x129: {  	v3 =	vor.u32 v3, v4  }
0x12a: {  	v4 =	vperm.xlane v3, v0;
	_ =	sdelay $0x1  }
0x12b: {  	v4 =	vadd.s32 v1, v4;
	_ =	sdelay $0x3  }
0x12c: {  	s0 =	simm.s32 $0xC100  }
0x12d: {  	[tilespmem:s0], [sflag:$0x2] =	stream.indirect_vreg.gather [hbm4b:s3+s2], $0x80, v4, vm0, $0xb8;
	[tilespmem:$0x10100] =	vst v63  }
0x12e: {  	v3 =	vperm.xlane v3, v2;
	s0 =	simm.s32 $0xC900  }
0x12f: {  	[tilespmem:s0], [sflag:$0x2] =	stream.indirect_vreg.gather [hbm4b:s4+s2], $0x80, v4, vm0, $0xb8;
	[tilespmem:$0x10100] =	vst v63  }
0x130: {  	v3 =	vadd.s32 v1, v3  }
0x131: {  	[tilespmem:s8], [sflag:$0x2] =	stream.indirect_vreg.gather [hbm4b:s5+s2], $0x80, v4, vm0, $0xb8;
	[tilespmem:$0x10100] =	vst v63  }
0x132: {  	_ = 	snop  }
0x133: {  	[tilespmem:s9], [sflag:$0x2] =	stream.indirect_vreg.gather [hbm4b:s6+s2], $0x80, v4, vm0, $0xb8;
	[tilespmem:$0x10100] =	vst v63  }
0x134: {  	_ = 	snop  }
0x135: {  	[tilespmem:s10], [sflag:$0x2] =	stream.indirect_vreg.gather [hbm4b:s3+s2], $0x80, v3, vm0, $0xb8;
	[tilespmem:$0x10100] =	vst v63  }
0x136: {  	_ = 	snop  }
0x137: {  	[tilespmem:s11], [sflag:$0x2] =	stream.indirect_vreg.gather [hbm4b:s4+s2], $0x80, v3, vm0, $0xb8;
	[tilespmem:$0x10100] =	vst v63  }
0x138: {  	_ = 	snop  }
0x139: {  	[tilespmem:s12], [sflag:$0x2] =	stream.indirect_vreg.gather [hbm4b:s5+s2], $0x80, v3, vm0, $0xb8;
	[tilespmem:$0x10100] =	vst v63  }
0x13a: {  	s0 =	simm.s32 $0xF900  }
0x13b: {  	[tilespmem:s0], [sflag:$0x2] =	stream.indirect_vreg.gather [hbm4b:s6+s2], $0x80, v3, vm0, $0xb8;
	[tilespmem:$0x10100] =	vst v63  }
0x13c: {  	s29 =	simm.s32 $0x100;
	s21 =	rddreg [dreg:$0x7]  }
0x13d: {  	[hbm4b:s21+s2] =	stream.linear.scatter [tilespmem:s29], [sflag:$0x3], $0x8000, $0x38;
	[tilespmem:$0x10100] =	vst v63  }
0x13e: {  	_ =	swait.ge [sflag:s18], $0x8000  }
0x13f: {  	[sflag:s18] =	ssyncset.done $0x0  }
0x140: {  	[sflag:s18] =	ssyncadd.s32 $0xFFFF8000  }
0x141: {  	_ =	swait.ge [sflag:s19], $0x8000  }
0x142: {  	[sflag:s19] =	ssyncset.done $0x0  }
0x143: {  	[sflag:s19] =	ssyncadd.s32 $0xFFFF8000  }
0x144: {  	v3 =	vld [tilespmem:$0xC0];
	_ =	sdelay $0x4  }
0x145: {  	v60 =	vshll.u32 v3, $0x3  }
0x146: {  	v3 =	vand.u32 $0x7, v3;
	v4 =	vand.u32 $0xFFFFFFC0, v60  }
0x147: {  	v3 =	vor.u32 v3, v4  }
0x148: {  	v4 =	vperm.xlane v3, v0;
	_ =	sdelay $0x1  }
0x149: {  	v4 =	vadd.s32 v1, v4;
	_ =	sdelay $0x4  }
0x14a: {  	[tilespmem:s29], [sflag:$0x1] =	stream.indirect_vreg.gather [hbm4b:s3+s2], $0x80, v4, vm0, $0xb8;
	[tilespmem:$0x10100] =	vst v63  }
0x14b: {  	s22 =	simm.s32 $0x900;
	v3 =	vperm.xlane v3, v2  }
0x14c: {  	[tilespmem:s22], [sflag:$0x1] =	stream.indirect_vreg.gather [hbm4b:s4+s2], $0x80, v4, vm0, $0xb8;
	[tilespmem:$0x10100] =	vst v63  }
0x14d: {  	v3 =	vadd.s32 v1, v3;
	s22 =	simm.s32 $0x1100  }
0x14e: {  	[tilespmem:s22], [sflag:$0x1] =	stream.indirect_vreg.gather [hbm4b:s5+s2], $0x80, v4, vm0, $0xb8;
	[tilespmem:$0x10100] =	vst v63  }
0x14f: {  	s24 =	simm.s32 $0x1900  }
0x150: {  	[tilespmem:s24], [sflag:$0x1] =	stream.indirect_vreg.gather [hbm4b:s6+s2], $0x80, v4, vm0, $0xb8;
	[tilespmem:$0x10100] =	vst v63  }
0x151: {  	s23 =	simm.s32 $0x2100  }
0x152: {  	[tilespmem:s23], [sflag:$0x1] =	stream.indirect_vreg.gather [hbm4b:s3+s2], $0x80, v3, vm0, $0xb8;
	[tilespmem:$0x10100] =	vst v63  }
0x153: {  	s28 =	simm.s32 $0x2900  }
0x154: {  	[tilespmem:s28], [sflag:$0x1] =	stream.indirect_vreg.gather [hbm4b:s4+s2], $0x80, v3, vm0, $0xb8;
	[tilespmem:$0x10100] =	vst v63  }
0x155: {  	s30 =	simm.s32 $0x3100  }
0x156: {  	[tilespmem:s30], [sflag:$0x1] =	stream.indirect_vreg.gather [hbm4b:s5+s2], $0x80, v3, vm0, $0xb8;
	[tilespmem:$0x10100] =	vst v63  }
0x157: {  	s31 =	simm.s32 $0x3900  }
0x158: {  	[tilespmem:s31], [sflag:$0x1] =	stream.indirect_vreg.gather [hbm4b:s6+s2], $0x80, v3, vm0, $0xb8;
	[tilespmem:$0x10100] =	vst v63  }
0x159: {  	v3 =	vld [tilespmem:$0xD0];
	_ =	sdelay $0x4  }
0x15a: {  	v61 =	vshll.u32 v3, $0x3  }
0x15b: {  	v3 =	vand.u32 $0x7, v3;
	v4 =	vand.u32 $0xFFFFFFC0, v61  }
0x15c: {  	v3 =	vor.u32 v3, v4  }
0x15d: {  	v4 =	vperm.xlane v3, v0;
	_ =	sdelay $0x1  }
0x15e: {  	v4 =	vadd.s32 v1, v4;
	_ =	sdelay $0x3  }
0x15f: {  	s24 =	simm.s32 $0x4100  }
0x160: {  	[tilespmem:s24], [sflag:$0x1] =	stream.indirect_vreg.gather [hbm4b:s3+s2], $0x80, v4, vm0, $0xb8;
	[tilespmem:$0x10100] =	vst v63  }
0x161: {  	s28 =	simm.s32 $0x4900;
	v3 =	vperm.xlane v3, v2  }
0x162: {  	[tilespmem:s28], [sflag:$0x1] =	stream.indirect_vreg.gather [hbm4b:s4+s2], $0x80, v4, vm0, $0xb8;
	[tilespmem:$0x10100] =	vst v63  }
0x163: {  	s30 =	simm.s32 $0x5100;
	v3 =	vadd.s32 v1, v3  }
0x164: {  	[tilespmem:s30], [sflag:$0x1] =	stream.indirect_vreg.gather [hbm4b:s5+s2], $0x80, v4, vm0, $0xb8;
	[tilespmem:$0x10100] =	vst v63  }
0x165: {  	s31 =	simm.s32 $0x5900  }
0x166: {  	[tilespmem:s31], [sflag:$0x1] =	stream.indirect_vreg.gather [hbm4b:s6+s2], $0x80, v4, vm0, $0xb8;
	[tilespmem:$0x10100] =	vst v63  }
0x167: {  	s14 =	simm.s32 $0x6100  }
0x168: {  	[tilespmem:s14], [sflag:$0x1] =	stream.indirect_vreg.gather [hbm4b:s3+s2], $0x80, v3, vm0, $0xb8;
	[tilespmem:$0x10100] =	vst v63  }
0x169: {  	s16 =	simm.s32 $0x6900  }
0x16a: {  	[tilespmem:s16], [sflag:$0x1] =	stream.indirect_vreg.gather [hbm4b:s4+s2], $0x80, v3, vm0, $0xb8;
	[tilespmem:$0x10100] =	vst v63  }
0x16b: {  	s17 =	simm.s32 $0x7100  }
0x16c: {  	[tilespmem:s17], [sflag:$0x1] =	stream.indirect_vreg.gather [hbm4b:s5+s2], $0x80, v3, vm0, $0xb8;
	[tilespmem:$0x10100] =	vst v63  }
0x16d: {  	s16 =	simm.s32 $0x7900  }
0x16e: {  	[tilespmem:s16], [sflag:$0x1] =	stream.indirect_vreg.gather [hbm4b:s6+s2], $0x80, v3, vm0, $0xb8;
	[tilespmem:$0x10100] =	vst v63  }
0x16f: {  	s14 =	rddreg [dreg:$0x8]  }
0x170: {  	[hbm4b:s14+s2] =	stream.linear.scatter [tilespmem:s1], [sflag:$0x4], $0x8000, $0x38;
	[tilespmem:$0x10100] =	vst v63  }
0x171: {  	_ =	swait.ge [sflag:s25], $0x8000  }
0x172: {  	[sflag:s25] =	ssyncset.done $0x0  }
0x173: {  	[sflag:s25] =	ssyncadd.s32 $0xFFFF8000  }
0x174: {  	_ =	swait.ge [sflag:s20], $0x8000  }
0x175: {  	[sflag:s20] =	ssyncset.done $0x0  }
0x176: {  	[sflag:s20] =	ssyncadd.s32 $0xFFFF8000  }
0x177: {  	v3 =	vld [tilespmem:$0xE0];
	_ =	sdelay $0x4  }
0x178: {  	v62 =	vshll.u32 v3, $0x3  }
0x179: {  	v3 =	vand.u32 $0x7, v3;
	v4 =	vand.u32 $0xFFFFFFC0, v62  }
0x17a: {  	v3 =	vor.u32 v3, v4  }
0x17b: {  	v4 =	vperm.xlane v3, v0;
	_ =	sdelay $0x1  }
0x17c: {  	v4 =	vadd.s32 v1, v4;
	_ =	sdelay $0x4  }
0x17d: {  	[tilespmem:s1], [sflag:$0x2] =	stream.indirect_vreg.gather [hbm4b:s3+s2], $0x80, v4, vm0, $0xb8;
	[tilespmem:$0x10100] =	vst v63  }
0x17e: {  	s17 =	simm.s32 $0x8900;
	v3 =	vperm.xlane v3, v2  }
0x17f: {  	[tilespmem:s17], [sflag:$0x2] =	stream.indirect_vreg.gather [hbm4b:s4+s2], $0x80, v4, vm0, $0xb8;
	[tilespmem:$0x10100] =	vst v63  }
0x180: {  	s13 =	simm.s32 $0x9100;
	v3 =	vadd.s32 v1, v3  }
0x181: {  	[tilespmem:s13], [sflag:$0x2] =	stream.indirect_vreg.gather [hbm4b:s5+s2], $0x80, v4, vm0, $0xb8;
	[tilespmem:$0x10100] =	vst v63  }
0x182: {  	s21 =	simm.s32 $0x9900  }
0x183: {  	[tilespmem:s21], [sflag:$0x2] =	stream.indirect_vreg.gather [hbm4b:s6+s2], $0x80, v4, vm0, $0xb8;
	[tilespmem:$0x10100] =	vst v63  }
0x184: {  	s15 =	simm.s32 $0xA100  }
0x185: {  	[tilespmem:s15], [sflag:$0x2] =	stream.indirect_vreg.gather [hbm4b:s3+s2], $0x80, v3, vm0, $0xb8;
	[tilespmem:$0x10100] =	vst v63  }
0x186: {  	s22 =	simm.s32 $0xA900  }
0x187: {  	[tilespmem:s22], [sflag:$0x2] =	stream.indirect_vreg.gather [hbm4b:s4+s2], $0x80, v3, vm0, $0xb8;
	[tilespmem:$0x10100] =	vst v63  }
0x188: {  	s26 =	simm.s32 $0xB100  }
0x189: {  	[tilespmem:s26], [sflag:$0x2] =	stream.indirect_vreg.gather [hbm4b:s5+s2], $0x80, v3, vm0, $0xb8;
	[tilespmem:$0x10100] =	vst v63  }
0x18a: {  	s23 =	simm.s32 $0xB900  }
0x18b: {  	[tilespmem:s23], [sflag:$0x2] =	stream.indirect_vreg.gather [hbm4b:s6+s2], $0x80, v3, vm0, $0xb8;
	[tilespmem:$0x10100] =	vst v63  }
0x18c: {  	v3 =	vld [tilespmem:$0xF0];
	_ =	sdelay $0x4  }
0x18d: {  	v63 =	vshll.u32 v3, $0x3  }
0x18e: {  	v3 =	vand.u32 $0x7, v3;
	v4 =	vand.u32 $0xFFFFFFC0, v63  }
0x18f: {  	v3 =	vor.u32 v3, v4  }
0x190: {  	v4 =	vperm.xlane v3, v0;
	_ =	sdelay $0x1  }
0x191: {  	v4 =	vadd.s32 v1, v4;
	_ =	sdelay $0x3  }
0x192: {  	s24 =	simm.s32 $0xC100  }
0x193: {  	[tilespmem:s24], [sflag:$0x2] =	stream.indirect_vreg.gather [hbm4b:s3+s2], $0x80, v4, vm0, $0xb8;
	[tilespmem:$0x10100] =	vst v63  }
0x194: {  	s26 =	simm.s32 $0xC900;
	v3 =	vperm.xlane v3, v2  }
0x195: {  	[tilespmem:s26], [sflag:$0x2] =	stream.indirect_vreg.gather [hbm4b:s4+s2], $0x80, v4, vm0, $0xb8;
	[tilespmem:$0x10100] =	vst v63  }
0x196: {  	s8 =	simm.s32 $0xD100;
	v3 =	vadd.s32 v1, v3  }
0x197: {  	[tilespmem:s8], [sflag:$0x2] =	stream.indirect_vreg.gather [hbm4b:s5+s2], $0x80, v4, vm0, $0xb8;
	[tilespmem:$0x10100] =	vst v63  }
0x198: {  	s9 =	simm.s32 $0xD900  }
0x199: {  	[tilespmem:s9], [sflag:$0x2] =	stream.indirect_vreg.gather [hbm4b:s6+s2], $0x80, v4, vm0, $0xb8;
	[tilespmem:$0x10100] =	vst v63  }
0x19a: {  	s10 =	simm.s32 $0xE100  }
0x19b: {  	[tilespmem:s10], [sflag:$0x2] =	stream.indirect_vreg.gather [hbm4b:s3+s2], $0x80, v3, vm0, $0xb8;
	[tilespmem:$0x10100] =	vst v63  }
0x19c: {  	s11 =	simm.s32 $0xE900  }
0x19d: {  	[tilespmem:s11], [sflag:$0x2] =	stream.indirect_vreg.gather [hbm4b:s4+s2], $0x80, v3, vm0, $0xb8;
	[tilespmem:$0x10100] =	vst v63  }
0x19e: {  	s12 =	simm.s32 $0xF100  }
0x19f: {  	[tilespmem:s12], [sflag:$0x2] =	stream.indirect_vreg.gather [hbm4b:s5+s2], $0x80, v3, vm0, $0xb8;
	[tilespmem:$0x10100] =	vst v63  }
0x1a0: {  	s30 =	simm.s32 $0xF900  }
0x1a1: {  	[tilespmem:s30], [sflag:$0x2] =	stream.indirect_vreg.gather [hbm4b:s6+s2], $0x80, v3, vm0, $0xb8;
	[tilespmem:$0x10100] =	vst v63  }
0x1a2: {  	s28 =	rddreg [dreg:$0x9]  }
0x1a3: {  	[hbm4b:s28+s2] =	stream.linear.scatter [tilespmem:s29], [sflag:$0x3], $0x8000, $0x38;
	[tilespmem:$0x10100] =	vst v63  }
0x1a4: {  	_ =	swait.ge [sflag:s18], $0x8000  }
0x1a5: {  	[sflag:s18] =	ssyncset.done $0x0  }
0x1a6: {  	[sflag:s18] =	ssyncadd.s32 $0xFFFF8000  }
0x1a7: {  	_ =	swait.ge [sflag:s19], $0x8000  }
0x1a8: {  	p0 =	sne.s32 s7, $0x1;
	[sflag:s19] =	ssyncset.done $0x0  }
.Ltmp0:
0x1a9: {  	s31 =	rddreg [dreg:$0xa];
	[sflag:s19] =	ssyncadd.s32 $0xFFFF8000;
	(pc) =	sbr.rel @p0 .LBB2_1-.Ltmp0, $4  }
0x1aa: {  	[hbm4b:s31+s2] =	stream.linear.scatter [tilespmem:s1], [sflag:$0x4], $0x8000, $0x38;
	[tilespmem:$0x10100] =	vst v63  }
0x1ab: {  	_ =	swait.ge [sflag:s20], $0x8000  }
0x1ac: {  	[sflag:s20] =	ssyncset.done $0x0  }
0x1ad: {  	s7 =	sadd.s32 $0xFFFFFFFF, s7;
	[sflag:s20] =	ssyncadd.s32 $0xFFFF8000  }
0x1ae: {  	_ =	sfence.sel $0x180000  }
0x1af: {  	[bflag:$0x0] =	sbarrier.arrive $0xFFFF  }
0x1b0: {  	_ =	strace $0x90000053  }
0x1b1: {  	s0 =	stileid.u32;
	[bflag:$0x2] =	sbarrier.arrive $0xFFFF  }
0x1b2: {  	p0 =	sne.s32 s0, $0x0;
	s0 =	rddreg [dreg:$0x1]  }
0x1b3: {  	s0 =	sadd.s32 @!p0 $0x100000, s0  }
0x1b4: {  	[sflag:s0] =	ssyncadd.tile.s32 @!p0 $0x1;
	_ =	shalt  }
.Lfunc_end2:
_tile_overlayer_lowered:
.L_overlay_start_2:
0x1b5: {  	(tag) =	ssettag $0x2  }
0x1b6: {  	s0 =	rddreg [dreg:$0x0];
	s2 =	stileid.u32  }
0x1b7: {  	s1 =	rddreg [dreg:$0x1];
	p0 =	sne.s32 s2, $0x0  }
0x1b8: {  	s3 =	rddreg [dreg:$0x2];
	[bflag:$0x3] =	sbarrier.arrive $0xFFFF;
	s2 =	simm.s32 @!p0 $0x1C05  }
0x1b9: {  	[timem:s3], [sflag:s2] =	dma.local @!p0 [hbm:s0], s1  }
0x1ba: {  	s0 =	simm.s32 @!p0 $0x5  }
0x1bb: {  	_ =	swait.ge @!p0 [sflag:s0], s1  }
0x1bc: {  	s1 =	ssub.s32 @!p0 $0x0, s1;
	[sflag:s0] =	ssyncset.done @!p0 $0x0  }
0x1bd: {  	[sflag:s0] =	ssyncadd.s32 @!p0 s1  }
0x1be: {  	[bflag:$0x3] =	sbarrier.arrive $0xFFFF  }
0x1bf: {  	_ =	shalt  }

// kernel: kernel.8.cloned.1.call-start
scs
__scs_entry_jumppad:
0x0: {  	(pc) =	sbr.rel $0x88, $3  }
0x1: {  	(tag) =	ssettag $0x0;
	lr =	simm.s32 $0x1  }
0x2: {  	[smem:$0x3F94] =	sst lr;
	_ =	strace $0xD0000000  }
0x3: {  	_ = 	snop  }
0x4: {  	_ = 	snop  }
0x5: {  	_ = 	snop  }
0x6: {  	_ = 	snop  }
0x7: {  	_ = 	snop  }
__scs_overlays_trampoline_lowered:
0x8: {  	[smem:$0x3FA3] =	sst s0  }
0x9: {  	[smem:$0x3FA4] =	sst s1  }
0xa: {  	[smem:$0x3FA5] =	sst s2  }
0xb: {  	[smem:$0x3FA6] =	sst s3  }
0xc: {  	[smem:$0x3FA7] =	sst s4  }
0xd: {  	[smem:$0x3FA8] =	sst s5  }
0xe: {  	[smem:$0x3FA9] =	sst s6  }
0xf: {  	[smem:$0x3FAA] =	sst s7  }
0x10: {  	[smem:$0x3FAB] =	sst s8  }
0x11: {  	[smem:$0x3FAC] =	sst s9;
	s0 =	simm.s32 @!p0 $0x0  }
0x12: {  	s1 =	sld [smem:$0x3F92];
	s0 =	simm.s32 @p0 $0x1  }
0x13: {  	[smem:$0x3FAD] =	sst s0;
	s0 =	simm.s32 @!p1 $0x0  }
0x14: {  	s2 =	sld [smem:$0x3F91];
	s0 =	simm.s32 @p1 $0x1  }
0x15: {  	[smem:$0x3FAE] =	sst s0;
	s0 =	simm.s32 @!p2 $0x0  }
0x16: {  	s3 =	sld [smem:$0x3FDB];
	s0 =	simm.s32 @p2 $0x1  }
0x17: {  	s4 =	simm.s32 $0x1BF5;
	[smem:$0x3FB0] =	sst s0  }
0x18: {  	s0 =	sld [smem:$0x3F93];
	_ =	swait.ge [sflag:s4], $0x0  }
0x19: {  	s7 =	sld [smem:$0x3F94]  }
0x1a: {  	s8 =	sadd.s32 $0xFFFFE003, lr  }
0x1b: {  	s9 =	sadd.s32 $0xFFFFFEF7, lr;
	s5 =	simm.s32 $0xFFFFFFFF;
	p2 =	slt.u32 s8, $0xFFFFF086  }
0x1c: {  	p1 =	slt.u32 s9, $0xF7A;
	s5 =	simm.s32 @!p2 $0x0  }
0x1d: {  	s5 =	simm.s32 @p1 $0x1;
	p0 =	seq.s32 s7, s2  }
0x1e: {  	s7 =	smul.u32 @!p0 $0xF7A, s2;
	p2 =	seq.s32 @!p0 s5, $0x0  }
0x1f: {  	s9 =	smul.u32 $0xF7A, s1;
	s8 =	simm.s32 @!p0 $0x1BF5;
	p2 =	por !p2, p0  }
0x20: {  	[sflag:s8] =	ssyncset.s32 @!p0 $0xFFFFF086;
	s6 =	sadd.s32 @!p0 s3, s7;
	s7 =	simm.s32 @!p0 $0x108  }
0x21: {  	s3 =	sadd.s32 s3, s9;
	s6 =	sadd.s32 @!p0 $0x88, s6;
	s7 =	simm.s32 @p2 $0x1082  }
0x22: {  	[simem:s7], [sflag:s8] =	dma.local @!p0 [hbm:s6], $0xF7A  }
0x23: {  	s9 =	sor.u32 $0xD0000000, s2;
	s6 =	simm.s32 $0x108;
	_ =	swait.ge @!p0 [sflag:s8], $0x0  }
0x24: {  	s3 =	sadd.s32 $0x88, s3;
	s6 =	simm.s32 @!p1 $0x1082;
	[sflag:s4] =	ssyncset.s32 $0xFFFFF086  }
0x25: {  	[simem:s6], [sflag:s4] =	dma.local [hbm:s3], $0xF7A  }
0x26: {  	[smem:$0x3F94] =	sst s1;
	(tag) =	ssettag s2;
	_ =	strace s9  }
0x27: {  	s1 =	sld [smem:$0x3FA4]  }
0x28: {  	s2 =	sld [smem:$0x3FA5]  }
0x29: {  	s4 =	sld [smem:$0x3FA7]  }
0x2a: {  	p0 =	seq.s32 s5, $0x0;
	s5 =	sld [smem:$0x3FA8]  }
0x2b: {  	s6 =	sld [smem:$0x3FA9]  }
0x2c: {  	s7 =	sld [smem:$0x3FAA]  }
0x2d: {  	s3 =	simm.s32 $0x108;
	s8 =	sld [smem:$0x3FAB]  }
0x2e: {  	s3 =	simm.s32 @!p0 $0x1082;
	s9 =	sld [smem:$0x3FAC]  }
0x2f: {  	lr =	sadd.s32 s0, s3;
	s0 =	sld [smem:$0x3FA3]  }
0x30: {  	s3 =	sld [smem:$0x3FA6]  }
0x31: {  	[smem:$0x3FAF] =	sst s10  }
0x32: {  	s10 =	sld [smem:$0x3FAD];
	_ =	sdelay $0x3  }
0x33: {  	p0 =	seq.s32 s10, $0x1;
	s10 =	sld [smem:$0x3FAF];
	_ =	sdelay $0x3  }
0x34: {  	[smem:$0x3FAF] =	sst s10  }
0x35: {  	s10 =	sld [smem:$0x3FAE];
	_ =	sdelay $0x3  }
0x36: {  	p1 =	seq.s32 s10, $0x1;
	s10 =	sld [smem:$0x3FAF];
	_ =	sdelay $0x3  }
0x37: {  	[smem:$0x3FAF] =	sst s10  }
0x38: {  	s10 =	sld [smem:$0x3FB0]  }
0x39: {  	_ = 	snop;
	(pc) =	sbr.ind lr, $3  }
0x3a: {  	_ = 	snop  }
0x3b: {  	_ = 	snop  }
0x3c: {  	p2 =	seq.s32 s10, $0x1;
	s10 =	sld [smem:$0x3FAF]  }
0x3d: {  	_ =	shalt  }
0x3e: {  	_ =	shalt  }
0x3f: {  	_ =	shalt  }
0x40: {  	_ =	shalt  }
0x41: {  	_ =	shalt  }
0x42: {  	_ =	shalt  }
0x43: {  	_ =	shalt  }
0x44: {  	_ =	shalt  }
0x45: {  	_ =	shalt  }
0x46: {  	_ =	shalt  }
0x47: {  	_ =	shalt  }
0x48: {  	_ =	shalt  }
0x49: {  	_ =	shalt  }
0x4a: {  	_ =	shalt  }
0x4b: {  	_ =	shalt  }
0x4c: {  	_ =	shalt  }
0x4d: {  	_ =	shalt  }
0x4e: {  	_ =	shalt  }
0x4f: {  	_ =	shalt  }
0x50: {  	_ =	shalt  }
0x51: {  	_ =	shalt  }
0x52: {  	_ =	shalt  }
0x53: {  	_ =	shalt  }
0x54: {  	_ =	shalt  }
0x55: {  	_ =	shalt  }
0x56: {  	_ =	shalt  }
0x57: {  	_ =	shalt  }
0x58: {  	_ =	shalt  }
0x59: {  	_ =	shalt  }
0x5a: {  	_ =	shalt  }
0x5b: {  	_ =	shalt  }
0x5c: {  	_ =	shalt  }
0x5d: {  	_ =	shalt  }
0x5e: {  	_ =	shalt  }
0x5f: {  	_ =	shalt  }
0x60: {  	_ =	shalt  }
0x61: {  	_ =	shalt  }
0x62: {  	_ =	shalt  }
0x63: {  	_ =	shalt  }
0x64: {  	_ =	shalt  }
0x65: {  	_ =	shalt  }
0x66: {  	_ =	shalt  }
0x67: {  	_ =	shalt  }
0x68: {  	_ =	shalt  }
0x69: {  	_ =	shalt  }
0x6a: {  	_ =	shalt  }
0x6b: {  	_ =	shalt  }
0x6c: {  	_ =	shalt  }
0x6d: {  	_ =	shalt  }
0x6e: {  	_ =	shalt  }
0x6f: {  	_ =	shalt  }
0x70: {  	_ =	shalt  }
0x71: {  	_ =	shalt  }
0x72: {  	_ =	shalt  }
0x73: {  	_ =	shalt  }
0x74: {  	_ =	shalt  }
0x75: {  	_ =	shalt  }
0x76: {  	_ =	shalt  }
0x77: {  	_ =	shalt  }
0x78: {  	_ =	shalt  }
0x79: {  	_ =	shalt  }
0x7a: {  	_ =	shalt  }
0x7b: {  	_ =	shalt  }
0x7c: {  	_ =	shalt  }
0x7d: {  	_ =	shalt  }
0x7e: {  	_ =	shalt  }
0x7f: {  	_ =	shalt  }
0x80: {  	_ =	shalt  }
0x81: {  	_ =	shalt  }
0x82: {  	_ =	shalt  }
0x83: {  	_ =	shalt  }
0x84: {  	_ =	shalt  }
0x85: {  	_ =	shalt  }
0x86: {  	_ =	shalt  }
0x87: {  	_ =	shalt  }
.Lfunc_end0:
.L_simem_size_0:
called_computation.3_lowered:
.L_overlay_start_0:
0x88: {  	s2 =	sld [smem:$0x3FD9]  }
0x89: {  	s3 =	sld [smem:$0x3FFE];
	_ =	sdelay $0x1  }
0x8a: {  	s1 =	srdreg.scid  }
0x8b: {  	s0 =	sand.u32 $0x1, s1  }
0x8c: {  	s17 =	sshll.u32 s0, $0xA;
	s2 =	sadd.s32 s3, s2  }
0x8d: {  	s2 =	sadd.s32 s2, s17  }
0x8e: {  	[smem:$0x3FBB] =	sst s2  }
0x8f: {  	_ = 	snop  }
0x90: {  	s2 =	sld [smem:$0x3FC9];
	(tm) =	ssettm $0x1  }
0x91: {  	s18 =	sld [smem:$0x3FFB];
	_ =	sdelay $0x3  }
0x92: {  	_ =	strace s18  }
0x93: {  	s3 =	sld [smem:$0x3FFC];
	_ =	sdelay $0x3  }
0x94: {  	_ =	strace s3  }
0x95: {  	s3 =	sld [smem:$0x3FFD];
	_ =	sdelay $0x3  }
0x96: {  	_ =	strace s3  }
0x97: {  	_ =	strace $0x8FFFFFFF  }
0x98: {  	s19 =	sld [smem:$0x3FDB];
	_ =	sdelay $0x1  }
0x99: {  	s4 =	simm.s32 $_scs_section_size  }
0x9a: {  	s5 =	simm.s32 $_size__tile_overlayer_lowered;
	s6 =	simm.s32 $_tile_overlayer_lowered  }
0x9b: {  	s22 =	simm.s32 $0x1BFF;
	s21 =	sshll.u32 s6, $0x1;
	s3 =	sadd.s32 s4, s19  }
0x9c: {  	s7 =	simm.s32 $0x0;
	s20 =	sshll.u32 s5, $0x1;
	s5 =	sadd.s32 s21, s3  }
0x9d: {  	[timem:s7], [sflag:s22] =	dma.local [hbm:s5], s20  }
0x9e: {  	_ =	swait.ge [sflag:s22], s20  }
0x9f: {  	s4 =	ssub.s32 $0x0, s20;
	[sflag:s22] =	ssyncset.done $0x0  }
0xa0: {  	[sflag:s22] =	ssyncadd.s32 s4;
	_ =	sdelay $0x1  }
0xa1: {  	s23 =	simm.s32 $0x1B8B  }
0xa2: {  	_ =	swait.ge [sflag:s23], $0x1  }
0xa3: {  	[sflag:s23] =	ssyncset.done $0x0  }
0xa4: {  	s25 =	simm.s32 $0x1B8E;
	s24 =	sld [smem:$0x3FFE];
	[sflag:s23] =	ssyncadd.s32 $0xFFFFFFFF  }
0xa5: {  	s26 =	simm.s32 $execute0_lowered;
	[smem:$0x3FD2] =	sst s25  }
0xa6: {  	s5 =	sshll.u32 s26, $0x1;
	_ =	strace $0x8000004F;
	[dreg:$0x1] =	wrdreg $0xFFFFFFFF  }
0xa7: {  	s28 =	simm.s32 $_size_execute0_lowered;
	s3 =	sadd.s32 s3, s5;
	[dreg:$0x0] =	wrdreg $0x0  }
0xa8: {  	s5 =	sshll.u32 s28, $0x1;
	[dreg:$0x2] =	wrdreg s3  }
0xa9: {  	[dreg:$0x3] =	wrdreg s5  }
0xaa: {  	[dreg:$0x4] =	wrdreg $0xC0  }
0xab: {  	_ =	task [dreg:s7], $0x5FFFF  }
0xac: {  	[dreg:$0x1] =	wrdreg $0xFFFFFFFF  }
0xad: {  	[dreg:$0x0] =	wrdreg $0x60  }
0xae: {  	[dreg:$0x2] =	wrdreg s2  }
0xaf: {  	[dreg:$0x3] =	wrdreg s24  }
0xb0: {  	[dreg:$0x4] =	wrdreg $0x9  }
0xb1: {  	_ =	task.clear_ibuf [dreg:s7], $0x5FFFF;
	_ =	strace $0x9000004F  }
0xb2: {  	s29 =	simm.s32 $0x9;
	_ =	strace $0x80000051  }
0xb3: {  	_ =	swait.ge [sflag:s29], $0x1  }
0xb4: {  	[sflag:s29] =	ssyncadd.s32 $0xFFFFFFFF  }
0xb5: {  	_ =	strace $0x90000051  }
0xb6: {  	_ =	sfence  }
0xb7: {  	s30 =	sld [smem:$0x0];
	_ =	sdelay $0x2  }
0xb8: {  	s31 =	sshll.u32 s1, $0xD;
	s1 =	sshrl.u32 s1, $0x2  }
0xb9: {  	s3 =	sand.u32 $0x4000, s31;
	s1 =	sadd.s32 s1, s30  }
0xba: {  	s0 =	sor.u32 s3, s0;
	s1 =	sshll.u32 s1, $0x11  }
0xbb: {  	s0 =	sor.u32 s1, s0  }
0xbc: {  	s0 =	sadd.s32 $0x8F2B, s0  }
0xbd: {  	[sflag:s0] =	ssyncadd.remote.s32 $0x1  }
0xbe: {  	_ =	sfence.sel $0xFFFF  }
0xbf: {  	[dreg:$0x0] =	wrdreg $0xFFFFFFFF;
	(pc) =	sbr.abs _section_cstart, $3  }
0xc0: {  	[dreg:$0x1] =	wrdreg $0xFFFFFFFF  }
0xc1: {  	_ =	task.clear_ibuf [dreg:s7], $0x2FFFF;
	_ =	strace $0x9FFFFFFF  }
0xc2: {  	(tm) =	ssettm $0x7FFFFFFF  }
0xc3: {  	_ =	shalt  }
tec
execute0_lowered:
.L_overlay_start_1:
0x0: {  	(tag) =	ssettag $0x1  }
0x1: {  	s0 =	srdreg.scid;
	s2 =	rddreg [dreg:$0x0]  }
0x2: {  	s1 =	stileid.u32;
	s6 =	rddreg [dreg:$0x1];
	s4 =	simm.s32 $0x0  }
0x3: {  	s20 =	simm.s32 $0x5;
	s21 =	simm.s32 $0x180;
	s17 =	simm.s32 $0x6180  }
0x4: {  	s16 =	simm.s32 $0x6980;
	s15 =	simm.s32 $0x7180;
	s14 =	simm.s32 $0x7980  }
0x5: {  	s13 =	simm.s32 $0x8180;
	s19 =	simm.s32 $0x9980;
	s22 =	simm.s32 $0xA180  }
0x6: {  	s28 =	simm.s32 $0xC180;
	s0 =	sand.u32 $0x1, s0;
	s1 =	sshll.u32 s1, $0x1  }
0x7: {  	s29 =	simm.s32 $0x2;
	s30 =	simm.s32 $0x3;
	s1 =	sor.u32 s0, s1  }
0x8: {  	s31 =	simm.s32 $0x4;
	[smem:$0x7FF] =	sst s4;
	s3 =	smul.u32 $0x180, s1  }
0x9: {  	s11 =	sadd.s32 $0x1400, s6;
	s0 =	ssub.s32 $0x2, s0;
	s10 =	smul.u32 $0xC000, s1  }
0xa: {  	s9 =	sadd.s32 $0x300, s2;
	s8 =	sshrl.u32 s0, $0x1;
	s1 =	smul.u32 $0x60000, s1  }
0xb: {  	_ =	strace $0x80000050;
	s0 =	ssub.s32 s0, s8;
	s8 =	sadd.s32 $0x200, s2  }
0xc: {  	s5 =	sshrl.u32 s3, $0x3;
	s10 =	sadd.s32 s11, s10;
	s1 =	sshrl.u32 s1, $0x3  }
0xd: {  	s18 =	smax.u32 s0, $0x1;
	s7 =	sadd.s32 s5, s6;
	s12 =	sadd.s32 $0x1800, s10  }
0xe: {  	s23 =	sadd.s32 $0x3000, s10;
	s1 =	sadd.s32 s11, s1;
	[dreg:$0x3] =	wrdreg s12  }
0xf: {  	s5 =	sadd.s32 $0x800, s6;
	[dreg:$0x4] =	wrdreg s23;
	s11 =	sadd.s32 $0x4800, s1  }
0x10: {  	s6 =	sadd.s32 $0x200, s7;
	s24 =	sadd.s32 $0x6000, s1;
	[dreg:$0x5] =	wrdreg s11  }
.Ltmp0:
0x11: {  	s25 =	sadd.s32 $0x7800, s1;
	[dreg:$0x6] =	wrdreg s24;
	(pc) =	sbr.rel .LBB2_1-.Ltmp0, $4  }
0x12: {  	s7 =	sadd.s32 $0x100, s2;
	s26 =	sadd.s32 $0x9000, s1;
	[dreg:$0x7] =	wrdreg s25  }
0x13: {  	v2 =	vlaneseq.u32;
	s1 =	sadd.s32 $0xA800, s1;
	s12 =	simm.s32 $0x8980;
	[dreg:$0x8] =	wrdreg s26  }
0x14: {  	vm0 =	vmmov $0xffff;
	v1 =	vshrl.u32 v2, $0x3;
	s23 =	simm.s32 $0xA980;
	[dreg:$0x9] =	wrdreg s1;
	s11 =	simm.s32 $0x9180  }
0x15: {  	v0 =	vand.u32 $0x7, v2;
	v2 =	vor.u32 $0x8, v2;
	v1 =	vmul.u32 $0x8, v1;
	s24 =	simm.s32 $0xB180;
	s25 =	simm.s32 $0xB980;
	s26 =	simm.s32 $0x1  }
.LBB2_26:
0x16: {  	v3 =	vld [tilespmem:$0x150];
	_ =	sdelay $0x4  }
0x17: {  	v4 =	vshll.u32 v3, $0x3  }
0x18: {  	v3 =	vand.u32 $0x7, v3;
	v4 =	vand.u32 $0xFFFFFFC0, v4  }
0x19: {  	v3 =	vor.u32 v3, v4  }
0x1a: {  	v4 =	vperm.xlane v3, v0;
	_ =	sdelay $0x1  }
0x1b: {  	v4 =	vadd.s32 v1, v4;
	_ =	sdelay $0x4  }
0x1c: {  	[tilespmem:s28], [sflag:$0x2] =	stream.indirect_vreg.gather [hbm4b:s2+s4], $0x80, v4, vm0, $0xb8;
	[tilespmem:$0x18200] =	vst v63  }
0x1d: {  	s0 =	simm.s32 $0xC980;
	v3 =	vperm.xlane v3, v2  }
0x1e: {  	[tilespmem:s0], [sflag:$0x2] =	stream.indirect_vreg.gather [hbm4b:s7+s4], $0x80, v4, vm0, $0xb8;
	[tilespmem:$0x18200] =	vst v63  }
0x1f: {  	s1 =	simm.s32 $0xD180;
	v3 =	vadd.s32 v1, v3  }
0x20: {  	[tilespmem:s1], [sflag:$0x2] =	stream.indirect_vreg.gather [hbm4b:s8+s4], $0x80, v4, vm0, $0xb8;
	[tilespmem:$0x18200] =	vst v63  }
0x21: {  	s1 =	simm.s32 $0xD980  }
0x22: {  	[tilespmem:s1], [sflag:$0x2] =	stream.indirect_vreg.gather [hbm4b:s9+s4], $0x80, v4, vm0, $0xb8;
	[tilespmem:$0x18200] =	vst v63  }
0x23: {  	s1 =	simm.s32 $0xE180  }
0x24: {  	[tilespmem:s1], [sflag:$0x2] =	stream.indirect_vreg.gather [hbm4b:s2+s4], $0x80, v3, vm0, $0xb8;
	[tilespmem:$0x18200] =	vst v63  }
0x25: {  	s1 =	simm.s32 $0xE980  }
0x26: {  	[tilespmem:s1], [sflag:$0x2] =	stream.indirect_vreg.gather [hbm4b:s7+s4], $0x80, v3, vm0, $0xb8;
	[tilespmem:$0x18200] =	vst v63  }
0x27: {  	s1 =	simm.s32 $0xF180  }
0x28: {  	[tilespmem:s1], [sflag:$0x2] =	stream.indirect_vreg.gather [hbm4b:s8+s4], $0x80, v3, vm0, $0xb8;
	[tilespmem:$0x18200] =	vst v63  }
0x29: {  	s1 =	simm.s32 $0xF980  }
0x2a: {  	[tilespmem:s1], [sflag:$0x2] =	stream.indirect_vreg.gather [hbm4b:s9+s4], $0x80, v3, vm0, $0xb8;
	[tilespmem:$0x18200] =	vst v63  }
0x2b: {  	v3 =	vld [tilespmem:$0x160];
	_ =	sdelay $0x4  }
0x2c: {  	v62 =	vshll.u32 v3, $0x3  }
0x2d: {  	v3 =	vand.u32 $0x7, v3;
	v4 =	vand.u32 $0xFFFFFFC0, v62  }
0x2e: {  	v3 =	vor.u32 v3, v4  }
0x2f: {  	v4 =	vperm.xlane v3, v0;
	_ =	sdelay $0x1  }
0x30: {  	v4 =	vadd.s32 v1, v4;
	_ =	sdelay $0x3  }
0x31: {  	s1 =	simm.s32 $0x10180  }
0x32: {  	[tilespmem:s1], [sflag:$0x2] =	stream.indirect_vreg.gather [hbm4b:s2+s4], $0x80, v4, vm0, $0xb8;
	[tilespmem:$0x18200] =	vst v63  }
0x33: {  	v3 =	vperm.xlane v3, v2;
	s1 =	simm.s32 $0x10980  }
0x34: {  	[tilespmem:s1], [sflag:$0x2] =	stream.indirect_vreg.gather [hbm4b:s7+s4], $0x80, v4, vm0, $0xb8;
	[tilespmem:$0x18200] =	vst v63  }
0x35: {  	v3 =	vadd.s32 v1, v3;
	s1 =	simm.s32 $0x11180  }
0x36: {  	[tilespmem:s1], [sflag:$0x2] =	stream.indirect_vreg.gather [hbm4b:s8+s4], $0x80, v4, vm0, $0xb8;
	[tilespmem:$0x18200] =	vst v63  }
0x37: {  	s1 =	simm.s32 $0x11980  }
0x38: {  	[tilespmem:s1], [sflag:$0x2] =	stream.indirect_vreg.gather [hbm4b:s9+s4], $0x80, v4, vm0, $0xb8;
	[tilespmem:$0x18200] =	vst v63  }
0x39: {  	s1 =	simm.s32 $0x12180  }
0x3a: {  	[tilespmem:s1], [sflag:$0x2] =	stream.indirect_vreg.gather [hbm4b:s2+s4], $0x80, v3, vm0, $0xb8;
	[tilespmem:$0x18200] =	vst v63  }
0x3b: {  	s1 =	simm.s32 $0x12980  }
0x3c: {  	[tilespmem:s1], [sflag:$0x2] =	stream.indirect_vreg.gather [hbm4b:s7+s4], $0x80, v3, vm0, $0xb8;
	[tilespmem:$0x18200] =	vst v63  }
0x3d: {  	s1 =	simm.s32 $0x13180  }
0x3e: {  	[tilespmem:s1], [sflag:$0x2] =	stream.indirect_vreg.gather [hbm4b:s8+s4], $0x80, v3, vm0, $0xb8;
	[tilespmem:$0x18200] =	vst v63  }
0x3f: {  	s1 =	simm.s32 $0x13980  }
0x40: {  	[tilespmem:s1], [sflag:$0x2] =	stream.indirect_vreg.gather [hbm4b:s9+s4], $0x80, v3, vm0, $0xb8;
	[tilespmem:$0x18200] =	vst v63  }
0x41: {  	v3 =	vld [tilespmem:$0x170];
	_ =	sdelay $0x4  }
0x42: {  	v63 =	vshll.u32 v3, $0x3  }
0x43: {  	v3 =	vand.u32 $0x7, v3;
	v4 =	vand.u32 $0xFFFFFFC0, v63  }
0x44: {  	v3 =	vor.u32 v3, v4  }
0x45: {  	v4 =	vperm.xlane v3, v0;
	_ =	sdelay $0x1  }
0x46: {  	v4 =	vadd.s32 v1, v4;
	_ =	sdelay $0x3  }
0x47: {  	s1 =	simm.s32 $0x14180  }
0x48: {  	[tilespmem:s1], [sflag:$0x2] =	stream.indirect_vreg.gather [hbm4b:s2+s4], $0x80, v4, vm0, $0xb8;
	[tilespmem:$0x18200] =	vst v63  }
0x49: {  	v3 =	vperm.xlane v3, v2;
	s1 =	simm.s32 $0x14980  }
0x4a: {  	[tilespmem:s1], [sflag:$0x2] =	stream.indirect_vreg.gather [hbm4b:s7+s4], $0x80, v4, vm0, $0xb8;
	[tilespmem:$0x18200] =	vst v63  }
0x4b: {  	v3 =	vadd.s32 v1, v3;
	s1 =	simm.s32 $0x15180  }
0x4c: {  	[tilespmem:s1], [sflag:$0x2] =	stream.indirect_vreg.gather [hbm4b:s8+s4], $0x80, v4, vm0, $0xb8;
	[tilespmem:$0x18200] =	vst v63  }
0x4d: {  	s1 =	simm.s32 $0x15980  }
0x4e: {  	[tilespmem:s1], [sflag:$0x2] =	stream.indirect_vreg.gather [hbm4b:s9+s4], $0x80, v4, vm0, $0xb8;
	[tilespmem:$0x18200] =	vst v63  }
0x4f: {  	s1 =	simm.s32 $0x16180  }
0x50: {  	[tilespmem:s1], [sflag:$0x2] =	stream.indirect_vreg.gather [hbm4b:s2+s4], $0x80, v3, vm0, $0xb8;
	[tilespmem:$0x18200] =	vst v63  }
0x51: {  	s1 =	simm.s32 $0x16980  }
0x52: {  	[tilespmem:s1], [sflag:$0x2] =	stream.indirect_vreg.gather [hbm4b:s7+s4], $0x80, v3, vm0, $0xb8;
	[tilespmem:$0x18200] =	vst v63  }
0x53: {  	s1 =	simm.s32 $0x17180  }
0x54: {  	[tilespmem:s1], [sflag:$0x2] =	stream.indirect_vreg.gather [hbm4b:s8+s4], $0x80, v3, vm0, $0xb8;
	[tilespmem:$0x18200] =	vst v63  }
0x55: {  	s1 =	simm.s32 $0x17980  }
0x56: {  	[tilespmem:s1], [sflag:$0x2] =	stream.indirect_vreg.gather [hbm4b:s9+s4], $0x80, v3, vm0, $0xb8;
	[tilespmem:$0x18200] =	vst v63  }
0x57: {  	s1 =	rddreg [dreg:$0x8]  }
0x58: {  	[hbm4b:s1+s4] =	stream.linear.scatter [tilespmem:s21], [sflag:$0x3], $0xC000, $0x38;
	[tilespmem:$0x18200] =	vst v63  }
0x59: {  	_ =	swait.ge [sflag:s29], $0xC000  }
0x5a: {  	[sflag:s29] =	ssyncset.done $0x0  }
0x5b: {  	[sflag:s29] =	ssyncadd.s32 $0xFFFF4000  }
0x5c: {  	_ =	swait.ge [sflag:s30], $0xC000  }
0x5d: {  	[sflag:s30] =	ssyncset.done $0x0  }
0x5e: {  	s1 =	rddreg [dreg:$0x9];
	[sflag:s30] =	ssyncadd.s32 $0xFFFF4000  }
0x5f: {  	[hbm4b:s1+s4] =	stream.linear.scatter [tilespmem:s28], [sflag:$0x4], $0xC000, $0x38;
	[tilespmem:$0x18200] =	vst v63  }
0x60: {  	s1 =	simm.s32 $0x4  }
.LBB2_29:
0x61: {  	_ =	swait.ge [sflag:s1], $0xC000  }
0x62: {  	[sflag:s1] =	ssyncset.done $0x0  }
0x63: {  	[sflag:s1] =	ssyncadd.s32 $0xFFFF4000  }
.LBB2_30:
0x64: {  	s18 =	sadd.s32 $0xFFFFFFFF, s18  }
0x65: {  	p0 =	sne.s32 s18, $0x0  }
.Ltmp1:
0x66: {  	_ = 	snop;
	(pc) =	sbr.rel @!p0 .LBB2_31-.Ltmp1, $1  }
0x67: {  	_ =	sdelay $0x3  }
.LBB2_1:
0x68: {  	s0 =	simm.s32 $0x18180  }
0x69: {  	[tilespmem:s0], [sflag:$0x5] =	stream.linear.gather [hbm4b:s5+s4], $0x80, $0x38;
	[tilespmem:$0x18200] =	vst v63  }
0x6a: {  	_ =	swait.ge [sflag:s20], $0x80  }
0x6b: {  	[sflag:s20] =	ssyncset.done $0x0  }
0x6c: {  	[sflag:s20] =	ssyncadd.s32 $0xFFFFFF80  }
0x6d: {  	v3 =	vld [tilespmem:$0x18180];
	_ =	sdelay $0x4  }
0x6e: {  	(v2sf) =	vpush v3, $0x0;
	_ =	sdelay $0xe  }
0x6f: {  	s1 =	spop (v2sf)  }
0x70: {  	s1 =	ssub.s32 s1, s3  }
0x71: {  	p0 =	slt.s32 s1, $0x1  }
.Ltmp2:
0x72: {  	_ = 	snop;
	(pc) =	sbr.rel @p0 .LBB2_30-.Ltmp2, $4  }
0x73: {  	[tilespmem:s4], [sflag:$0x5] =	stream.linear.gather [hbm4b:s6+s4], $0x180, $0x38;
	[tilespmem:$0x18200] =	vst v63  }
0x74: {  	_ =	swait.ge [sflag:s20], $0x180  }
0x75: {  	[sflag:s20] =	ssyncset.done $0x0  }
0x76: {  	[sflag:s20] =	ssyncadd.s32 $0xFFFFFE80  }
0x77: {  	v3 =	vld [tilespmem:$0x0];
	_ =	sdelay $0x4  }
0x78: {  	v4 =	vshll.u32 v3, $0x3  }
0x79: {  	v3 =	vand.u32 $0x7, v3;
	v4 =	vand.u32 $0xFFFFFFC0, v4  }
0x7a: {  	v3 =	vor.u32 v3, v4  }
0x7b: {  	v4 =	vperm.xlane v3, v0;
	_ =	sdelay $0x1  }
0x7c: {  	v4 =	vadd.s32 v1, v4;
	_ =	sdelay $0x4  }
0x7d: {  	[tilespmem:s21], [sflag:$0x1] =	stream.indirect_vreg.gather [hbm4b:s2+s4], $0x80, v4, vm0, $0xb8;
	[tilespmem:$0x18200] =	vst v63  }
0x7e: {  	s0 =	simm.s32 $0x980;
	v3 =	vperm.xlane v3, v2  }
0x7f: {  	[tilespmem:s0], [sflag:$0x1] =	stream.indirect_vreg.gather [hbm4b:s7+s4], $0x80, v4, vm0, $0xb8;
	[tilespmem:$0x18200] =	vst v63  }
0x80: {  	v3 =	vadd.s32 v1, v3;
	s0 =	simm.s32 $0x1180  }
0x81: {  	[tilespmem:s0], [sflag:$0x1] =	stream.indirect_vreg.gather [hbm4b:s8+s4], $0x80, v4, vm0, $0xb8;
	[tilespmem:$0x18200] =	vst v63  }
0x82: {  	s0 =	simm.s32 $0x1980  }
0x83: {  	[tilespmem:s0], [sflag:$0x1] =	stream.indirect_vreg.gather [hbm4b:s9+s4], $0x80, v4, vm0, $0xb8;
	[tilespmem:$0x18200] =	vst v63  }
0x84: {  	s0 =	simm.s32 $0x2180  }
0x85: {  	[tilespmem:s0], [sflag:$0x1] =	stream.indirect_vreg.gather [hbm4b:s2+s4], $0x80, v3, vm0, $0xb8;
	[tilespmem:$0x18200] =	vst v63  }
0x86: {  	s0 =	simm.s32 $0x2980  }
0x87: {  	[tilespmem:s0], [sflag:$0x1] =	stream.indirect_vreg.gather [hbm4b:s7+s4], $0x80, v3, vm0, $0xb8;
	[tilespmem:$0x18200] =	vst v63  }
0x88: {  	s0 =	simm.s32 $0x3180  }
0x89: {  	[tilespmem:s0], [sflag:$0x1] =	stream.indirect_vreg.gather [hbm4b:s8+s4], $0x80, v3, vm0, $0xb8;
	[tilespmem:$0x18200] =	vst v63  }
0x8a: {  	s0 =	simm.s32 $0x3980  }
0x8b: {  	[tilespmem:s0], [sflag:$0x1] =	stream.indirect_vreg.gather [hbm4b:s9+s4], $0x80, v3, vm0, $0xb8;
	[tilespmem:$0x18200] =	vst v63  }
0x8c: {  	v3 =	vld [tilespmem:$0x10];
	_ =	sdelay $0x4  }
0x8d: {  	v62 =	vshll.u32 v3, $0x3  }
0x8e: {  	v3 =	vand.u32 $0x7, v3;
	v4 =	vand.u32 $0xFFFFFFC0, v62  }
0x8f: {  	v3 =	vor.u32 v3, v4  }
0x90: {  	v4 =	vperm.xlane v3, v0;
	_ =	sdelay $0x1  }
0x91: {  	v4 =	vadd.s32 v1, v4;
	_ =	sdelay $0x3  }
0x92: {  	s0 =	simm.s32 $0x4180  }
0x93: {  	[tilespmem:s0], [sflag:$0x1] =	stream.indirect_vreg.gather [hbm4b:s2+s4], $0x80, v4, vm0, $0xb8;
	[tilespmem:$0x18200] =	vst v63  }
0x94: {  	v3 =	vperm.xlane v3, v2;
	s0 =	simm.s32 $0x4980  }
0x95: {  	[tilespmem:s0], [sflag:$0x1] =	stream.indirect_vreg.gather [hbm4b:s7+s4], $0x80, v4, vm0, $0xb8;
	[tilespmem:$0x18200] =	vst v63  }
0x96: {  	v3 =	vadd.s32 v1, v3;
	s0 =	simm.s32 $0x5180  }
0x97: {  	[tilespmem:s0], [sflag:$0x1] =	stream.indirect_vreg.gather [hbm4b:s8+s4], $0x80, v4, vm0, $0xb8;
	[tilespmem:$0x18200] =	vst v63  }
0x98: {  	s0 =	simm.s32 $0x5980  }
0x99: {  	[tilespmem:s0], [sflag:$0x1] =	stream.indirect_vreg.gather [hbm4b:s9+s4], $0x80, v4, vm0, $0xb8;
	[tilespmem:$0x18200] =	vst v63  }
0x9a: {  	_ = 	snop  }
0x9b: {  	[tilespmem:s17], [sflag:$0x1] =	stream.indirect_vreg.gather [hbm4b:s2+s4], $0x80, v3, vm0, $0xb8;
	[tilespmem:$0x18200] =	vst v63  }
0x9c: {  	_ = 	snop  }
0x9d: {  	[tilespmem:s16], [sflag:$0x1] =	stream.indirect_vreg.gather [hbm4b:s7+s4], $0x80, v3, vm0, $0xb8;
	[tilespmem:$0x18200] =	vst v63  }
0x9e: {  	_ = 	snop  }
0x9f: {  	[tilespmem:s15], [sflag:$0x1] =	stream.indirect_vreg.gather [hbm4b:s8+s4], $0x80, v3, vm0, $0xb8;
	[tilespmem:$0x18200] =	vst v63  }
0xa0: {  	_ = 	snop  }
0xa1: {  	[tilespmem:s14], [sflag:$0x1] =	stream.indirect_vreg.gather [hbm4b:s9+s4], $0x80, v3, vm0, $0xb8;
	[tilespmem:$0x18200] =	vst v63  }
0xa2: {  	v3 =	vld [tilespmem:$0x20];
	_ =	sdelay $0x4  }
0xa3: {  	v63 =	vshll.u32 v3, $0x3  }
0xa4: {  	v3 =	vand.u32 $0x7, v3;
	v4 =	vand.u32 $0xFFFFFFC0, v63  }
0xa5: {  	v3 =	vor.u32 v3, v4  }
0xa6: {  	v4 =	vperm.xlane v3, v0;
	_ =	sdelay $0x1  }
0xa7: {  	v4 =	vadd.s32 v1, v4;
	_ =	sdelay $0x4  }
0xa8: {  	[tilespmem:s13], [sflag:$0x1] =	stream.indirect_vreg.gather [hbm4b:s2+s4], $0x80, v4, vm0, $0xb8;
	[tilespmem:$0x18200] =	vst v63  }
0xa9: {  	v3 =	vperm.xlane v3, v2  }
0xaa: {  	[tilespmem:s12], [sflag:$0x1] =	stream.indirect_vreg.gather [hbm4b:s7+s4], $0x80, v4, vm0, $0xb8;
	[tilespmem:$0x18200] =	vst v63  }
0xab: {  	v3 =	vadd.s32 v1, v3  }
0xac: {  	[tilespmem:s11], [sflag:$0x1] =	stream.indirect_vreg.gather [hbm4b:s8+s4], $0x80, v4, vm0, $0xb8;
	[tilespmem:$0x18200] =	vst v63  }
0xad: {  	_ = 	snop  }
0xae: {  	[tilespmem:s19], [sflag:$0x1] =	stream.indirect_vreg.gather [hbm4b:s9+s4], $0x80, v4, vm0, $0xb8;
	[tilespmem:$0x18200] =	vst v63  }
0xaf: {  	_ = 	snop  }
0xb0: {  	[tilespmem:s22], [sflag:$0x1] =	stream.indirect_vreg.gather [hbm4b:s2+s4], $0x80, v3, vm0, $0xb8;
	[tilespmem:$0x18200] =	vst v63  }
0xb1: {  	_ = 	snop  }
0xb2: {  	[tilespmem:s23], [sflag:$0x1] =	stream.indirect_vreg.gather [hbm4b:s7+s4], $0x80, v3, vm0, $0xb8;
	[tilespmem:$0x18200] =	vst v63  }
0xb3: {  	p1 =	slt.u32 s1, $0x31  }
0xb4: {  	[tilespmem:s24], [sflag:$0x1] =	stream.indirect_vreg.gather [hbm4b:s8+s4], $0x80, v3, vm0, $0xb8;
	[tilespmem:$0x18200] =	vst v63  }
.Ltmp3:
0xb5: {  	_ = 	snop;
	(pc) =	sbr.rel @p1 .LBB2_4-.Ltmp3, $4  }
0xb6: {  	[tilespmem:s25], [sflag:$0x1] =	stream.indirect_vreg.gather [hbm4b:s9+s4], $0x80, v3, vm0, $0xb8;
	[tilespmem:$0x18200] =	vst v63  }
0xb7: {  	_ =	swait.ge [sflag:s26], $0xC000  }
0xb8: {  	[sflag:s26] =	ssyncset.done $0x0  }
0xb9: {  	[sflag:s26] =	ssyncadd.s32 $0xFFFF4000  }
0xba: {  	v3 =	vld [tilespmem:$0x30];
	_ =	sdelay $0x4  }
0xbb: {  	v4 =	vshll.u32 v3, $0x3  }
0xbc: {  	v3 =	vand.u32 $0x7, v3;
	v4 =	vand.u32 $0xFFFFFFC0, v4  }
0xbd: {  	v3 =	vor.u32 v3, v4  }
0xbe: {  	v4 =	vperm.xlane v3, v0;
	_ =	sdelay $0x1  }
0xbf: {  	v4 =	vadd.s32 v1, v4;
	_ =	sdelay $0x4  }
0xc0: {  	[tilespmem:s28], [sflag:$0x2] =	stream.indirect_vreg.gather [hbm4b:s2+s4], $0x80, v4, vm0, $0xb8;
	[tilespmem:$0x18200] =	vst v63  }
0xc1: {  	s0 =	simm.s32 $0xC980;
	v3 =	vperm.xlane v3, v2  }
0xc2: {  	[tilespmem:s0], [sflag:$0x2] =	stream.indirect_vreg.gather [hbm4b:s7+s4], $0x80, v4, vm0, $0xb8;
	[tilespmem:$0x18200] =	vst v63  }
0xc3: {  	v3 =	vadd.s32 v1, v3;
	s0 =	simm.s32 $0xD180  }
0xc4: {  	[tilespmem:s0], [sflag:$0x2] =	stream.indirect_vreg.gather [hbm4b:s8+s4], $0x80, v4, vm0, $0xb8;
	[tilespmem:$0x18200] =	vst v63  }
0xc5: {  	s0 =	simm.s32 $0xD980  }
0xc6: {  	[tilespmem:s0], [sflag:$0x2] =	stream.indirect_vreg.gather [hbm4b:s9+s4], $0x80, v4, vm0, $0xb8;
	[tilespmem:$0x18200] =	vst v63  }
0xc7: {  	s0 =	simm.s32 $0xE180  }
0xc8: {  	[tilespmem:s0], [sflag:$0x2] =	stream.indirect_vreg.gather [hbm4b:s2+s4], $0x80, v3, vm0, $0xb8;
	[tilespmem:$0x18200] =	vst v63  }
0xc9: {  	s0 =	simm.s32 $0xE980  }
0xca: {  	[tilespmem:s0], [sflag:$0x2] =	stream.indirect_vreg.gather [hbm4b:s7+s4], $0x80, v3, vm0, $0xb8;
	[tilespmem:$0x18200] =	vst v63  }
0xcb: {  	s0 =	simm.s32 $0xF180  }
0xcc: {  	[tilespmem:s0], [sflag:$0x2] =	stream.indirect_vreg.gather [hbm4b:s8+s4], $0x80, v3, vm0, $0xb8;
	[tilespmem:$0x18200] =	vst v63  }
0xcd: {  	s0 =	simm.s32 $0xF980  }
0xce: {  	[tilespmem:s0], [sflag:$0x2] =	stream.indirect_vreg.gather [hbm4b:s9+s4], $0x80, v3, vm0, $0xb8;
	[tilespmem:$0x18200] =	vst v63  }
0xcf: {  	v3 =	vld [tilespmem:$0x40];
	_ =	sdelay $0x4  }
0xd0: {  	v62 =	vshll.u32 v3, $0x3  }
0xd1: {  	v3 =	vand.u32 $0x7, v3;
	v4 =	vand.u32 $0xFFFFFFC0, v62  }
0xd2: {  	v3 =	vor.u32 v3, v4  }
0xd3: {  	v4 =	vperm.xlane v3, v0;
	_ =	sdelay $0x1  }
0xd4: {  	v4 =	vadd.s32 v1, v4;
	_ =	sdelay $0x3  }
0xd5: {  	s0 =	simm.s32 $0x10180  }
0xd6: {  	[tilespmem:s0], [sflag:$0x2] =	stream.indirect_vreg.gather [hbm4b:s2+s4], $0x80, v4, vm0, $0xb8;
	[tilespmem:$0x18200] =	vst v63  }
0xd7: {  	v3 =	vperm.xlane v3, v2;
	s0 =	simm.s32 $0x10980  }
0xd8: {  	[tilespmem:s0], [sflag:$0x2] =	stream.indirect_vreg.gather [hbm4b:s7+s4], $0x80, v4, vm0, $0xb8;
	[tilespmem:$0x18200] =	vst v63  }
0xd9: {  	v3 =	vadd.s32 v1, v3;
	s0 =	simm.s32 $0x11180  }
0xda: {  	[tilespmem:s0], [sflag:$0x2] =	stream.indirect_vreg.gather [hbm4b:s8+s4], $0x80, v4, vm0, $0xb8;
	[tilespmem:$0x18200] =	vst v63  }
0xdb: {  	s0 =	simm.s32 $0x11980  }
0xdc: {  	[tilespmem:s0], [sflag:$0x2] =	stream.indirect_vreg.gather [hbm4b:s9+s4], $0x80, v4, vm0, $0xb8;
	[tilespmem:$0x18200] =	vst v63  }
0xdd: {  	s0 =	simm.s32 $0x12180  }
0xde: {  	[tilespmem:s0], [sflag:$0x2] =	stream.indirect_vreg.gather [hbm4b:s2+s4], $0x80, v3, vm0, $0xb8;
	[tilespmem:$0x18200] =	vst v63  }
0xdf: {  	s0 =	simm.s32 $0x12980  }
0xe0: {  	[tilespmem:s0], [sflag:$0x2] =	stream.indirect_vreg.gather [hbm4b:s7+s4], $0x80, v3, vm0, $0xb8;
	[tilespmem:$0x18200] =	vst v63  }
0xe1: {  	s0 =	simm.s32 $0x13180  }
0xe2: {  	[tilespmem:s0], [sflag:$0x2] =	stream.indirect_vreg.gather [hbm4b:s8+s4], $0x80, v3, vm0, $0xb8;
	[tilespmem:$0x18200] =	vst v63  }
0xe3: {  	s0 =	simm.s32 $0x13980  }
0xe4: {  	[tilespmem:s0], [sflag:$0x2] =	stream.indirect_vreg.gather [hbm4b:s9+s4], $0x80, v3, vm0, $0xb8;
	[tilespmem:$0x18200] =	vst v63  }
0xe5: {  	v3 =	vld [tilespmem:$0x50];
	_ =	sdelay $0x4  }
0xe6: {  	v63 =	vshll.u32 v3, $0x3  }
0xe7: {  	v3 =	vand.u32 $0x7, v3;
	v4 =	vand.u32 $0xFFFFFFC0, v63  }
0xe8: {  	v3 =	vor.u32 v3, v4  }
0xe9: {  	v4 =	vperm.xlane v3, v0;
	_ =	sdelay $0x1  }
0xea: {  	v4 =	vadd.s32 v1, v4;
	_ =	sdelay $0x3  }
0xeb: {  	s0 =	simm.s32 $0x14180  }
0xec: {  	[tilespmem:s0], [sflag:$0x2] =	stream.indirect_vreg.gather [hbm4b:s2+s4], $0x80, v4, vm0, $0xb8;
	[tilespmem:$0x18200] =	vst v63  }
0xed: {  	v3 =	vperm.xlane v3, v2;
	s0 =	simm.s32 $0x14980  }
0xee: {  	[tilespmem:s0], [sflag:$0x2] =	stream.indirect_vreg.gather [hbm4b:s7+s4], $0x80, v4, vm0, $0xb8;
	[tilespmem:$0x18200] =	vst v63  }
0xef: {  	v3 =	vadd.s32 v1, v3;
	s0 =	simm.s32 $0x15180  }
0xf0: {  	[tilespmem:s0], [sflag:$0x2] =	stream.indirect_vreg.gather [hbm4b:s8+s4], $0x80, v4, vm0, $0xb8;
	[tilespmem:$0x18200] =	vst v63  }
0xf1: {  	s0 =	simm.s32 $0x15980  }
0xf2: {  	[tilespmem:s0], [sflag:$0x2] =	stream.indirect_vreg.gather [hbm4b:s9+s4], $0x80, v4, vm0, $0xb8;
	[tilespmem:$0x18200] =	vst v63  }
0xf3: {  	s0 =	simm.s32 $0x16180  }
0xf4: {  	[tilespmem:s0], [sflag:$0x2] =	stream.indirect_vreg.gather [hbm4b:s2+s4], $0x80, v3, vm0, $0xb8;
	[tilespmem:$0x18200] =	vst v63  }
0xf5: {  	s0 =	simm.s32 $0x16980  }
0xf6: {  	[tilespmem:s0], [sflag:$0x2] =	stream.indirect_vreg.gather [hbm4b:s7+s4], $0x80, v3, vm0, $0xb8;
	[tilespmem:$0x18200] =	vst v63  }
0xf7: {  	s0 =	simm.s32 $0x17180  }
0xf8: {  	[tilespmem:s0], [sflag:$0x2] =	stream.indirect_vreg.gather [hbm4b:s8+s4], $0x80, v3, vm0, $0xb8;
	[tilespmem:$0x18200] =	vst v63  }
0xf9: {  	s0 =	simm.s32 $0x17980  }
0xfa: {  	[tilespmem:s0], [sflag:$0x2] =	stream.indirect_vreg.gather [hbm4b:s9+s4], $0x80, v3, vm0, $0xb8;
	[tilespmem:$0x18200] =	vst v63  }
.Ltmp4:
0xfb: {  	_ = 	snop;
	(pc) =	sbr.rel .LBB2_5-.Ltmp4, $4  }
0xfc: {  	[hbm4b:s10+s4] =	stream.linear.scatter [tilespmem:s21], [sflag:$0x3], $0xC000, $0x38;
	[tilespmem:$0x18200] =	vst v63  }
0xfd: {  	_ =	swait.ge [sflag:s29], $0xC000  }
0xfe: {  	[sflag:s29] =	ssyncset.done $0x0  }
0xff: {  	[sflag:s29] =	ssyncadd.s32 $0xFFFF4000  }
.LBB2_4:
0x100: {  	[hbm4b:s10+s4] =	stream.linear.scatter [tilespmem:s21], [sflag:$0x3], $0xC000, $0x38;
	[tilespmem:$0x18200] =	vst v63  }
.LBB2_5:
0x101: {  	p0 =	slt.u32 s1, $0x61  }
.Ltmp5:
0x102: {  	_ = 	snop;
	(pc) =	sbr.rel @p0 .LBB2_7-.Ltmp5, $4  }
0x103: {  	_ = 	snop  }
0x104: {  	_ =	swait.ge [sflag:s30], $0xC000  }
0x105: {  	[sflag:s30] =	ssyncset.done $0x0  }
0x106: {  	[sflag:s30] =	ssyncadd.s32 $0xFFFF4000  }
0x107: {  	v3 =	vld [tilespmem:$0x60];
	_ =	sdelay $0x4  }
0x108: {  	v4 =	vshll.u32 v3, $0x3  }
0x109: {  	v3 =	vand.u32 $0x7, v3;
	v4 =	vand.u32 $0xFFFFFFC0, v4  }
0x10a: {  	v3 =	vor.u32 v3, v4  }
0x10b: {  	v4 =	vperm.xlane v3, v0;
	_ =	sdelay $0x1  }
0x10c: {  	v4 =	vadd.s32 v1, v4;
	_ =	sdelay $0x4  }
0x10d: {  	[tilespmem:s21], [sflag:$0x1] =	stream.indirect_vreg.gather [hbm4b:s2+s4], $0x80, v4, vm0, $0xb8;
	[tilespmem:$0x18200] =	vst v63  }
0x10e: {  	s0 =	simm.s32 $0x980;
	v3 =	vperm.xlane v3, v2  }
0x10f: {  	[tilespmem:s0], [sflag:$0x1] =	stream.indirect_vreg.gather [hbm4b:s7+s4], $0x80, v4, vm0, $0xb8;
	[tilespmem:$0x18200] =	vst v63  }
0x110: {  	v3 =	vadd.s32 v1, v3;
	s0 =	simm.s32 $0x1180  }
0x111: {  	[tilespmem:s0], [sflag:$0x1] =	stream.indirect_vreg.gather [hbm4b:s8+s4], $0x80, v4, vm0, $0xb8;
	[tilespmem:$0x18200] =	vst v63  }
0x112: {  	s0 =	simm.s32 $0x1980  }
0x113: {  	[tilespmem:s0], [sflag:$0x1] =	stream.indirect_vreg.gather [hbm4b:s9+s4], $0x80, v4, vm0, $0xb8;
	[tilespmem:$0x18200] =	vst v63  }
0x114: {  	s0 =	simm.s32 $0x2180  }
0x115: {  	[tilespmem:s0], [sflag:$0x1] =	stream.indirect_vreg.gather [hbm4b:s2+s4], $0x80, v3, vm0, $0xb8;
	[tilespmem:$0x18200] =	vst v63  }
0x116: {  	s0 =	simm.s32 $0x2980  }
0x117: {  	[tilespmem:s0], [sflag:$0x1] =	stream.indirect_vreg.gather [hbm4b:s7+s4], $0x80, v3, vm0, $0xb8;
	[tilespmem:$0x18200] =	vst v63  }
0x118: {  	s0 =	simm.s32 $0x3180  }
0x119: {  	[tilespmem:s0], [sflag:$0x1] =	stream.indirect_vreg.gather [hbm4b:s8+s4], $0x80, v3, vm0, $0xb8;
	[tilespmem:$0x18200] =	vst v63  }
0x11a: {  	s0 =	simm.s32 $0x3980  }
0x11b: {  	[tilespmem:s0], [sflag:$0x1] =	stream.indirect_vreg.gather [hbm4b:s9+s4], $0x80, v3, vm0, $0xb8;
	[tilespmem:$0x18200] =	vst v63  }
0x11c: {  	v3 =	vld [tilespmem:$0x70];
	_ =	sdelay $0x4  }
0x11d: {  	v62 =	vshll.u32 v3, $0x3  }
0x11e: {  	v3 =	vand.u32 $0x7, v3;
	v4 =	vand.u32 $0xFFFFFFC0, v62  }
0x11f: {  	v3 =	vor.u32 v3, v4  }
0x120: {  	v4 =	vperm.xlane v3, v0;
	_ =	sdelay $0x1  }
0x121: {  	v4 =	vadd.s32 v1, v4;
	_ =	sdelay $0x3  }
0x122: {  	s0 =	simm.s32 $0x4180  }
0x123: {  	[tilespmem:s0], [sflag:$0x1] =	stream.indirect_vreg.gather [hbm4b:s2+s4], $0x80, v4, vm0, $0xb8;
	[tilespmem:$0x18200] =	vst v63  }
0x124: {  	v3 =	vperm.xlane v3, v2;
	s0 =	simm.s32 $0x4980  }
0x125: {  	[tilespmem:s0], [sflag:$0x1] =	stream.indirect_vreg.gather [hbm4b:s7+s4], $0x80, v4, vm0, $0xb8;
	[tilespmem:$0x18200] =	vst v63  }
0x126: {  	v3 =	vadd.s32 v1, v3;
	s0 =	simm.s32 $0x5180  }
0x127: {  	[tilespmem:s0], [sflag:$0x1] =	stream.indirect_vreg.gather [hbm4b:s8+s4], $0x80, v4, vm0, $0xb8;
	[tilespmem:$0x18200] =	vst v63  }
0x128: {  	s0 =	simm.s32 $0x5980  }
0x129: {  	[tilespmem:s0], [sflag:$0x1] =	stream.indirect_vreg.gather [hbm4b:s9+s4], $0x80, v4, vm0, $0xb8;
	[tilespmem:$0x18200] =	vst v63  }
0x12a: {  	_ = 	snop  }
0x12b: {  	[tilespmem:s17], [sflag:$0x1] =	stream.indirect_vreg.gather [hbm4b:s2+s4], $0x80, v3, vm0, $0xb8;
	[tilespmem:$0x18200] =	vst v63  }
0x12c: {  	_ = 	snop  }
0x12d: {  	[tilespmem:s16], [sflag:$0x1] =	stream.indirect_vreg.gather [hbm4b:s7+s4], $0x80, v3, vm0, $0xb8;
	[tilespmem:$0x18200] =	vst v63  }
0x12e: {  	_ = 	snop  }
0x12f: {  	[tilespmem:s15], [sflag:$0x1] =	stream.indirect_vreg.gather [hbm4b:s8+s4], $0x80, v3, vm0, $0xb8;
	[tilespmem:$0x18200] =	vst v63  }
0x130: {  	_ = 	snop  }
0x131: {  	[tilespmem:s14], [sflag:$0x1] =	stream.indirect_vreg.gather [hbm4b:s9+s4], $0x80, v3, vm0, $0xb8;
	[tilespmem:$0x18200] =	vst v63  }
0x132: {  	v3 =	vld [tilespmem:$0x80];
	_ =	sdelay $0x4  }
0x133: {  	v63 =	vshll.u32 v3, $0x3  }
0x134: {  	v3 =	vand.u32 $0x7, v3;
	v4 =	vand.u32 $0xFFFFFFC0, v63  }
0x135: {  	v3 =	vor.u32 v3, v4  }
0x136: {  	v4 =	vperm.xlane v3, v0;
	_ =	sdelay $0x1  }
0x137: {  	v4 =	vadd.s32 v1, v4;
	_ =	sdelay $0x4  }
0x138: {  	[tilespmem:s13], [sflag:$0x1] =	stream.indirect_vreg.gather [hbm4b:s2+s4], $0x80, v4, vm0, $0xb8;
	[tilespmem:$0x18200] =	vst v63  }
0x139: {  	v3 =	vperm.xlane v3, v2  }
0x13a: {  	[tilespmem:s12], [sflag:$0x1] =	stream.indirect_vreg.gather [hbm4b:s7+s4], $0x80, v4, vm0, $0xb8;
	[tilespmem:$0x18200] =	vst v63  }
0x13b: {  	v3 =	vadd.s32 v1, v3  }
0x13c: {  	[tilespmem:s11], [sflag:$0x1] =	stream.indirect_vreg.gather [hbm4b:s8+s4], $0x80, v4, vm0, $0xb8;
	[tilespmem:$0x18200] =	vst v63  }
0x13d: {  	_ = 	snop  }
0x13e: {  	[tilespmem:s19], [sflag:$0x1] =	stream.indirect_vreg.gather [hbm4b:s9+s4], $0x80, v4, vm0, $0xb8;
	[tilespmem:$0x18200] =	vst v63  }
0x13f: {  	_ = 	snop  }
0x140: {  	[tilespmem:s22], [sflag:$0x1] =	stream.indirect_vreg.gather [hbm4b:s2+s4], $0x80, v3, vm0, $0xb8;
	[tilespmem:$0x18200] =	vst v63  }
0x141: {  	_ = 	snop  }
0x142: {  	[tilespmem:s23], [sflag:$0x1] =	stream.indirect_vreg.gather [hbm4b:s7+s4], $0x80, v3, vm0, $0xb8;
	[tilespmem:$0x18200] =	vst v63  }
0x143: {  	_ = 	snop  }
0x144: {  	[tilespmem:s24], [sflag:$0x1] =	stream.indirect_vreg.gather [hbm4b:s8+s4], $0x80, v3, vm0, $0xb8;
	[tilespmem:$0x18200] =	vst v63  }
0x145: {  	_ = 	snop  }
0x146: {  	[tilespmem:s25], [sflag:$0x1] =	stream.indirect_vreg.gather [hbm4b:s9+s4], $0x80, v3, vm0, $0xb8;
	[tilespmem:$0x18200] =	vst v63  }
.Ltmp6:
0x147: {  	s0 =	rddreg [dreg:$0x3];
	(pc) =	sbr.rel .LBB2_9-.Ltmp6, $4  }
0x148: {  	[hbm4b:s0+s4] =	stream.linear.scatter [tilespmem:s28], [sflag:$0x4], $0xC000, $0x38;
	[tilespmem:$0x18200] =	vst v63  }
0x149: {  	_ =	swait.ge [sflag:s26], $0xC000  }
0x14a: {  	[sflag:s26] =	ssyncset.done $0x0  }
0x14b: {  	[sflag:s26] =	ssyncadd.s32 $0xFFFF4000  }
.LBB2_7:
.Ltmp7:
0x14c: {  	(pc) =	sbr.rel @p1 .LBB2_30-.Ltmp7, $1  }
0x14d: {  	_ =	sdelay $0x3  }
0x14e: {  	s0 =	rddreg [dreg:$0x3]  }
0x14f: {  	[hbm4b:s0+s4] =	stream.linear.scatter [tilespmem:s28], [sflag:$0x4], $0xC000, $0x38;
	[tilespmem:$0x18200] =	vst v63  }
.LBB2_9:
0x150: {  	p1 =	slt.u32 s1, $0x91  }
.Ltmp8:
0x151: {  	_ = 	snop;
	(pc) =	sbr.rel @p1 .LBB2_11-.Ltmp8, $4  }
0x152: {  	_ = 	snop  }
0x153: {  	_ =	swait.ge [sflag:s31], $0xC000  }
0x154: {  	[sflag:s31] =	ssyncset.done $0x0  }
0x155: {  	[sflag:s31] =	ssyncadd.s32 $0xFFFF4000  }
0x156: {  	v3 =	vld [tilespmem:$0x90];
	_ =	sdelay $0x4  }
0x157: {  	v4 =	vshll.u32 v3, $0x3  }
0x158: {  	v3 =	vand.u32 $0x7, v3;
	v4 =	vand.u32 $0xFFFFFFC0, v4  }
0x159: {  	v3 =	vor.u32 v3, v4  }
0x15a: {  	v4 =	vperm.xlane v3, v0;
	_ =	sdelay $0x1  }
0x15b: {  	v4 =	vadd.s32 v1, v4;
	_ =	sdelay $0x4  }
0x15c: {  	[tilespmem:s28], [sflag:$0x2] =	stream.indirect_vreg.gather [hbm4b:s2+s4], $0x80, v4, vm0, $0xb8;
	[tilespmem:$0x18200] =	vst v63  }
0x15d: {  	s0 =	simm.s32 $0xC980;
	v3 =	vperm.xlane v3, v2  }
0x15e: {  	[tilespmem:s0], [sflag:$0x2] =	stream.indirect_vreg.gather [hbm4b:s7+s4], $0x80, v4, vm0, $0xb8;
	[tilespmem:$0x18200] =	vst v63  }
0x15f: {  	v3 =	vadd.s32 v1, v3;
	s0 =	simm.s32 $0xD180  }
0x160: {  	[tilespmem:s0], [sflag:$0x2] =	stream.indirect_vreg.gather [hbm4b:s8+s4], $0x80, v4, vm0, $0xb8;
	[tilespmem:$0x18200] =	vst v63  }
0x161: {  	s0 =	simm.s32 $0xD980  }
0x162: {  	[tilespmem:s0], [sflag:$0x2] =	stream.indirect_vreg.gather [hbm4b:s9+s4], $0x80, v4, vm0, $0xb8;
	[tilespmem:$0x18200] =	vst v63  }
0x163: {  	s0 =	simm.s32 $0xE180  }
0x164: {  	[tilespmem:s0], [sflag:$0x2] =	stream.indirect_vreg.gather [hbm4b:s2+s4], $0x80, v3, vm0, $0xb8;
	[tilespmem:$0x18200] =	vst v63  }
0x165: {  	s0 =	simm.s32 $0xE980  }
0x166: {  	[tilespmem:s0], [sflag:$0x2] =	stream.indirect_vreg.gather [hbm4b:s7+s4], $0x80, v3, vm0, $0xb8;
	[tilespmem:$0x18200] =	vst v63  }
0x167: {  	s0 =	simm.s32 $0xF180  }
0x168: {  	[tilespmem:s0], [sflag:$0x2] =	stream.indirect_vreg.gather [hbm4b:s8+s4], $0x80, v3, vm0, $0xb8;
	[tilespmem:$0x18200] =	vst v63  }
0x169: {  	s0 =	simm.s32 $0xF980  }
0x16a: {  	[tilespmem:s0], [sflag:$0x2] =	stream.indirect_vreg.gather [hbm4b:s9+s4], $0x80, v3, vm0, $0xb8;
	[tilespmem:$0x18200] =	vst v63  }
0x16b: {  	v3 =	vld [tilespmem:$0xA0];
	_ =	sdelay $0x4  }
0x16c: {  	v62 =	vshll.u32 v3, $0x3  }
0x16d: {  	v3 =	vand.u32 $0x7, v3;
	v4 =	vand.u32 $0xFFFFFFC0, v62  }
0x16e: {  	v3 =	vor.u32 v3, v4  }
0x16f: {  	v4 =	vperm.xlane v3, v0;
	_ =	sdelay $0x1  }
0x170: {  	v4 =	vadd.s32 v1, v4;
	_ =	sdelay $0x3  }
0x171: {  	s0 =	simm.s32 $0x10180  }
0x172: {  	[tilespmem:s0], [sflag:$0x2] =	stream.indirect_vreg.gather [hbm4b:s2+s4], $0x80, v4, vm0, $0xb8;
	[tilespmem:$0x18200] =	vst v63  }
0x173: {  	v3 =	vperm.xlane v3, v2;
	s0 =	simm.s32 $0x10980  }
0x174: {  	[tilespmem:s0], [sflag:$0x2] =	stream.indirect_vreg.gather [hbm4b:s7+s4], $0x80, v4, vm0, $0xb8;
	[tilespmem:$0x18200] =	vst v63  }
0x175: {  	v3 =	vadd.s32 v1, v3;
	s0 =	simm.s32 $0x11180  }
0x176: {  	[tilespmem:s0], [sflag:$0x2] =	stream.indirect_vreg.gather [hbm4b:s8+s4], $0x80, v4, vm0, $0xb8;
	[tilespmem:$0x18200] =	vst v63  }
0x177: {  	s0 =	simm.s32 $0x11980  }
0x178: {  	[tilespmem:s0], [sflag:$0x2] =	stream.indirect_vreg.gather [hbm4b:s9+s4], $0x80, v4, vm0, $0xb8;
	[tilespmem:$0x18200] =	vst v63  }
0x179: {  	s0 =	simm.s32 $0x12180  }
0x17a: {  	[tilespmem:s0], [sflag:$0x2] =	stream.indirect_vreg.gather [hbm4b:s2+s4], $0x80, v3, vm0, $0xb8;
	[tilespmem:$0x18200] =	vst v63  }
0x17b: {  	s0 =	simm.s32 $0x12980  }
0x17c: {  	[tilespmem:s0], [sflag:$0x2] =	stream.indirect_vreg.gather [hbm4b:s7+s4], $0x80, v3, vm0, $0xb8;
	[tilespmem:$0x18200] =	vst v63  }
0x17d: {  	s0 =	simm.s32 $0x13180  }
0x17e: {  	[tilespmem:s0], [sflag:$0x2] =	stream.indirect_vreg.gather [hbm4b:s8+s4], $0x80, v3, vm0, $0xb8;
	[tilespmem:$0x18200] =	vst v63  }
0x17f: {  	s0 =	simm.s32 $0x13980  }
0x180: {  	[tilespmem:s0], [sflag:$0x2] =	stream.indirect_vreg.gather [hbm4b:s9+s4], $0x80, v3, vm0, $0xb8;
	[tilespmem:$0x18200] =	vst v63  }
0x181: {  	v3 =	vld [tilespmem:$0xB0];
	_ =	sdelay $0x4  }
0x182: {  	v63 =	vshll.u32 v3, $0x3  }
0x183: {  	v3 =	vand.u32 $0x7, v3;
	v4 =	vand.u32 $0xFFFFFFC0, v63  }
0x184: {  	v3 =	vor.u32 v3, v4  }
0x185: {  	v4 =	vperm.xlane v3, v0;
	_ =	sdelay $0x1  }
0x186: {  	v4 =	vadd.s32 v1, v4;
	_ =	sdelay $0x3  }
0x187: {  	s0 =	simm.s32 $0x14180  }
0x188: {  	[tilespmem:s0], [sflag:$0x2] =	stream.indirect_vreg.gather [hbm4b:s2+s4], $0x80, v4, vm0, $0xb8;
	[tilespmem:$0x18200] =	vst v63  }
0x189: {  	v3 =	vperm.xlane v3, v2;
	s0 =	simm.s32 $0x14980  }
0x18a: {  	[tilespmem:s0], [sflag:$0x2] =	stream.indirect_vreg.gather [hbm4b:s7+s4], $0x80, v4, vm0, $0xb8;
	[tilespmem:$0x18200] =	vst v63  }
0x18b: {  	v3 =	vadd.s32 v1, v3;
	s0 =	simm.s32 $0x15180  }
0x18c: {  	[tilespmem:s0], [sflag:$0x2] =	stream.indirect_vreg.gather [hbm4b:s8+s4], $0x80, v4, vm0, $0xb8;
	[tilespmem:$0x18200] =	vst v63  }
0x18d: {  	s0 =	simm.s32 $0x15980  }
0x18e: {  	[tilespmem:s0], [sflag:$0x2] =	stream.indirect_vreg.gather [hbm4b:s9+s4], $0x80, v4, vm0, $0xb8;
	[tilespmem:$0x18200] =	vst v63  }
0x18f: {  	s0 =	simm.s32 $0x16180  }
0x190: {  	[tilespmem:s0], [sflag:$0x2] =	stream.indirect_vreg.gather [hbm4b:s2+s4], $0x80, v3, vm0, $0xb8;
	[tilespmem:$0x18200] =	vst v63  }
0x191: {  	s0 =	simm.s32 $0x16980  }
0x192: {  	[tilespmem:s0], [sflag:$0x2] =	stream.indirect_vreg.gather [hbm4b:s7+s4], $0x80, v3, vm0, $0xb8;
	[tilespmem:$0x18200] =	vst v63  }
0x193: {  	s0 =	simm.s32 $0x17180  }
0x194: {  	[tilespmem:s0], [sflag:$0x2] =	stream.indirect_vreg.gather [hbm4b:s8+s4], $0x80, v3, vm0, $0xb8;
	[tilespmem:$0x18200] =	vst v63  }
0x195: {  	s0 =	simm.s32 $0x17980  }
0x196: {  	[tilespmem:s0], [sflag:$0x2] =	stream.indirect_vreg.gather [hbm4b:s9+s4], $0x80, v3, vm0, $0xb8;
	[tilespmem:$0x18200] =	vst v63  }
.Ltmp9:
0x197: {  	s0 =	rddreg [dreg:$0x4];
	(pc) =	sbr.rel .LBB2_13-.Ltmp9, $4  }
0x198: {  	[hbm4b:s0+s4] =	stream.linear.scatter [tilespmem:s21], [sflag:$0x3], $0xC000, $0x38;
	[tilespmem:$0x18200] =	vst v63  }
0x199: {  	_ =	swait.ge [sflag:s29], $0xC000  }
0x19a: {  	[sflag:s29] =	ssyncset.done $0x0  }
0x19b: {  	[sflag:s29] =	ssyncadd.s32 $0xFFFF4000  }
.LBB2_11:
.Ltmp10:
0x19c: {  	(pc) =	sbr.rel @p0 .LBB2_30-.Ltmp10, $1  }
0x19d: {  	_ =	sdelay $0x3  }
0x19e: {  	s0 =	rddreg [dreg:$0x4]  }
0x19f: {  	[hbm4b:s0+s4] =	stream.linear.scatter [tilespmem:s21], [sflag:$0x3], $0xC000, $0x38;
	[tilespmem:$0x18200] =	vst v63  }
.LBB2_13:
0x1a0: {  	p0 =	slt.u32 s1, $0xC1  }
.Ltmp11:
0x1a1: {  	_ = 	snop;
	(pc) =	sbr.rel @p0 .LBB2_15-.Ltmp11, $4  }
0x1a2: {  	_ = 	snop  }
0x1a3: {  	_ =	swait.ge [sflag:s30], $0xC000  }
0x1a4: {  	[sflag:s30] =	ssyncset.done $0x0  }
0x1a5: {  	[sflag:s30] =	ssyncadd.s32 $0xFFFF4000  }
0x1a6: {  	v3 =	vld [tilespmem:$0xC0];
	_ =	sdelay $0x4  }
0x1a7: {  	v4 =	vshll.u32 v3, $0x3  }
0x1a8: {  	v3 =	vand.u32 $0x7, v3;
	v4 =	vand.u32 $0xFFFFFFC0, v4  }
0x1a9: {  	v3 =	vor.u32 v3, v4  }
0x1aa: {  	v4 =	vperm.xlane v3, v0;
	_ =	sdelay $0x1  }
0x1ab: {  	v4 =	vadd.s32 v1, v4;
	_ =	sdelay $0x4  }
0x1ac: {  	[tilespmem:s21], [sflag:$0x1] =	stream.indirect_vreg.gather [hbm4b:s2+s4], $0x80, v4, vm0, $0xb8;
	[tilespmem:$0x18200] =	vst v63  }
0x1ad: {  	s0 =	simm.s32 $0x980;
	v3 =	vperm.xlane v3, v2  }
0x1ae: {  	[tilespmem:s0], [sflag:$0x1] =	stream.indirect_vreg.gather [hbm4b:s7+s4], $0x80, v4, vm0, $0xb8;
	[tilespmem:$0x18200] =	vst v63  }
0x1af: {  	v3 =	vadd.s32 v1, v3;
	s0 =	simm.s32 $0x1180  }
0x1b0: {  	[tilespmem:s0], [sflag:$0x1] =	stream.indirect_vreg.gather [hbm4b:s8+s4], $0x80, v4, vm0, $0xb8;
	[tilespmem:$0x18200] =	vst v63  }
0x1b1: {  	s0 =	simm.s32 $0x1980  }
0x1b2: {  	[tilespmem:s0], [sflag:$0x1] =	stream.indirect_vreg.gather [hbm4b:s9+s4], $0x80, v4, vm0, $0xb8;
	[tilespmem:$0x18200] =	vst v63  }
0x1b3: {  	s0 =	simm.s32 $0x2180  }
0x1b4: {  	[tilespmem:s0], [sflag:$0x1] =	stream.indirect_vreg.gather [hbm4b:s2+s4], $0x80, v3, vm0, $0xb8;
	[tilespmem:$0x18200] =	vst v63  }
0x1b5: {  	s0 =	simm.s32 $0x2980  }
0x1b6: {  	[tilespmem:s0], [sflag:$0x1] =	stream.indirect_vreg.gather [hbm4b:s7+s4], $0x80, v3, vm0, $0xb8;
	[tilespmem:$0x18200] =	vst v63  }
0x1b7: {  	s0 =	simm.s32 $0x3180  }
0x1b8: {  	[tilespmem:s0], [sflag:$0x1] =	stream.indirect_vreg.gather [hbm4b:s8+s4], $0x80, v3, vm0, $0xb8;
	[tilespmem:$0x18200] =	vst v63  }
0x1b9: {  	s0 =	simm.s32 $0x3980  }
0x1ba: {  	[tilespmem:s0], [sflag:$0x1] =	stream.indirect_vreg.gather [hbm4b:s9+s4], $0x80, v3, vm0, $0xb8;
	[tilespmem:$0x18200] =	vst v63  }
0x1bb: {  	v3 =	vld [tilespmem:$0xD0];
	_ =	sdelay $0x4  }
0x1bc: {  	v62 =	vshll.u32 v3, $0x3  }
0x1bd: {  	v3 =	vand.u32 $0x7, v3;
	v4 =	vand.u32 $0xFFFFFFC0, v62  }
0x1be: {  	v3 =	vor.u32 v3, v4  }
0x1bf: {  	v4 =	vperm.xlane v3, v0;
	_ =	sdelay $0x1  }
0x1c0: {  	v4 =	vadd.s32 v1, v4;
	_ =	sdelay $0x3  }
0x1c1: {  	s0 =	simm.s32 $0x4180  }
0x1c2: {  	[tilespmem:s0], [sflag:$0x1] =	stream.indirect_vreg.gather [hbm4b:s2+s4], $0x80, v4, vm0, $0xb8;
	[tilespmem:$0x18200] =	vst v63  }
0x1c3: {  	v3 =	vperm.xlane v3, v2;
	s0 =	simm.s32 $0x4980  }
0x1c4: {  	[tilespmem:s0], [sflag:$0x1] =	stream.indirect_vreg.gather [hbm4b:s7+s4], $0x80, v4, vm0, $0xb8;
	[tilespmem:$0x18200] =	vst v63  }
0x1c5: {  	v3 =	vadd.s32 v1, v3;
	s0 =	simm.s32 $0x5180  }
0x1c6: {  	[tilespmem:s0], [sflag:$0x1] =	stream.indirect_vreg.gather [hbm4b:s8+s4], $0x80, v4, vm0, $0xb8;
	[tilespmem:$0x18200] =	vst v63  }
0x1c7: {  	s0 =	simm.s32 $0x5980  }
0x1c8: {  	[tilespmem:s0], [sflag:$0x1] =	stream.indirect_vreg.gather [hbm4b:s9+s4], $0x80, v4, vm0, $0xb8;
	[tilespmem:$0x18200] =	vst v63  }
0x1c9: {  	_ = 	snop  }
0x1ca: {  	[tilespmem:s17], [sflag:$0x1] =	stream.indirect_vreg.gather [hbm4b:s2+s4], $0x80, v3, vm0, $0xb8;
	[tilespmem:$0x18200] =	vst v63  }
0x1cb: {  	_ = 	snop  }
0x1cc: {  	[tilespmem:s16], [sflag:$0x1] =	stream.indirect_vreg.gather [hbm4b:s7+s4], $0x80, v3, vm0, $0xb8;
	[tilespmem:$0x18200] =	vst v63  }
0x1cd: {  	_ = 	snop  }
0x1ce: {  	[tilespmem:s15], [sflag:$0x1] =	stream.indirect_vreg.gather [hbm4b:s8+s4], $0x80, v3, vm0, $0xb8;
	[tilespmem:$0x18200] =	vst v63  }
0x1cf: {  	_ = 	snop  }
0x1d0: {  	[tilespmem:s14], [sflag:$0x1] =	stream.indirect_vreg.gather [hbm4b:s9+s4], $0x80, v3, vm0, $0xb8;
	[tilespmem:$0x18200] =	vst v63  }
0x1d1: {  	v3 =	vld [tilespmem:$0xE0];
	_ =	sdelay $0x4  }
0x1d2: {  	v63 =	vshll.u32 v3, $0x3  }
0x1d3: {  	v3 =	vand.u32 $0x7, v3;
	v4 =	vand.u32 $0xFFFFFFC0, v63  }
0x1d4: {  	v3 =	vor.u32 v3, v4  }
0x1d5: {  	v4 =	vperm.xlane v3, v0;
	_ =	sdelay $0x1  }
0x1d6: {  	v4 =	vadd.s32 v1, v4;
	_ =	sdelay $0x4  }
0x1d7: {  	[tilespmem:s13], [sflag:$0x1] =	stream.indirect_vreg.gather [hbm4b:s2+s4], $0x80, v4, vm0, $0xb8;
	[tilespmem:$0x18200] =	vst v63  }
0x1d8: {  	v3 =	vperm.xlane v3, v2  }
0x1d9: {  	[tilespmem:s12], [sflag:$0x1] =	stream.indirect_vreg.gather [hbm4b:s7+s4], $0x80, v4, vm0, $0xb8;
	[tilespmem:$0x18200] =	vst v63  }
0x1da: {  	v3 =	vadd.s32 v1, v3  }
0x1db: {  	[tilespmem:s11], [sflag:$0x1] =	stream.indirect_vreg.gather [hbm4b:s8+s4], $0x80, v4, vm0, $0xb8;
	[tilespmem:$0x18200] =	vst v63  }
0x1dc: {  	_ = 	snop  }
0x1dd: {  	[tilespmem:s19], [sflag:$0x1] =	stream.indirect_vreg.gather [hbm4b:s9+s4], $0x80, v4, vm0, $0xb8;
	[tilespmem:$0x18200] =	vst v63  }
0x1de: {  	_ = 	snop  }
0x1df: {  	[tilespmem:s22], [sflag:$0x1] =	stream.indirect_vreg.gather [hbm4b:s2+s4], $0x80, v3, vm0, $0xb8;
	[tilespmem:$0x18200] =	vst v63  }
0x1e0: {  	_ = 	snop  }
0x1e1: {  	[tilespmem:s23], [sflag:$0x1] =	stream.indirect_vreg.gather [hbm4b:s7+s4], $0x80, v3, vm0, $0xb8;
	[tilespmem:$0x18200] =	vst v63  }
0x1e2: {  	_ = 	snop  }
0x1e3: {  	[tilespmem:s24], [sflag:$0x1] =	stream.indirect_vreg.gather [hbm4b:s8+s4], $0x80, v3, vm0, $0xb8;
	[tilespmem:$0x18200] =	vst v63  }
0x1e4: {  	_ = 	snop  }
0x1e5: {  	[tilespmem:s25], [sflag:$0x1] =	stream.indirect_vreg.gather [hbm4b:s9+s4], $0x80, v3, vm0, $0xb8;
	[tilespmem:$0x18200] =	vst v63  }
.Ltmp12:
0x1e6: {  	s0 =	rddreg [dreg:$0x5];
	(pc) =	sbr.rel .LBB2_17-.Ltmp12, $4  }
0x1e7: {  	[hbm4b:s0+s4] =	stream.linear.scatter [tilespmem:s28], [sflag:$0x4], $0xC000, $0x38;
	[tilespmem:$0x18200] =	vst v63  }
0x1e8: {  	_ =	swait.ge [sflag:s26], $0xC000  }
0x1e9: {  	[sflag:s26] =	ssyncset.done $0x0  }
0x1ea: {  	[sflag:s26] =	ssyncadd.s32 $0xFFFF4000  }
.LBB2_15:
.Ltmp13:
0x1eb: {  	(pc) =	sbr.rel @p1 .LBB2_30-.Ltmp13, $1  }
0x1ec: {  	_ =	sdelay $0x3  }
0x1ed: {  	s0 =	rddreg [dreg:$0x5]  }
0x1ee: {  	[hbm4b:s0+s4] =	stream.linear.scatter [tilespmem:s28], [sflag:$0x4], $0xC000, $0x38;
	[tilespmem:$0x18200] =	vst v63  }
.LBB2_17:
0x1ef: {  	p1 =	slt.u32 s1, $0xF1  }
.Ltmp14:
0x1f0: {  	_ = 	snop;
	(pc) =	sbr.rel @p1 .LBB2_19-.Ltmp14, $4  }
0x1f1: {  	_ = 	snop  }
0x1f2: {  	_ =	swait.ge [sflag:s31], $0xC000  }
0x1f3: {  	[sflag:s31] =	ssyncset.done $0x0  }
0x1f4: {  	[sflag:s31] =	ssyncadd.s32 $0xFFFF4000  }
0x1f5: {  	v3 =	vld [tilespmem:$0xF0];
	_ =	sdelay $0x4  }
0x1f6: {  	v4 =	vshll.u32 v3, $0x3  }
0x1f7: {  	v3 =	vand.u32 $0x7, v3;
	v4 =	vand.u32 $0xFFFFFFC0, v4  }
0x1f8: {  	v3 =	vor.u32 v3, v4  }
0x1f9: {  	v4 =	vperm.xlane v3, v0;
	_ =	sdelay $0x1  }
0x1fa: {  	v4 =	vadd.s32 v1, v4;
	_ =	sdelay $0x4  }
0x1fb: {  	[tilespmem:s28], [sflag:$0x2] =	stream.indirect_vreg.gather [hbm4b:s2+s4], $0x80, v4, vm0, $0xb8;
	[tilespmem:$0x18200] =	vst v63  }
0x1fc: {  	s0 =	simm.s32 $0xC980;
	v3 =	vperm.xlane v3, v2  }
0x1fd: {  	[tilespmem:s0], [sflag:$0x2] =	stream.indirect_vreg.gather [hbm4b:s7+s4], $0x80, v4, vm0, $0xb8;
	[tilespmem:$0x18200] =	vst v63  }
0x1fe: {  	v3 =	vadd.s32 v1, v3;
	s0 =	simm.s32 $0xD180  }
0x1ff: {  	[tilespmem:s0], [sflag:$0x2] =	stream.indirect_vreg.gather [hbm4b:s8+s4], $0x80, v4, vm0, $0xb8;
	[tilespmem:$0x18200] =	vst v63  }
0x200: {  	s0 =	simm.s32 $0xD980  }
0x201: {  	[tilespmem:s0], [sflag:$0x2] =	stream.indirect_vreg.gather [hbm4b:s9+s4], $0x80, v4, vm0, $0xb8;
	[tilespmem:$0x18200] =	vst v63  }
0x202: {  	s0 =	simm.s32 $0xE180  }
0x203: {  	[tilespmem:s0], [sflag:$0x2] =	stream.indirect_vreg.gather [hbm4b:s2+s4], $0x80, v3, vm0, $0xb8;
	[tilespmem:$0x18200] =	vst v63  }
0x204: {  	s0 =	simm.s32 $0xE980  }
0x205: {  	[tilespmem:s0], [sflag:$0x2] =	stream.indirect_vreg.gather [hbm4b:s7+s4], $0x80, v3, vm0, $0xb8;
	[tilespmem:$0x18200] =	vst v63  }
0x206: {  	s0 =	simm.s32 $0xF180  }
0x207: {  	[tilespmem:s0], [sflag:$0x2] =	stream.indirect_vreg.gather [hbm4b:s8+s4], $0x80, v3, vm0, $0xb8;
	[tilespmem:$0x18200] =	vst v63  }
0x208: {  	s0 =	simm.s32 $0xF980  }
0x209: {  	[tilespmem:s0], [sflag:$0x2] =	stream.indirect_vreg.gather [hbm4b:s9+s4], $0x80, v3, vm0, $0xb8;
	[tilespmem:$0x18200] =	vst v63  }
0x20a: {  	v3 =	vld [tilespmem:$0x100];
	_ =	sdelay $0x4  }
0x20b: {  	v62 =	vshll.u32 v3, $0x3  }
0x20c: {  	v3 =	vand.u32 $0x7, v3;
	v4 =	vand.u32 $0xFFFFFFC0, v62  }
0x20d: {  	v3 =	vor.u32 v3, v4  }
0x20e: {  	v4 =	vperm.xlane v3, v0;
	_ =	sdelay $0x1  }
0x20f: {  	v4 =	vadd.s32 v1, v4;
	_ =	sdelay $0x3  }
0x210: {  	s0 =	simm.s32 $0x10180  }
0x211: {  	[tilespmem:s0], [sflag:$0x2] =	stream.indirect_vreg.gather [hbm4b:s2+s4], $0x80, v4, vm0, $0xb8;
	[tilespmem:$0x18200] =	vst v63  }
0x212: {  	v3 =	vperm.xlane v3, v2;
	s0 =	simm.s32 $0x10980  }
0x213: {  	[tilespmem:s0], [sflag:$0x2] =	stream.indirect_vreg.gather [hbm4b:s7+s4], $0x80, v4, vm0, $0xb8;
	[tilespmem:$0x18200] =	vst v63  }
0x214: {  	v3 =	vadd.s32 v1, v3;
	s0 =	simm.s32 $0x11180  }
0x215: {  	[tilespmem:s0], [sflag:$0x2] =	stream.indirect_vreg.gather [hbm4b:s8+s4], $0x80, v4, vm0, $0xb8;
	[tilespmem:$0x18200] =	vst v63  }
0x216: {  	s0 =	simm.s32 $0x11980  }
0x217: {  	[tilespmem:s0], [sflag:$0x2] =	stream.indirect_vreg.gather [hbm4b:s9+s4], $0x80, v4, vm0, $0xb8;
	[tilespmem:$0x18200] =	vst v63  }
0x218: {  	s0 =	simm.s32 $0x12180  }
0x219: {  	[tilespmem:s0], [sflag:$0x2] =	stream.indirect_vreg.gather [hbm4b:s2+s4], $0x80, v3, vm0, $0xb8;
	[tilespmem:$0x18200] =	vst v63  }
0x21a: {  	s0 =	simm.s32 $0x12980  }
0x21b: {  	[tilespmem:s0], [sflag:$0x2] =	stream.indirect_vreg.gather [hbm4b:s7+s4], $0x80, v3, vm0, $0xb8;
	[tilespmem:$0x18200] =	vst v63  }
0x21c: {  	s0 =	simm.s32 $0x13180  }
0x21d: {  	[tilespmem:s0], [sflag:$0x2] =	stream.indirect_vreg.gather [hbm4b:s8+s4], $0x80, v3, vm0, $0xb8;
	[tilespmem:$0x18200] =	vst v63  }
0x21e: {  	s0 =	simm.s32 $0x13980  }
0x21f: {  	[tilespmem:s0], [sflag:$0x2] =	stream.indirect_vreg.gather [hbm4b:s9+s4], $0x80, v3, vm0, $0xb8;
	[tilespmem:$0x18200] =	vst v63  }
0x220: {  	v3 =	vld [tilespmem:$0x110];
	_ =	sdelay $0x4  }
0x221: {  	v63 =	vshll.u32 v3, $0x3  }
0x222: {  	v3 =	vand.u32 $0x7, v3;
	v4 =	vand.u32 $0xFFFFFFC0, v63  }
0x223: {  	v3 =	vor.u32 v3, v4  }
0x224: {  	v4 =	vperm.xlane v3, v0;
	_ =	sdelay $0x1  }
0x225: {  	v4 =	vadd.s32 v1, v4;
	_ =	sdelay $0x3  }
0x226: {  	s0 =	simm.s32 $0x14180  }
0x227: {  	[tilespmem:s0], [sflag:$0x2] =	stream.indirect_vreg.gather [hbm4b:s2+s4], $0x80, v4, vm0, $0xb8;
	[tilespmem:$0x18200] =	vst v63  }
0x228: {  	v3 =	vperm.xlane v3, v2;
	s0 =	simm.s32 $0x14980  }
0x229: {  	[tilespmem:s0], [sflag:$0x2] =	stream.indirect_vreg.gather [hbm4b:s7+s4], $0x80, v4, vm0, $0xb8;
	[tilespmem:$0x18200] =	vst v63  }
0x22a: {  	v3 =	vadd.s32 v1, v3;
	s0 =	simm.s32 $0x15180  }
0x22b: {  	[tilespmem:s0], [sflag:$0x2] =	stream.indirect_vreg.gather [hbm4b:s8+s4], $0x80, v4, vm0, $0xb8;
	[tilespmem:$0x18200] =	vst v63  }
0x22c: {  	s0 =	simm.s32 $0x15980  }
0x22d: {  	[tilespmem:s0], [sflag:$0x2] =	stream.indirect_vreg.gather [hbm4b:s9+s4], $0x80, v4, vm0, $0xb8;
	[tilespmem:$0x18200] =	vst v63  }
0x22e: {  	s0 =	simm.s32 $0x16180  }
0x22f: {  	[tilespmem:s0], [sflag:$0x2] =	stream.indirect_vreg.gather [hbm4b:s2+s4], $0x80, v3, vm0, $0xb8;
	[tilespmem:$0x18200] =	vst v63  }
0x230: {  	s0 =	simm.s32 $0x16980  }
0x231: {  	[tilespmem:s0], [sflag:$0x2] =	stream.indirect_vreg.gather [hbm4b:s7+s4], $0x80, v3, vm0, $0xb8;
	[tilespmem:$0x18200] =	vst v63  }
0x232: {  	s0 =	simm.s32 $0x17180  }
0x233: {  	[tilespmem:s0], [sflag:$0x2] =	stream.indirect_vreg.gather [hbm4b:s8+s4], $0x80, v3, vm0, $0xb8;
	[tilespmem:$0x18200] =	vst v63  }
0x234: {  	s0 =	simm.s32 $0x17980  }
0x235: {  	[tilespmem:s0], [sflag:$0x2] =	stream.indirect_vreg.gather [hbm4b:s9+s4], $0x80, v3, vm0, $0xb8;
	[tilespmem:$0x18200] =	vst v63  }
.Ltmp15:
0x236: {  	s0 =	rddreg [dreg:$0x6];
	(pc) =	sbr.rel .LBB2_21-.Ltmp15, $4  }
0x237: {  	[hbm4b:s0+s4] =	stream.linear.scatter [tilespmem:s21], [sflag:$0x3], $0xC000, $0x38;
	[tilespmem:$0x18200] =	vst v63  }
0x238: {  	_ =	swait.ge [sflag:s29], $0xC000  }
0x239: {  	[sflag:s29] =	ssyncset.done $0x0  }
0x23a: {  	[sflag:s29] =	ssyncadd.s32 $0xFFFF4000  }
.LBB2_19:
.Ltmp16:
0x23b: {  	(pc) =	sbr.rel @p0 .LBB2_30-.Ltmp16, $1  }
0x23c: {  	_ =	sdelay $0x3  }
0x23d: {  	s0 =	rddreg [dreg:$0x6]  }
0x23e: {  	[hbm4b:s0+s4] =	stream.linear.scatter [tilespmem:s21], [sflag:$0x3], $0xC000, $0x38;
	[tilespmem:$0x18200] =	vst v63  }
.LBB2_21:
0x23f: {  	p0 =	slt.u32 s1, $0x121  }
.Ltmp17:
0x240: {  	_ = 	snop;
	(pc) =	sbr.rel @p0 .LBB2_23-.Ltmp17, $4  }
0x241: {  	_ = 	snop  }
0x242: {  	_ =	swait.ge [sflag:s30], $0xC000  }
0x243: {  	[sflag:s30] =	ssyncset.done $0x0  }
0x244: {  	[sflag:s30] =	ssyncadd.s32 $0xFFFF4000  }
0x245: {  	v3 =	vld [tilespmem:$0x120];
	_ =	sdelay $0x4  }
0x246: {  	v4 =	vshll.u32 v3, $0x3  }
0x247: {  	v3 =	vand.u32 $0x7, v3;
	v4 =	vand.u32 $0xFFFFFFC0, v4  }
0x248: {  	v3 =	vor.u32 v3, v4  }
0x249: {  	v4 =	vperm.xlane v3, v0;
	_ =	sdelay $0x1  }
0x24a: {  	v4 =	vadd.s32 v1, v4;
	_ =	sdelay $0x4  }
0x24b: {  	[tilespmem:s21], [sflag:$0x1] =	stream.indirect_vreg.gather [hbm4b:s2+s4], $0x80, v4, vm0, $0xb8;
	[tilespmem:$0x18200] =	vst v63  }
0x24c: {  	s0 =	simm.s32 $0x980;
	v3 =	vperm.xlane v3, v2  }
0x24d: {  	[tilespmem:s0], [sflag:$0x1] =	stream.indirect_vreg.gather [hbm4b:s7+s4], $0x80, v4, vm0, $0xb8;
	[tilespmem:$0x18200] =	vst v63  }
0x24e: {  	v3 =	vadd.s32 v1, v3;
	s0 =	simm.s32 $0x1180  }
0x24f: {  	[tilespmem:s0], [sflag:$0x1] =	stream.indirect_vreg.gather [hbm4b:s8+s4], $0x80, v4, vm0, $0xb8;
	[tilespmem:$0x18200] =	vst v63  }
0x250: {  	s0 =	simm.s32 $0x1980  }
0x251: {  	[tilespmem:s0], [sflag:$0x1] =	stream.indirect_vreg.gather [hbm4b:s9+s4], $0x80, v4, vm0, $0xb8;
	[tilespmem:$0x18200] =	vst v63  }
0x252: {  	s0 =	simm.s32 $0x2180  }
0x253: {  	[tilespmem:s0], [sflag:$0x1] =	stream.indirect_vreg.gather [hbm4b:s2+s4], $0x80, v3, vm0, $0xb8;
	[tilespmem:$0x18200] =	vst v63  }
0x254: {  	s0 =	simm.s32 $0x2980  }
0x255: {  	[tilespmem:s0], [sflag:$0x1] =	stream.indirect_vreg.gather [hbm4b:s7+s4], $0x80, v3, vm0, $0xb8;
	[tilespmem:$0x18200] =	vst v63  }
0x256: {  	s0 =	simm.s32 $0x3180  }
0x257: {  	[tilespmem:s0], [sflag:$0x1] =	stream.indirect_vreg.gather [hbm4b:s8+s4], $0x80, v3, vm0, $0xb8;
	[tilespmem:$0x18200] =	vst v63  }
0x258: {  	s0 =	simm.s32 $0x3980  }
0x259: {  	[tilespmem:s0], [sflag:$0x1] =	stream.indirect_vreg.gather [hbm4b:s9+s4], $0x80, v3, vm0, $0xb8;
	[tilespmem:$0x18200] =	vst v63  }
0x25a: {  	v3 =	vld [tilespmem:$0x130];
	_ =	sdelay $0x4  }
0x25b: {  	v62 =	vshll.u32 v3, $0x3  }
0x25c: {  	v3 =	vand.u32 $0x7, v3;
	v4 =	vand.u32 $0xFFFFFFC0, v62  }
0x25d: {  	v3 =	vor.u32 v3, v4  }
0x25e: {  	v4 =	vperm.xlane v3, v0;
	_ =	sdelay $0x1  }
0x25f: {  	v4 =	vadd.s32 v1, v4;
	_ =	sdelay $0x3  }
0x260: {  	s0 =	simm.s32 $0x4180  }
0x261: {  	[tilespmem:s0], [sflag:$0x1] =	stream.indirect_vreg.gather [hbm4b:s2+s4], $0x80, v4, vm0, $0xb8;
	[tilespmem:$0x18200] =	vst v63  }
0x262: {  	v3 =	vperm.xlane v3, v2;
	s0 =	simm.s32 $0x4980  }
0x263: {  	[tilespmem:s0], [sflag:$0x1] =	stream.indirect_vreg.gather [hbm4b:s7+s4], $0x80, v4, vm0, $0xb8;
	[tilespmem:$0x18200] =	vst v63  }
0x264: {  	v3 =	vadd.s32 v1, v3;
	s0 =	simm.s32 $0x5180  }
0x265: {  	[tilespmem:s0], [sflag:$0x1] =	stream.indirect_vreg.gather [hbm4b:s8+s4], $0x80, v4, vm0, $0xb8;
	[tilespmem:$0x18200] =	vst v63  }
0x266: {  	s0 =	simm.s32 $0x5980  }
0x267: {  	[tilespmem:s0], [sflag:$0x1] =	stream.indirect_vreg.gather [hbm4b:s9+s4], $0x80, v4, vm0, $0xb8;
	[tilespmem:$0x18200] =	vst v63  }
0x268: {  	_ = 	snop  }
0x269: {  	[tilespmem:s17], [sflag:$0x1] =	stream.indirect_vreg.gather [hbm4b:s2+s4], $0x80, v3, vm0, $0xb8;
	[tilespmem:$0x18200] =	vst v63  }
0x26a: {  	_ = 	snop  }
0x26b: {  	[tilespmem:s16], [sflag:$0x1] =	stream.indirect_vreg.gather [hbm4b:s7+s4], $0x80, v3, vm0, $0xb8;
	[tilespmem:$0x18200] =	vst v63  }
0x26c: {  	_ = 	snop  }
0x26d: {  	[tilespmem:s15], [sflag:$0x1] =	stream.indirect_vreg.gather [hbm4b:s8+s4], $0x80, v3, vm0, $0xb8;
	[tilespmem:$0x18200] =	vst v63  }
0x26e: {  	_ = 	snop  }
0x26f: {  	[tilespmem:s14], [sflag:$0x1] =	stream.indirect_vreg.gather [hbm4b:s9+s4], $0x80, v3, vm0, $0xb8;
	[tilespmem:$0x18200] =	vst v63  }
0x270: {  	v3 =	vld [tilespmem:$0x140];
	_ =	sdelay $0x4  }
0x271: {  	v63 =	vshll.u32 v3, $0x3  }
0x272: {  	v3 =	vand.u32 $0x7, v3;
	v4 =	vand.u32 $0xFFFFFFC0, v63  }
0x273: {  	v3 =	vor.u32 v3, v4  }
0x274: {  	v4 =	vperm.xlane v3, v0;
	_ =	sdelay $0x1  }
0x275: {  	v4 =	vadd.s32 v1, v4;
	_ =	sdelay $0x4  }
0x276: {  	[tilespmem:s13], [sflag:$0x1] =	stream.indirect_vreg.gather [hbm4b:s2+s4], $0x80, v4, vm0, $0xb8;
	[tilespmem:$0x18200] =	vst v63  }
0x277: {  	v3 =	vperm.xlane v3, v2  }
0x278: {  	[tilespmem:s12], [sflag:$0x1] =	stream.indirect_vreg.gather [hbm4b:s7+s4], $0x80, v4, vm0, $0xb8;
	[tilespmem:$0x18200] =	vst v63  }
0x279: {  	v3 =	vadd.s32 v1, v3  }
0x27a: {  	[tilespmem:s11], [sflag:$0x1] =	stream.indirect_vreg.gather [hbm4b:s8+s4], $0x80, v4, vm0, $0xb8;
	[tilespmem:$0x18200] =	vst v63  }
0x27b: {  	_ = 	snop  }
0x27c: {  	[tilespmem:s19], [sflag:$0x1] =	stream.indirect_vreg.gather [hbm4b:s9+s4], $0x80, v4, vm0, $0xb8;
	[tilespmem:$0x18200] =	vst v63  }
0x27d: {  	_ = 	snop  }
0x27e: {  	[tilespmem:s22], [sflag:$0x1] =	stream.indirect_vreg.gather [hbm4b:s2+s4], $0x80, v3, vm0, $0xb8;
	[tilespmem:$0x18200] =	vst v63  }
0x27f: {  	_ = 	snop  }
0x280: {  	[tilespmem:s23], [sflag:$0x1] =	stream.indirect_vreg.gather [hbm4b:s7+s4], $0x80, v3, vm0, $0xb8;
	[tilespmem:$0x18200] =	vst v63  }
0x281: {  	_ = 	snop  }
0x282: {  	[tilespmem:s24], [sflag:$0x1] =	stream.indirect_vreg.gather [hbm4b:s8+s4], $0x80, v3, vm0, $0xb8;
	[tilespmem:$0x18200] =	vst v63  }
0x283: {  	_ = 	snop  }
0x284: {  	[tilespmem:s25], [sflag:$0x1] =	stream.indirect_vreg.gather [hbm4b:s9+s4], $0x80, v3, vm0, $0xb8;
	[tilespmem:$0x18200] =	vst v63  }
.Ltmp18:
0x285: {  	s0 =	rddreg [dreg:$0x7];
	(pc) =	sbr.rel .LBB2_25-.Ltmp18, $4  }
0x286: {  	[hbm4b:s0+s4] =	stream.linear.scatter [tilespmem:s28], [sflag:$0x4], $0xC000, $0x38;
	[tilespmem:$0x18200] =	vst v63  }
0x287: {  	_ =	swait.ge [sflag:s26], $0xC000  }
0x288: {  	[sflag:s26] =	ssyncset.done $0x0  }
0x289: {  	[sflag:s26] =	ssyncadd.s32 $0xFFFF4000  }
.LBB2_23:
.Ltmp19:
0x28a: {  	(pc) =	sbr.rel @p1 .LBB2_30-.Ltmp19, $1  }
0x28b: {  	_ =	sdelay $0x3  }
0x28c: {  	s0 =	rddreg [dreg:$0x7]  }
0x28d: {  	[hbm4b:s0+s4] =	stream.linear.scatter [tilespmem:s28], [sflag:$0x4], $0xC000, $0x38;
	[tilespmem:$0x18200] =	vst v63  }
.LBB2_25:
0x28e: {  	p1 =	slt.u32 s1, $0x151  }
.Ltmp20:
0x28f: {  	_ = 	snop;
	(pc) =	sbr.rel @!p1 .LBB2_26-.Ltmp20, $4  }
0x290: {  	_ = 	snop  }
0x291: {  	_ =	swait.ge [sflag:s31], $0xC000  }
0x292: {  	[sflag:s31] =	ssyncset.done $0x0  }
0x293: {  	[sflag:s31] =	ssyncadd.s32 $0xFFFF4000  }
.Ltmp21:
0x294: {  	(pc) =	sbr.rel @p0 .LBB2_30-.Ltmp21, $1  }
0x295: {  	_ =	sdelay $0x3  }
.Ltmp22:
0x296: {  	(pc) =	sbr.rel .LBB2_29-.Ltmp22, $3  }
0x297: {  	_ =	sdelay $0x1  }
0x298: {  	s0 =	rddreg [dreg:$0x8];
	s1 =	simm.s32 $0x3  }
0x299: {  	[hbm4b:s0+s4] =	stream.linear.scatter [tilespmem:s21], [sflag:$0x3], $0xC000, $0x38;
	[tilespmem:$0x18200] =	vst v63  }
.LBB2_31:
0x29a: {  	_ =	sfence.sel $0x180000  }
0x29b: {  	[bflag:$0x0] =	sbarrier.arrive $0xFFFF  }
0x29c: {  	_ =	strace $0x90000050  }
0x29d: {  	s0 =	stileid.u32;
	[bflag:$0x2] =	sbarrier.arrive $0xFFFF  }
0x29e: {  	p0 =	sne.s32 s0, $0x0;
	s0 =	rddreg [dreg:$0x2]  }
0x29f: {  	s0 =	sadd.s32 @!p0 $0x100000, s0  }
0x2a0: {  	[sflag:s0] =	ssyncadd.tile.s32 @!p0 $0x1;
	_ =	shalt  }
.Lfunc_end2:
_tile_overlayer_lowered:
.L_overlay_start_2:
0x2a1: {  	(tag) =	ssettag $0x2  }
0x2a2: {  	s0 =	rddreg [dreg:$0x0];
	s2 =	stileid.u32  }
0x2a3: {  	s1 =	rddreg [dreg:$0x1];
	p0 =	sne.s32 s2, $0x0  }
0x2a4: {  	s3 =	rddreg [dreg:$0x2];
	[bflag:$0x3] =	sbarrier.arrive $0xFFFF;
	s2 =	simm.s32 @!p0 $0x1C05  }
0x2a5: {  	[timem:s3], [sflag:s2] =	dma.local @!p0 [hbm:s0], s1  }
0x2a6: {  	s0 =	simm.s32 @!p0 $0x5  }
0x2a7: {  	_ =	swait.ge @!p0 [sflag:s0], s1  }
0x2a8: {  	s1 =	ssub.s32 @!p0 $0x0, s1;
	[sflag:s0] =	ssyncset.done @!p0 $0x0  }
0x2a9: {  	[sflag:s0] =	ssyncadd.s32 @!p0 s1  }
0x2aa: {  	[bflag:$0x3] =	sbarrier.arrive $0xFFFF  }
0x2ab: {  	_ =	shalt  }

// kernel: scatter_offload_async_start
scs
__scs_entry_jumppad:
0x0: {  	(pc) =	sbr.rel $0x88, $3  }
0x1: {  	(tag) =	ssettag $0x0;
	lr =	simm.s32 $0x1  }
0x2: {  	[smem:$0x3F94] =	sst lr;
	_ =	strace $0xD0000000  }
0x3: {  	_ = 	snop  }
0x4: {  	_ = 	snop  }
0x5: {  	_ = 	snop  }
0x6: {  	_ = 	snop  }
0x7: {  	_ = 	snop  }
__scs_overlays_trampoline_lowered:
0x8: {  	[smem:$0x3FA3] =	sst s0  }
0x9: {  	[smem:$0x3FA4] =	sst s1  }
0xa: {  	[smem:$0x3FA5] =	sst s2  }
0xb: {  	[smem:$0x3FA6] =	sst s3  }
0xc: {  	[smem:$0x3FA7] =	sst s4  }
0xd: {  	[smem:$0x3FA8] =	sst s5  }
0xe: {  	[smem:$0x3FA9] =	sst s6  }
0xf: {  	[smem:$0x3FAA] =	sst s7  }
0x10: {  	[smem:$0x3FAB] =	sst s8  }
0x11: {  	[smem:$0x3FAC] =	sst s9;
	s0 =	simm.s32 @!p0 $0x0  }
0x12: {  	s1 =	sld [smem:$0x3F92];
	s0 =	simm.s32 @p0 $0x1  }
0x13: {  	[smem:$0x3FAD] =	sst s0;
	s0 =	simm.s32 @!p1 $0x0  }
0x14: {  	s2 =	sld [smem:$0x3F91];
	s0 =	simm.s32 @p1 $0x1  }
0x15: {  	[smem:$0x3FAE] =	sst s0;
	s0 =	simm.s32 @!p2 $0x0  }
0x16: {  	s3 =	sld [smem:$0x3FDB];
	s0 =	simm.s32 @p2 $0x1  }
0x17: {  	s4 =	simm.s32 $0x1BF5;
	[smem:$0x3FB0] =	sst s0  }
0x18: {  	s0 =	sld [smem:$0x3F93];
	_ =	swait.ge [sflag:s4], $0x0  }
0x19: {  	s7 =	sld [smem:$0x3F94]  }
0x1a: {  	s8 =	sadd.s32 $0xFFFFE003, lr  }
0x1b: {  	s9 =	sadd.s32 $0xFFFFFEF7, lr;
	s5 =	simm.s32 $0xFFFFFFFF;
	p2 =	slt.u32 s8, $0xFFFFF086  }
0x1c: {  	p1 =	slt.u32 s9, $0xF7A;
	s5 =	simm.s32 @!p2 $0x0  }
0x1d: {  	s5 =	simm.s32 @p1 $0x1;
	p0 =	seq.s32 s7, s2  }
0x1e: {  	s7 =	smul.u32 @!p0 $0xF7A, s2;
	p2 =	seq.s32 @!p0 s5, $0x0  }
0x1f: {  	s9 =	smul.u32 $0xF7A, s1;
	s8 =	simm.s32 @!p0 $0x1BF5;
	p2 =	por !p2, p0  }
0x20: {  	[sflag:s8] =	ssyncset.s32 @!p0 $0xFFFFF086;
	s6 =	sadd.s32 @!p0 s3, s7;
	s7 =	simm.s32 @!p0 $0x108  }
0x21: {  	s3 =	sadd.s32 s3, s9;
	s6 =	sadd.s32 @!p0 $0x88, s6;
	s7 =	simm.s32 @p2 $0x1082  }
0x22: {  	[simem:s7], [sflag:s8] =	dma.local @!p0 [hbm:s6], $0xF7A  }
0x23: {  	s9 =	sor.u32 $0xD0000000, s2;
	s6 =	simm.s32 $0x108;
	_ =	swait.ge @!p0 [sflag:s8], $0x0  }
0x24: {  	s3 =	sadd.s32 $0x88, s3;
	s6 =	simm.s32 @!p1 $0x1082;
	[sflag:s4] =	ssyncset.s32 $0xFFFFF086  }
0x25: {  	[simem:s6], [sflag:s4] =	dma.local [hbm:s3], $0xF7A  }
0x26: {  	[smem:$0x3F94] =	sst s1;
	(tag) =	ssettag s2;
	_ =	strace s9  }
0x27: {  	s1 =	sld [smem:$0x3FA4]  }
0x28: {  	s2 =	sld [smem:$0x3FA5]  }
0x29: {  	s4 =	sld [smem:$0x3FA7]  }
0x2a: {  	p0 =	seq.s32 s5, $0x0;
	s5 =	sld [smem:$0x3FA8]  }
0x2b: {  	s6 =	sld [smem:$0x3FA9]  }
0x2c: {  	s7 =	sld [smem:$0x3FAA]  }
0x2d: {  	s3 =	simm.s32 $0x108;
	s8 =	sld [smem:$0x3FAB]  }
0x2e: {  	s3 =	simm.s32 @!p0 $0x1082;
	s9 =	sld [smem:$0x3FAC]  }
0x2f: {  	lr =	sadd.s32 s0, s3;
	s0 =	sld [smem:$0x3FA3]  }
0x30: {  	s3 =	sld [smem:$0x3FA6]  }
0x31: {  	[smem:$0x3FAF] =	sst s10  }
0x32: {  	s10 =	sld [smem:$0x3FAD];
	_ =	sdelay $0x3  }
0x33: {  	p0 =	seq.s32 s10, $0x1;
	s10 =	sld [smem:$0x3FAF];
	_ =	sdelay $0x3  }
0x34: {  	[smem:$0x3FAF] =	sst s10  }
0x35: {  	s10 =	sld [smem:$0x3FAE];
	_ =	sdelay $0x3  }
0x36: {  	p1 =	seq.s32 s10, $0x1;
	s10 =	sld [smem:$0x3FAF];
	_ =	sdelay $0x3  }
0x37: {  	[smem:$0x3FAF] =	sst s10  }
0x38: {  	s10 =	sld [smem:$0x3FB0]  }
0x39: {  	_ = 	snop;
	(pc) =	sbr.ind lr, $3  }
0x3a: {  	_ = 	snop  }
0x3b: {  	_ = 	snop  }
0x3c: {  	p2 =	seq.s32 s10, $0x1;
	s10 =	sld [smem:$0x3FAF]  }
0x3d: {  	_ =	shalt  }
0x3e: {  	_ =	shalt  }
0x3f: {  	_ =	shalt  }
0x40: {  	_ =	shalt  }
0x41: {  	_ =	shalt  }
0x42: {  	_ =	shalt  }
0x43: {  	_ =	shalt  }
0x44: {  	_ =	shalt  }
0x45: {  	_ =	shalt  }
0x46: {  	_ =	shalt  }
0x47: {  	_ =	shalt  }
0x48: {  	_ =	shalt  }
0x49: {  	_ =	shalt  }
0x4a: {  	_ =	shalt  }
0x4b: {  	_ =	shalt  }
0x4c: {  	_ =	shalt  }
0x4d: {  	_ =	shalt  }
0x4e: {  	_ =	shalt  }
0x4f: {  	_ =	shalt  }
0x50: {  	_ =	shalt  }
0x51: {  	_ =	shalt  }
0x52: {  	_ =	shalt  }
0x53: {  	_ =	shalt  }
0x54: {  	_ =	shalt  }
0x55: {  	_ =	shalt  }
0x56: {  	_ =	shalt  }
0x57: {  	_ =	shalt  }
0x58: {  	_ =	shalt  }
0x59: {  	_ =	shalt  }
0x5a: {  	_ =	shalt  }
0x5b: {  	_ =	shalt  }
0x5c: {  	_ =	shalt  }
0x5d: {  	_ =	shalt  }
0x5e: {  	_ =	shalt  }
0x5f: {  	_ =	shalt  }
0x60: {  	_ =	shalt  }
0x61: {  	_ =	shalt  }
0x62: {  	_ =	shalt  }
0x63: {  	_ =	shalt  }
0x64: {  	_ =	shalt  }
0x65: {  	_ =	shalt  }
0x66: {  	_ =	shalt  }
0x67: {  	_ =	shalt  }
0x68: {  	_ =	shalt  }
0x69: {  	_ =	shalt  }
0x6a: {  	_ =	shalt  }
0x6b: {  	_ =	shalt  }
0x6c: {  	_ =	shalt  }
0x6d: {  	_ =	shalt  }
0x6e: {  	_ =	shalt  }
0x6f: {  	_ =	shalt  }
0x70: {  	_ =	shalt  }
0x71: {  	_ =	shalt  }
0x72: {  	_ =	shalt  }
0x73: {  	_ =	shalt  }
0x74: {  	_ =	shalt  }
0x75: {  	_ =	shalt  }
0x76: {  	_ =	shalt  }
0x77: {  	_ =	shalt  }
0x78: {  	_ =	shalt  }
0x79: {  	_ =	shalt  }
0x7a: {  	_ =	shalt  }
0x7b: {  	_ =	shalt  }
0x7c: {  	_ =	shalt  }
0x7d: {  	_ =	shalt  }
0x7e: {  	_ =	shalt  }
0x7f: {  	_ =	shalt  }
0x80: {  	_ =	shalt  }
0x81: {  	_ =	shalt  }
0x82: {  	_ =	shalt  }
0x83: {  	_ =	shalt  }
0x84: {  	_ =	shalt  }
0x85: {  	_ =	shalt  }
0x86: {  	_ =	shalt  }
0x87: {  	_ =	shalt  }
.Lfunc_end0:
.L_simem_size_0:
called_computation_lowered:
.L_overlay_start_0:
0x88: {  	s0 =	sld [smem:$0x3FD9]  }
0x89: {  	s1 =	sld [smem:$0x3FFE];
	_ =	sdelay $0x3  }
0x8a: {  	s0 =	sadd.s32 s1, s0  }
0x8b: {  	[smem:$0x3FBB] =	sst s0  }
0x8c: {  	_ = 	snop  }
0x8d: {  	(tm) =	ssettm $0x1  }
0x8e: {  	s15 =	sld [smem:$0x3FFB];
	_ =	sdelay $0x3  }
0x8f: {  	_ =	strace s15  }
0x90: {  	s0 =	sld [smem:$0x3FFC];
	_ =	sdelay $0x3  }
0x91: {  	_ =	strace s0  }
0x92: {  	s0 =	sld [smem:$0x3FFD];
	_ =	sdelay $0x3  }
0x93: {  	_ =	strace s0  }
0x94: {  	_ =	strace $0x8FFFFFFF  }
0x95: {  	s16 =	sld [smem:$0x3FDB];
	_ =	sdelay $0x1  }
0x96: {  	s17 =	simm.s32 $_scs_section_size  }
0x97: {  	s2 =	simm.s32 $_size__tile_overlayer_lowered;
	s3 =	simm.s32 $_tile_overlayer_lowered  }
0x98: {  	s20 =	simm.s32 $0x1BFF;
	s19 =	sshll.u32 s3, $0x1;
	s0 =	sadd.s32 s17, s16  }
0x99: {  	s4 =	simm.s32 $0x0;
	s18 =	sshll.u32 s2, $0x1;
	s2 =	sadd.s32 s19, s0  }
0x9a: {  	[timem:s4], [sflag:s20] =	dma.local [hbm:s2], s18  }
0x9b: {  	_ =	swait.ge [sflag:s20], s18  }
0x9c: {  	s1 =	ssub.s32 $0x0, s18;
	[sflag:s20] =	ssyncset.done $0x0  }
0x9d: {  	[sflag:s20] =	ssyncadd.s32 s1;
	_ =	sdelay $0x1  }
0x9e: {  	s21 =	simm.s32 $0x1B8B  }
0x9f: {  	_ =	swait.ge [sflag:s21], $0x1  }
0xa0: {  	[sflag:s21] =	ssyncset.done $0x0  }
0xa1: {  	s23 =	simm.s32 $0x1B8E;
	s22 =	sld [smem:$0x3FFE];
	[sflag:s21] =	ssyncadd.s32 $0xFFFFFFFF  }
0xa2: {  	s24 =	simm.s32 $execute0_lowered;
	[smem:$0x3FD2] =	sst s23  }
0xa3: {  	s2 =	sshll.u32 s24, $0x1;
	_ =	strace $0x80000046;
	[dreg:$0x1] =	wrdreg $0xFFFFFFFF  }
0xa4: {  	s25 =	simm.s32 $_size_execute0_lowered;
	s0 =	sadd.s32 s0, s2;
	[dreg:$0x0] =	wrdreg $0x0  }
0xa5: {  	s2 =	sshll.u32 s25, $0x1;
	[dreg:$0x2] =	wrdreg s0  }
0xa6: {  	[dreg:$0x3] =	wrdreg s2  }
0xa7: {  	[dreg:$0x4] =	wrdreg $0xC0  }
0xa8: {  	_ =	task [dreg:s4], $0x5FFFF  }
0xa9: {  	[dreg:$0x1] =	wrdreg $0xFFFFFFFF  }
0xaa: {  	[dreg:$0x0] =	wrdreg $0x60  }
0xab: {  	[dreg:$0x2] =	wrdreg s22  }
0xac: {  	[dreg:$0x3] =	wrdreg $0x9  }
0xad: {  	_ =	task.clear_ibuf [dreg:s4], $0x4FFFF;
	_ =	strace $0x90000046  }
0xae: {  	s26 =	simm.s32 $0x9;
	_ =	strace $0x80000048  }
0xaf: {  	_ =	swait.ge [sflag:s26], $0x1  }
0xb0: {  	[sflag:s26] =	ssyncadd.s32 $0xFFFFFFFF  }
0xb1: {  	_ =	strace $0x90000048  }
0xb2: {  	_ =	sfence  }
0xb3: {  	s28 =	sld [smem:$0x0];
	_ =	sdelay $0x1  }
0xb4: {  	s29 =	srdreg.scid  }
0xb5: {  	s30 =	sshll.u32 s29, $0xD;
	s31 =	sshrl.u32 s29, $0x2  }
0xb6: {  	s1 =	sand.u32 $0x1, s29;
	s2 =	sand.u32 $0x4000, s30;
	s0 =	sadd.s32 s31, s28  }
0xb7: {  	s1 =	sor.u32 s2, s1;
	s0 =	sshll.u32 s0, $0x11  }
0xb8: {  	s0 =	sor.u32 s0, s1  }
0xb9: {  	s0 =	sadd.s32 $0x8F2B, s0  }
0xba: {  	[sflag:s0] =	ssyncadd.remote.s32 $0x1  }
0xbb: {  	_ =	sfence.sel $0xFFFF  }
0xbc: {  	[dreg:$0x0] =	wrdreg $0xFFFFFFFF;
	(pc) =	sbr.abs _section_cstart, $3  }
0xbd: {  	[dreg:$0x1] =	wrdreg $0xFFFFFFFF  }
0xbe: {  	_ =	task.clear_ibuf [dreg:s4], $0x2FFFF;
	_ =	strace $0x9FFFFFFF  }
0xbf: {  	(tm) =	ssettm $0x7FFFFFFF  }
tec
execute0_lowered:
.L_overlay_start_1:
0x0: {  	(tag) =	ssettag $0x1  }
0x1: {  	s5 =	rddreg [dreg:$0x0]  }
0x2: {  	s0 =	rddreg [dreg:$0x1];
	_ =	strace $0x80000047;
	s6 =	stileid.u32  }
0x3: {  	s3 =	simm.s32 $0x3E;
	s1 =	sadd.s32 $0x1600, s5;
	p0 =	sne.s32 s6, $0x0  }
0x4: {  	[sflag:s3] =	ssyncpa.u1 $0x0;
	s4 =	simm.s32 @!p0 $0x1C3E;
	s2 =	simm.s32 @!p0 $0x0  }
0x5: {  	[spmem:s2], [sflag:s4] =	dma.local @!p0 [hbm:s1], $0x10  }
0x6: {  	s4 =	simm.s32 @!p0 $0x3E  }
0x7: {  	_ =	swait.ge @!p0 [sflag:s4], $0x10  }
0x8: {  	[sflag:s4] =	ssyncset.done @!p0 $0x0  }
0x9: {  	[sflag:s4] =	ssyncadd.s32 @!p0 $0xFFFFFFF0  }
0xa: {  	s9 =	simm.s32 $0x108;
	s7 =	sadd.s32 $0x1400, s5;
	[bflag:$0x0] =	sbarrier.arrive $0xFFFF  }
0xb: {  	s6 =	sshll.u32 s6, $0x5;
	[sflag:s3] =	ssyncpa.u1 $0x1;
	s3 =	simm.s32 $0x1  }
0xc: {  	s8 =	sadd.s32 s5, s6;
	s4 =	simm.s32 $0x2;
	[sflag:s3] =	ssyncpa.u1 $0x0  }
0xd: {  	s5 =	simm.s32 $0x0;
	(ifvalue) =	ssetifvalue $0x80;
	[sflag:s4] =	ssyncpa.u1 $0x0  }
0xe: {  	[tilespmem:s9], [sflag:$0x2] =	stream.linear.gather [hbm4b:s8+s5], $0x100, $0x38;
	[tilespmem:$0x408] =	vst v63  }
0xf: {  	s23 =	simm.s32 $0x308;
	s6 =	sadd.s32 s7, s6  }
0x10: {  	[tilespmem:s23], [sflag:$0x2] =	stream.linear.gather [hbm4b:s6+s5], $0x100, $0x38;
	[tilespmem:$0x408] =	vst v63  }
0x11: {  	_ =	swait.ge [sflag:s4], $0x200  }
0x12: {  	[sflag:s4] =	ssyncset.done $0x0  }
0x13: {  	[sflag:s4] =	ssyncadd.s32 $0xFFFFFE00  }
0x14: {  	v0 =	vld.msk [tilespmem:s9+$0x0 ss:$0x1], $0xffff;
	_ =	sdelay $0x4  }
0x15: {  	v0 =	vmin.u32 v0, $0x80;
	_ =	sdelay $0x3  }
0x16: {  	vm0 =	vmmov $0xffff;
	s24 =	simm.s32 $0x118  }
0x17: {  	[spmem:s5] =	stream.indirect_vreg.scatter.add.s32 [tilespmem:s23], [sflag:$0x1], $0x1, v0, vm0, $0x4038;
	[tilespmem:$0x408] =	vst v63  }
0x18: {  	v0 =	vld.msk [tilespmem:s24+$0x0 ss:$0x1], $0xffff;
	_ =	sdelay $0x4  }
0x19: {  	v0 =	vmin.u32 v0, $0x80;
	_ =	sdelay $0x3  }
0x1a: {  	s25 =	simm.s32 $0x318;
	s26 =	simm.s32 $0x128  }
0x1b: {  	[spmem:s5] =	stream.indirect_vreg.scatter.add.s32 [tilespmem:s25], [sflag:$0x1], $0x1, v0, vm0, $0x4038;
	[tilespmem:$0x408] =	vst v63  }
0x1c: {  	v0 =	vld.msk [tilespmem:s26+$0x0 ss:$0x1], $0xffff;
	_ =	sdelay $0x4  }
0x1d: {  	v0 =	vmin.u32 v0, $0x80;
	_ =	sdelay $0x3  }
0x1e: {  	s28 =	simm.s32 $0x328;
	s29 =	simm.s32 $0x138  }
0x1f: {  	[spmem:s5] =	stream.indirect_vreg.scatter.add.s32 [tilespmem:s28], [sflag:$0x1], $0x1, v0, vm0, $0x4038;
	[tilespmem:$0x408] =	vst v63  }
0x20: {  	v0 =	vld.msk [tilespmem:s29+$0x0 ss:$0x1], $0xffff;
	_ =	sdelay $0x4  }
0x21: {  	v0 =	vmin.u32 v0, $0x80;
	_ =	sdelay $0x3  }
0x22: {  	s30 =	simm.s32 $0x338;
	s31 =	simm.s32 $0x148  }
0x23: {  	[spmem:s5] =	stream.indirect_vreg.scatter.add.s32 [tilespmem:s30], [sflag:$0x1], $0x1, v0, vm0, $0x4038;
	[tilespmem:$0x408] =	vst v63  }
0x24: {  	v0 =	vld.msk [tilespmem:s31+$0x0 ss:$0x1], $0xffff;
	_ =	sdelay $0x4  }
0x25: {  	v0 =	vmin.u32 v0, $0x80;
	_ =	sdelay $0x3  }
0x26: {  	s7 =	simm.s32 $0x348;
	s8 =	simm.s32 $0x158  }
0x27: {  	[spmem:s5] =	stream.indirect_vreg.scatter.add.s32 [tilespmem:s7], [sflag:$0x1], $0x1, v0, vm0, $0x4038;
	[tilespmem:$0x408] =	vst v63  }
0x28: {  	v0 =	vld.msk [tilespmem:s8+$0x0 ss:$0x1], $0xffff;
	_ =	sdelay $0x4  }
0x29: {  	v0 =	vmin.u32 v0, $0x80;
	_ =	sdelay $0x3  }
0x2a: {  	s10 =	simm.s32 $0x168;
	s9 =	simm.s32 $0x358  }
0x2b: {  	[spmem:s5] =	stream.indirect_vreg.scatter.add.s32 [tilespmem:s9], [sflag:$0x1], $0x1, v0, vm0, $0x4038;
	[tilespmem:$0x408] =	vst v63  }
0x2c: {  	v0 =	vld.msk [tilespmem:s10+$0x0 ss:$0x1], $0xffff;
	_ =	sdelay $0x4  }
0x2d: {  	v0 =	vmin.u32 v0, $0x80;
	_ =	sdelay $0x3  }
0x2e: {  	s11 =	simm.s32 $0x368;
	s12 =	simm.s32 $0x178  }
0x2f: {  	[spmem:s5] =	stream.indirect_vreg.scatter.add.s32 [tilespmem:s11], [sflag:$0x1], $0x1, v0, vm0, $0x4038;
	[tilespmem:$0x408] =	vst v63  }
0x30: {  	v0 =	vld.msk [tilespmem:s12+$0x0 ss:$0x1], $0xffff;
	_ =	sdelay $0x4  }
0x31: {  	v0 =	vmin.u32 v0, $0x80;
	_ =	sdelay $0x3  }
0x32: {  	s13 =	simm.s32 $0x378;
	s14 =	simm.s32 $0x188  }
0x33: {  	[spmem:s5] =	stream.indirect_vreg.scatter.add.s32 [tilespmem:s13], [sflag:$0x1], $0x1, v0, vm0, $0x4038;
	[tilespmem:$0x408] =	vst v63  }
0x34: {  	v0 =	vld.msk [tilespmem:s14+$0x0 ss:$0x1], $0xffff;
	_ =	sdelay $0x4  }
0x35: {  	v0 =	vmin.u32 v0, $0x80;
	_ =	sdelay $0x3  }
0x36: {  	s15 =	simm.s32 $0x388;
	s16 =	simm.s32 $0x198  }
0x37: {  	[spmem:s5] =	stream.indirect_vreg.scatter.add.s32 [tilespmem:s15], [sflag:$0x1], $0x1, v0, vm0, $0x4038;
	[tilespmem:$0x408] =	vst v63  }
0x38: {  	v0 =	vld.msk [tilespmem:s16+$0x0 ss:$0x1], $0xffff;
	_ =	sdelay $0x4  }
0x39: {  	v0 =	vmin.u32 v0, $0x80;
	_ =	sdelay $0x3  }
0x3a: {  	s17 =	simm.s32 $0x398;
	s18 =	simm.s32 $0x1A8  }
0x3b: {  	[spmem:s5] =	stream.indirect_vreg.scatter.add.s32 [tilespmem:s17], [sflag:$0x1], $0x1, v0, vm0, $0x4038;
	[tilespmem:$0x408] =	vst v63  }
0x3c: {  	v0 =	vld.msk [tilespmem:s18+$0x0 ss:$0x1], $0xffff;
	_ =	sdelay $0x4  }
0x3d: {  	v0 =	vmin.u32 v0, $0x80;
	_ =	sdelay $0x3  }
0x3e: {  	s19 =	simm.s32 $0x3A8;
	s20 =	simm.s32 $0x1B8  }
0x3f: {  	[spmem:s5] =	stream.indirect_vreg.scatter.add.s32 [tilespmem:s19], [sflag:$0x1], $0x1, v0, vm0, $0x4038;
	[tilespmem:$0x408] =	vst v63  }
0x40: {  	v0 =	vld.msk [tilespmem:s20+$0x0 ss:$0x1], $0xffff;
	_ =	sdelay $0x4  }
0x41: {  	v0 =	vmin.u32 v0, $0x80;
	_ =	sdelay $0x3  }
0x42: {  	s21 =	simm.s32 $0x3B8;
	s22 =	simm.s32 $0x1C8  }
0x43: {  	[spmem:s5] =	stream.indirect_vreg.scatter.add.s32 [tilespmem:s21], [sflag:$0x1], $0x1, v0, vm0, $0x4038;
	[tilespmem:$0x408] =	vst v63  }
0x44: {  	v0 =	vld.msk [tilespmem:s22+$0x0 ss:$0x1], $0xffff;
	_ =	sdelay $0x4  }
0x45: {  	v0 =	vmin.u32 v0, $0x80;
	_ =	sdelay $0x3  }
0x46: {  	s23 =	simm.s32 $0x3C8;
	s24 =	simm.s32 $0x1D8  }
0x47: {  	[spmem:s5] =	stream.indirect_vreg.scatter.add.s32 [tilespmem:s23], [sflag:$0x1], $0x1, v0, vm0, $0x4038;
	[tilespmem:$0x408] =	vst v63  }
0x48: {  	v0 =	vld.msk [tilespmem:s24+$0x0 ss:$0x1], $0xffff;
	_ =	sdelay $0x4  }
0x49: {  	v0 =	vmin.u32 v0, $0x80;
	_ =	sdelay $0x3  }
0x4a: {  	s25 =	simm.s32 $0x3D8;
	s26 =	simm.s32 $0x1E8  }
0x4b: {  	[spmem:s5] =	stream.indirect_vreg.scatter.add.s32 [tilespmem:s25], [sflag:$0x1], $0x1, v0, vm0, $0x4038;
	[tilespmem:$0x408] =	vst v63  }
0x4c: {  	v0 =	vld.msk [tilespmem:s26+$0x0 ss:$0x1], $0xffff;
	_ =	sdelay $0x4  }
0x4d: {  	v0 =	vmin.u32 v0, $0x80;
	_ =	sdelay $0x3  }
0x4e: {  	s28 =	simm.s32 $0x3E8;
	s29 =	simm.s32 $0x1F8  }
0x4f: {  	[spmem:s5] =	stream.indirect_vreg.scatter.add.s32 [tilespmem:s28], [sflag:$0x1], $0x1, v0, vm0, $0x4038;
	[tilespmem:$0x408] =	vst v63  }
0x50: {  	v0 =	vld.msk [tilespmem:s29+$0x0 ss:$0x1], $0xffff;
	_ =	sdelay $0x4  }
0x51: {  	v0 =	vmin.u32 v0, $0x80;
	_ =	sdelay $0x3  }
0x52: {  	s30 =	simm.s32 $0x3F8  }
0x53: {  	[spmem:s5] =	stream.indirect_vreg.scatter.add.s32 [tilespmem:s30], [sflag:$0x1], $0x1, v0, vm0, $0x4038;
	[tilespmem:$0x408] =	vst v63  }
0x54: {  	_ =	swait.ge [sflag:s3], $0x100  }
0x55: {  	[sflag:s3] =	ssyncset.done $0x0  }
0x56: {  	[sflag:s3] =	ssyncadd.s32 $0xFFFFFF00  }
0x57: {  	_ =	sfence.sel $0x180000  }
0x58: {  	[bflag:$0x0] =	sbarrier.arrive $0xFFFF  }
0x59: {  	[sflag:s4] =	ssyncpa.u1 $0x1  }
0x5a: {  	[sflag:s3] =	ssyncpa.u1 $0x1  }
0x5b: {  	_ =	sfence.stream.spmem  }
0x5c: {  	s31 =	simm.s32 $0x3D;
	[bflag:$0x0] =	sbarrier.arrive $0xFFFF  }
0x5d: {  	s3 =	simm.s32 @p0 $0x3D;
	[sflag:s31] =	ssyncpa.u1 $0x0  }
0x5e: {  	[sflag:s3] =	ssyncpa.u1 @p0 $0x1  }
0x5f: {  	[bflag:$0x0] =	sbarrier.arrive @p0 $0xFFFF  }
0x60: {  	_ =	strace @p0 $0x90000047  }
0x61: {  	s3 =	simm.s32 @!p0 $0x1C3D;
	[bflag:$0x2] =	sbarrier.arrive @p0 $0xFFFF  }
0x62: {  	[hbm:s1], [sflag:s3] =	dma.local @!p0 [spmem:s2], $0x10  }
0x63: {  	s1 =	simm.s32 @!p0 $0x3D  }
0x64: {  	_ =	swait.ge @!p0 [sflag:s1], $0x10  }
0x65: {  	[sflag:s1] =	ssyncset.done @!p0 $0x0  }
0x66: {  	[sflag:s1] =	ssyncadd.s32 @!p0 $0xFFFFFFF0  }
0x67: {  	[sflag:s1] =	ssyncpa.u1 @!p0 $0x1  }
0x68: {  	[bflag:$0x0] =	sbarrier.arrive @!p0 $0xFFFF  }
0x69: {  	_ =	strace @!p0 $0x90000047  }
0x6a: {  	s0 =	sadd.s32 @!p0 $0x100000, s0;
	[bflag:$0x2] =	sbarrier.arrive @!p0 $0xFFFF  }
0x6b: {  	[sflag:s0] =	ssyncadd.tile.s32 @!p0 $0x1;
	_ =	shalt  }
.Lfunc_end2:
_tile_overlayer_lowered:
.L_overlay_start_2:
0x6c: {  	(tag) =	ssettag $0x2  }
0x6d: {  	s0 =	rddreg [dreg:$0x0];
	s2 =	stileid.u32  }
0x6e: {  	s1 =	rddreg [dreg:$0x1];
	p0 =	sne.s32 s2, $0x0  }
0x6f: {  	s3 =	rddreg [dreg:$0x2];
	[bflag:$0x3] =	sbarrier.arrive $0xFFFF;
	s2 =	simm.s32 @!p0 $0x1C01  }
0x70: {  	[timem:s3], [sflag:s2] =	dma.local @!p0 [hbm:s0], s1  }
0x71: {  	s0 =	simm.s32 @!p0 $0x1  }
0x72: {  	_ =	swait.ge @!p0 [sflag:s0], s1  }
0x73: {  	s1 =	ssub.s32 @!p0 $0x0, s1;
	[sflag:s0] =	ssyncset.done @!p0 $0x0  }
0x74: {  	[sflag:s0] =	ssyncadd.s32 @!p0 s1  }
0x75: {  	[bflag:$0x3] =	sbarrier.arrive $0xFFFF  }
0x76: {  	_ =	shalt  }

</sc_bundles>
